<compile_context>
chip_gen: v7x
topology: tpu7x:2x2x1
jax: 0.10.2.dev20260603
libtpu: 0.0.44.dev20260713+nightly
codegen_flags: <defaults>
</compile_context>

<pallas_src>
import functools

import jax
import jax.numpy as jnp
from jax import lax
from jax.experimental import pallas as pl
from jax.experimental.pallas import tpu as pltpu
from jax.experimental.pallas import tpu_sc as plsc

_B = 16384
_F = 39
_NCAT = 26
_NCONT = _F - _NCAT
_V = 100000
_D = 16
_EPS = 1e-5
_OUTW = _NCAT * _D + _NCONT

_NW = 32
_BCH = 2048
_NBCH = _B // _BCH
_UNROLL = 8


def _prelude_body(xT_ref, gamma_ref, beta_ref, contT_ref):
    xc = xT_ref[_NCAT:, :]
    mean = jnp.mean(xc, axis=1, keepdims=True)
    var = jnp.mean((xc - mean) ** 2, axis=1, keepdims=True)
    inv = lax.rsqrt(var + _EPS)
    contT_ref[...] = (xc - mean) * inv * gamma_ref[...] + beta_ref[...]


def _sc_body(xT, tablesT, contT, outT, row_v, idx_v, outb_v, sem_r, sem_i, sem_o):
    wid = lax.axis_index("s") * 2 + lax.axis_index("c")
    start = wid * 13

    def cat_task(t, f, prev_f):
        cp_row = pltpu.async_copy(tablesT.at[f, t & 15, :], row_v, sem_r)

        @pl.when(f != prev_f)
        def _():
            def conv_chunk(c, carry2):
                b0 = c * _BCH
                pltpu.sync_copy(xT.at[f, pl.ds(b0, _BCH)], outb_v.at[0])

                def conv_body(g, carry3):
                    for j in range(_UNROLL):
                        o = (g * _UNROLL + j) * 16
                        idx_v[pl.ds(b0 + o, 16)] = outb_v[0, pl.ds(o, 16)].astype(
                            jnp.int32
                        )
                    return carry3

                lax.fori_loop(0, _BCH // 16 // _UNROLL, conv_body, 0)
                return carry2

            lax.fori_loop(0, _NBCH, conv_chunk, 0)

        cp_row.wait()
        cp_o = [None, None, None, None]
        for c in range(_NBCH):
            buf = c % 4
            if cp_o[buf] is not None:
                cp_o[buf].wait()
            b0 = c * _BCH

            def g_body(g, carry3):
                for j in range(_UNROLL):
                    o = (g * _UNROLL + j) * 16
                    idx16 = idx_v[pl.ds(b0 + o, 16)]
                    outb_v[buf, pl.ds(o, 16)] = plsc.load_gather(row_v, [idx16])
                return carry3

            lax.fori_loop(0, _BCH // 16 // _UNROLL, g_body, 0)
            cp_o[buf] = pltpu.async_copy(
                outb_v.at[buf], outT.at[t, pl.ds(b0, _BCH)], sem_o
            )
        for cp in cp_o:
            cp.wait()

    def cont_task(t):
        pltpu.sync_copy(contT.at[t - _NCAT * _D, :], row_v.at[pl.ds(0, _B)])
        pltpu.sync_copy(row_v.at[pl.ds(0, _B)], outT.at[t, :])

    def task_body(k, prev_f):
        t = start + k
        f = t >> 4
        cat_task(t, f, prev_f)
        return f

    lax.fori_loop(0, 13, task_body, jnp.int32(-1))

    @pl.when(wid < _NCONT)
    def _():
        cont_task(_NCAT * _D + wid)


@jax.jit
def kernel(x, tables, gamma, beta):
    xT = x.T
    tablesT = jnp.transpose(tables, (0, 2, 1))

    contT = pl.pallas_call(
        _prelude_body,
        out_shape=jax.ShapeDtypeStruct((_NCONT, _B), jnp.float32),
    )(xT, gamma.reshape(_NCONT, 1), beta.reshape(_NCONT, 1))

    sc_call = pl.kernel(
        _sc_body,
        out_type=jax.ShapeDtypeStruct((_OUTW, _B), jnp.float32),
        mesh=plsc.VectorSubcoreMesh(core_axis_name="c", subcore_axis_name="s"),
        scratch_types=[
            pltpu.VMEM((_V,), jnp.float32),
            pltpu.VMEM((_B,), jnp.int32),
            pltpu.VMEM((4, _BCH), jnp.float32),
            pltpu.SemaphoreType.DMA,
            pltpu.SemaphoreType.DMA,
            pltpu.SemaphoreType.DMA,
        ],
        compiler_params=pltpu.CompilerParams(
            use_tc_tiling_on_sc=True, needs_layout_passes=False
        ),
    )
    outT = sc_call(xT, tablesT, contT)
    return outT.T

# --- scband reference (transcript-rebuilt; emitter-appended) ---
"""Pipeline reference for scband-embedding-13718125543660 (READ-ONLY COPY).

The authoritative reference and input builder live on the scoring server;
editing this copy changes nothing except your own understanding.
"""

import jax, jax.numpy as jnp
import numpy as np

B = 16384
F = 39
NCAT = 26
NCONT = F - NCAT
V = 100000
D = 16
EPS = 1e-5


def setup_inputs(seed: int = 0) -> dict:
    key = jax.random.key(seed)
    k1, k2, k3, k4 = jax.random.split(key, 4)
    # x holds integer-valued entries; the first NCAT columns are used as
    # embedding indices, the remaining NCONT columns as continuous features.
    x = jax.random.randint(k1, (B, F), 0, V).astype(jnp.float32)
    # 26 embedding tables of shape [V, D], stacked into one array [NCAT, V, D]
    tables = jax.random.normal(k2, (NCAT, V, D), dtype=jnp.float32) * 0.02
    # BatchNorm1d affine params over the 13 continuous features
    gamma = jnp.ones((NCONT,), dtype=jnp.float32)
    beta = jnp.zeros((NCONT,), dtype=jnp.float32)
    return {"x": x, "tables": tables, "gamma": gamma, "beta": beta}


def reference(x, tables, gamma, beta):
    # categorical part: per-field embedding lookup
    idx = x[:, :NCAT].astype(jnp.int32)  # [B, NCAT]
    field = jnp.arange(NCAT)[None, :]    # [1, NCAT]
    emb = tables[field, idx]             # gather -> [B, NCAT, D]
    cat_out = emb.reshape(B, NCAT * D)
    # dropout is identity in eval mode
    # continuous part: BatchNorm1d with batch statistics (training mode)
    x_cont = x[:, NCAT:]
    mean = jnp.mean(x_cont, axis=0)
    var = jnp.var(x_cont, axis=0)
    cont_out = (x_cont - mean) / jnp.sqrt(var + EPS) * gamma + beta
    return jnp.concatenate([cat_out, cont_out], axis=1)

if __name__ == "__main__":
    import jax
    _d = setup_inputs()
    print(jax.jit(kernel)(*tuple(_d.values())))

</pallas_src>

<mosaic_0001>
#map = affine_map<(d0, d1) -> (0, 0)>
#map1 = affine_map<(d0, d1) -> (0, 0, 0)>
module attributes {stable_mosaic.version = 14 : i64} {
  func.func @_sc_body(%arg0: i32, %arg1: i32, %arg2: memref<39x16384xf32, #tpu.memory_space<hbm>>, %arg3: memref<26x16x100000xf32, #tpu.memory_space<hbm>>, %arg4: memref<13x16384xf32, #tpu.memory_space<hbm>>, %arg5: memref<429x16384xf32, #tpu.memory_space<hbm>>, %arg6: memref<100000xf32, #tpu.memory_space<vmem>>, %arg7: memref<16384xi32, #tpu.memory_space<vmem>>, %arg8: memref<4x2048xf32, #tpu.memory_space<vmem>>, %arg9: memref<!tpu.dma_semaphore, #tpu.memory_space<semaphore_mem>>, %arg10: memref<!tpu.dma_semaphore, #tpu.memory_space<semaphore_mem>>, %arg11: memref<!tpu.dma_semaphore, #tpu.memory_space<semaphore_mem>>) attributes {dimension_semantics = [#tpu.dimension_semantics<core_parallel>, #tpu.dimension_semantics<subcore_parallel>], iteration_bounds = array<i64: 2, 16>, scalar_prefetch = 0 : i64, scratch_operands = 6 : i64, tpu.core_type = #tpu.core_type<sc_vector_subcore>, window_params = [{transform_indices = #map}, {transform_indices = #map1}, {transform_indices = #map}, {transform_indices = #map}]} {
    %mul3A = arith.constant 2 : i32
    %mul3A_0 = arith.muli %arg1, %mul3A : i32
    %add3A = arith.addi %mul3A_0, %arg0 : i32
    %mul3A_1 = arith.constant 13 : i32
    %mul3A_2 = arith.muli %add3A, %mul3A_1 : i32
    %scan3A = arith.constant -1 : i32
    %scan3A_3 = arith.constant 0 : i32
    %scan3A_4 = arith.constant 13 : i32
    %scan3A_5 = arith.addi %scan3A_3, %scan3A_4 : i32
    %scan3A_6 = arith.constant 1 : i32
    %scan3A_7 = scf.for %scan3A_11 = %scan3A_3 to %scan3A_5 step %scan3A_6 iter_args(%scan3A_12 = %scan3A) -> (i32)  : i32 {
      %add3A_13 = arith.addi %mul3A_2, %scan3A_11 : i32
      %shift_right_arithmetic3A = arith.constant 4 : i32
      %shift_right_arithmetic3A_14 = arith.shrsi %add3A_13, %shift_right_arithmetic3A : i32
      %and3A = arith.constant 15 : i32
      %and3A_15 = arith.andi %add3A_13, %and3A : i32
      %dma_start3A = arith.constant 0 : i32
      %dma_start3A_16 = tpu.memref_slice %arg3[%shift_right_arithmetic3A_14, %and3A_15, %dma_start3A] : memref<26x16x100000xf32, #tpu.memory_space<hbm>> -> memref<1x1x100000xf32, #tpu.memory_space<hbm>>
      %dma_start3A_17 = tpu.memref_squeeze %dma_start3A_16 : memref<1x1x100000xf32, #tpu.memory_space<hbm>> -> memref<100000xf32, #tpu.memory_space<hbm>>
      %dma_start3A_18 = arith.constant 0 : i32
      %dma_start3A_19 = tpu.memref_slice %arg3[%shift_right_arithmetic3A_14, %and3A_15, %dma_start3A_18] : memref<26x16x100000xf32, #tpu.memory_space<hbm>> -> memref<1x1x100000xf32, #tpu.memory_space<hbm>>
      %dma_start3A_20 = tpu.memref_squeeze %dma_start3A_19 : memref<1x1x100000xf32, #tpu.memory_space<hbm>> -> memref<100000xf32, #tpu.memory_space<hbm>>
      tpu.enqueue_dma source(%dma_start3A_20 : memref<100000xf32, #tpu.memory_space<hbm>>) target(%arg6 : memref<100000xf32, #tpu.memory_space<vmem>>) target_semaphore(%arg9 : memref<!tpu.dma_semaphore, #tpu.memory_space<semaphore_mem>>)
      %ne3A = arith.cmpi ne, %shift_right_arithmetic3A_14, %scan3A_12 : i32
      %convert_element_type3A_21 = arith.extui %ne3A : i1 to i32
      %cond3A_22 = arith.constant 0 : i32
      %cond3A_23 = arith.cmpi ne, %convert_element_type3A_21, %cond3A_22 : i32
      scf.if %cond3A_23 {
        %scan3A_285 = arith.constant 0 : i32
        %scan3A_286 = arith.constant 0 : i32
        %scan3A_287 = arith.constant 8 : i32
        %scan3A_288 = arith.addi %scan3A_286, %scan3A_287 : i32
        %scan3A_289 = arith.constant 1 : i32
        scf.for %scan3A_291 = %scan3A_286 to %scan3A_288 step %scan3A_289  : i32 {
          %mul3A_292 = arith.constant 2048 : i32
          %mul3A_293 = arith.muli %scan3A_291, %mul3A_292 : i32
          %run_scoped3A = arith.constant 0 : i32
          "tpu.region"() ({
            %run_scoped3A_300 = tpu.sem_alloc : memref<!tpu.dma_semaphore, #tpu.memory_space<semaphore_mem>>
            %dma_start3A_301 = arith.constant 0 : i32
            %dma_start3A_302 = tpu.memref_slice %arg8[%run_scoped3A, %dma_start3A_301] : memref<4x2048xf32, #tpu.memory_space<vmem>> -> memref<1x2048xf32, #tpu.memory_space<vmem>>
            %dma_start3A_303 = tpu.memref_squeeze %dma_start3A_302 : memref<1x2048xf32, #tpu.memory_space<vmem>> -> memref<2048xf32, #tpu.memory_space<vmem>>
            %dma_start3A_304 = tpu.memref_slice %arg2[%shift_right_arithmetic3A_14, %mul3A_293] : memref<39x16384xf32, #tpu.memory_space<hbm>> -> memref<1x2048xf32, #tpu.memory_space<hbm>>
            %dma_start3A_305 = tpu.memref_squeeze %dma_start3A_304 : memref<1x2048xf32, #tpu.memory_space<hbm>> -> memref<2048xf32, #tpu.memory_space<hbm>>
            %dma_start3A_306 = arith.constant 0 : i32
            %dma_start3A_307 = tpu.memref_slice %arg8[%run_scoped3A, %dma_start3A_306] : memref<4x2048xf32, #tpu.memory_space<vmem>> -> memref<1x2048xf32, #tpu.memory_space<vmem>>
            %dma_start3A_308 = tpu.memref_squeeze %dma_start3A_307 : memref<1x2048xf32, #tpu.memory_space<vmem>> -> memref<2048xf32, #tpu.memory_space<vmem>>
            %dma_start3A_309 = tpu.memref_slice %arg2[%shift_right_arithmetic3A_14, %mul3A_293] : memref<39x16384xf32, #tpu.memory_space<hbm>> -> memref<1x2048xf32, #tpu.memory_space<hbm>>
            %dma_start3A_310 = tpu.memref_squeeze %dma_start3A_309 : memref<1x2048xf32, #tpu.memory_space<hbm>> -> memref<2048xf32, #tpu.memory_space<hbm>>
            tpu.enqueue_dma source(%dma_start3A_310 : memref<2048xf32, #tpu.memory_space<hbm>>) target(%dma_start3A_308 : memref<2048xf32, #tpu.memory_space<vmem>>) target_semaphore(%run_scoped3A_300 : memref<!tpu.dma_semaphore, #tpu.memory_space<semaphore_mem>>)
            %dma_wait3A_311 = arith.constant 0 : i32
            %dma_wait3A_312 = tpu.memref_slice %arg8[%run_scoped3A, %dma_wait3A_311] : memref<4x2048xf32, #tpu.memory_space<vmem>> -> memref<1x2048xf32, #tpu.memory_space<vmem>>
            %dma_wait3A_313 = tpu.memref_squeeze %dma_wait3A_312 : memref<1x2048xf32, #tpu.memory_space<vmem>> -> memref<2048xf32, #tpu.memory_space<vmem>>
            %dma_wait3A_314 = tpu.memref_slice %arg2[%shift_right_arithmetic3A_14, %mul3A_293] : memref<39x16384xf32, #tpu.memory_space<hbm>> -> memref<1x2048xf32, #tpu.memory_space<hbm>>
            %dma_wait3A_315 = tpu.memref_squeeze %dma_wait3A_314 : memref<1x2048xf32, #tpu.memory_space<hbm>> -> memref<2048xf32, #tpu.memory_space<hbm>>
            %dma_wait3A_316 = arith.constant 0 : i32
            %dma_wait3A_317 = tpu.memref_slice %arg8[%run_scoped3A, %dma_wait3A_316] : memref<4x2048xf32, #tpu.memory_space<vmem>> -> memref<1x2048xf32, #tpu.memory_space<vmem>>
            %dma_wait3A_318 = tpu.memref_squeeze %dma_wait3A_317 : memref<1x2048xf32, #tpu.memory_space<vmem>> -> memref<2048xf32, #tpu.memory_space<vmem>>
            %dma_wait3A_319 = tpu.memref_slice %arg2[%shift_right_arithmetic3A_14, %mul3A_293] : memref<39x16384xf32, #tpu.memory_space<hbm>> -> memref<1x2048xf32, #tpu.memory_space<hbm>>
            %dma_wait3A_320 = tpu.memref_squeeze %dma_wait3A_319 : memref<1x2048xf32, #tpu.memory_space<hbm>> -> memref<2048xf32, #tpu.memory_space<hbm>>
            tpu.wait_dma2 semaphore(%run_scoped3A_300 : memref<!tpu.dma_semaphore, #tpu.memory_space<semaphore_mem>>) src(%dma_wait3A_320 : memref<2048xf32, #tpu.memory_space<hbm>>) dst(%dma_wait3A_318 : memref<2048xf32, #tpu.memory_space<vmem>>)
            tpu.yield
          }) : () -> ()
          %scan3A_294 = arith.constant 0 : i32
          %scan3A_295 = arith.constant 0 : i32
          %scan3A_296 = arith.constant 16 : i32
          %scan3A_297 = arith.addi %scan3A_295, %scan3A_296 : i32
          %scan3A_298 = arith.constant 1 : i32
          scf.for %scan3A_300 = %scan3A_295 to %scan3A_297 step %scan3A_298  : i32 {
            %mul3A_301 = arith.constant 8 : i32
            %mul3A_302 = arith.muli %scan3A_300, %mul3A_301 : i32
            %add3A_303 = arith.constant 0 : i32
            %add3A_304 = arith.addi %mul3A_302, %add3A_303 : i32
            %mul3A_305 = arith.constant 16 : i32
            %mul3A_306 = arith.muli %add3A_304, %mul3A_305 : i32
            %get3A = arith.constant 0 : i32
            %get3A_307 = arith.index_cast %get3A : i32 to index
            %get3A_308 = arith.index_cast %mul3A_306 : i32 to index
            %get3A_309 = tpu.vector_load %arg8[%get3A_307, %get3A_308] {strides = array<i32>} : memref<4x2048xf32, #tpu.memory_space<vmem>>, vector<16xf32>,
            %convert_element_type3A_310 = arith.fptosi %get3A_309 : vector<16xf32> to vector<16xi32>
            %add3A_311 = arith.addi %mul3A_293, %mul3A_306 : i32
            %swap3A = arith.index_cast %add3A_311 : i32 to index
            %swap3A_312 = tpu.vector_load %arg7[%swap3A] {strides = array<i32>} : memref<16384xi32, #tpu.memory_space<vmem>>, vector<16xi32>,
            tpu.vector_store %arg7[%swap3A], %convert_element_type3A_310 {strides = array<i32>} : memref<16384xi32, #tpu.memory_space<vmem>>, vector<16xi32>,
            %mul3A_313 = arith.constant 8 : i32
            %mul3A_314 = arith.muli %scan3A_300, %mul3A_313 : i32
            %add3A_315 = arith.constant 1 : i32
            %add3A_316 = arith.addi %mul3A_314, %add3A_315 : i32
            %mul3A_317 = arith.constant 16 : i32
            %mul3A_318 = arith.muli %add3A_316, %mul3A_317 : i32
            %get3A_319 = arith.constant 0 : i32
            %get3A_320 = arith.index_cast %get3A_319 : i32 to index
            %get3A_321 = arith.index_cast %mul3A_318 : i32 to index
            %get3A_322 = tpu.vector_load %arg8[%get3A_320, %get3A_321] {strides = array<i32>} : memref<4x2048xf32, #tpu.memory_space<vmem>>, vector<16xf32>,
            %convert_element_type3A_323 = arith.fptosi %get3A_322 : vector<16xf32> to vector<16xi32>
            %add3A_324 = arith.addi %mul3A_293, %mul3A_318 : i32
            %swap3A_325 = arith.index_cast %add3A_324 : i32 to index
            %swap3A_326 = tpu.vector_load %arg7[%swap3A_325] {strides = array<i32>} : memref<16384xi32, #tpu.memory_space<vmem>>, vector<16xi32>,
            tpu.vector_store %arg7[%swap3A_325], %convert_element_type3A_323 {strides = array<i32>} : memref<16384xi32, #tpu.memory_space<vmem>>, vector<16xi32>,
            %mul3A_327 = arith.constant 8 : i32
            %mul3A_328 = arith.muli %scan3A_300, %mul3A_327 : i32
            %add3A_329 = arith.constant 2 : i32
            %add3A_330 = arith.addi %mul3A_328, %add3A_329 : i32
            %mul3A_331 = arith.constant 16 : i32
            %mul3A_332 = arith.muli %add3A_330, %mul3A_331 : i32
            %get3A_333 = arith.constant 0 : i32
            %get3A_334 = arith.index_cast %get3A_333 : i32 to index
            %get3A_335 = arith.index_cast %mul3A_332 : i32 to index
            %get3A_336 = tpu.vector_load %arg8[%get3A_334, %get3A_335] {strides = array<i32>} : memref<4x2048xf32, #tpu.memory_space<vmem>>, vector<16xf32>,
            %convert_element_type3A_337 = arith.fptosi %get3A_336 : vector<16xf32> to vector<16xi32>
            %add3A_338 = arith.addi %mul3A_293, %mul3A_332 : i32
            %swap3A_339 = arith.index_cast %add3A_338 : i32 to index
            %swap3A_340 = tpu.vector_load %arg7[%swap3A_339] {strides = array<i32>} : memref<16384xi32, #tpu.memory_space<vmem>>, vector<16xi32>,
            tpu.vector_store %arg7[%swap3A_339], %convert_element_type3A_337 {strides = array<i32>} : memref<16384xi32, #tpu.memory_space<vmem>>, vector<16xi32>,
            %mul3A_341 = arith.constant 8 : i32
            %mul3A_342 = arith.muli %scan3A_300, %mul3A_341 : i32
            %add3A_343 = arith.constant 3 : i32
            %add3A_344 = arith.addi %mul3A_342, %add3A_343 : i32
            %mul3A_345 = arith.constant 16 : i32
            %mul3A_346 = arith.muli %add3A_344, %mul3A_345 : i32
            %get3A_347 = arith.constant 0 : i32
            %get3A_348 = arith.index_cast %get3A_347 : i32 to index
            %get3A_349 = arith.index_cast %mul3A_346 : i32 to index
            %get3A_350 = tpu.vector_load %arg8[%get3A_348, %get3A_349] {strides = array<i32>} : memref<4x2048xf32, #tpu.memory_space<vmem>>, vector<16xf32>,
            %convert_element_type3A_351 = arith.fptosi %get3A_350 : vector<16xf32> to vector<16xi32>
            %add3A_352 = arith.addi %mul3A_293, %mul3A_346 : i32
            %swap3A_353 = arith.index_cast %add3A_352 : i32 to index
            %swap3A_354 = tpu.vector_load %arg7[%swap3A_353] {strides = array<i32>} : memref<16384xi32, #tpu.memory_space<vmem>>, vector<16xi32>,
            tpu.vector_store %arg7[%swap3A_353], %convert_element_type3A_351 {strides = array<i32>} : memref<16384xi32, #tpu.memory_space<vmem>>, vector<16xi32>,
            %mul3A_355 = arith.constant 8 : i32
            %mul3A_356 = arith.muli %scan3A_300, %mul3A_355 : i32
            %add3A_357 = arith.constant 4 : i32
            %add3A_358 = arith.addi %mul3A_356, %add3A_357 : i32
            %mul3A_359 = arith.constant 16 : i32
            %mul3A_360 = arith.muli %add3A_358, %mul3A_359 : i32
            %get3A_361 = arith.constant 0 : i32
            %get3A_362 = arith.index_cast %get3A_361 : i32 to index
            %get3A_363 = arith.index_cast %mul3A_360 : i32 to index
            %get3A_364 = tpu.vector_load %arg8[%get3A_362, %get3A_363] {strides = array<i32>} : memref<4x2048xf32, #tpu.memory_space<vmem>>, vector<16xf32>,
            %convert_element_type3A_365 = arith.fptosi %get3A_364 : vector<16xf32> to vector<16xi32>
            %add3A_366 = arith.addi %mul3A_293, %mul3A_360 : i32
            %swap3A_367 = arith.index_cast %add3A_366 : i32 to index
            %swap3A_368 = tpu.vector_load %arg7[%swap3A_367] {strides = array<i32>} : memref<16384xi32, #tpu.memory_space<vmem>>, vector<16xi32>,
            tpu.vector_store %arg7[%swap3A_367], %convert_element_type3A_365 {strides = array<i32>} : memref<16384xi32, #tpu.memory_space<vmem>>, vector<16xi32>,
            %mul3A_369 = arith.constant 8 : i32
            %mul3A_370 = arith.muli %scan3A_300, %mul3A_369 : i32
            %add3A_371 = arith.constant 5 : i32
            %add3A_372 = arith.addi %mul3A_370, %add3A_371 : i32
            %mul3A_373 = arith.constant 16 : i32
            %mul3A_374 = arith.muli %add3A_372, %mul3A_373 : i32
            %get3A_375 = arith.constant 0 : i32
            %get3A_376 = arith.index_cast %get3A_375 : i32 to index
            %get3A_377 = arith.index_cast %mul3A_374 : i32 to index
            %get3A_378 = tpu.vector_load %arg8[%get3A_376, %get3A_377] {strides = array<i32>} : memref<4x2048xf32, #tpu.memory_space<vmem>>, vector<16xf32>,
            %convert_element_type3A_379 = arith.fptosi %get3A_378 : vector<16xf32> to vector<16xi32>
            %add3A_380 = arith.addi %mul3A_293, %mul3A_374 : i32
            %swap3A_381 = arith.index_cast %add3A_380 : i32 to index
            %swap3A_382 = tpu.vector_load %arg7[%swap3A_381] {strides = array<i32>} : memref<16384xi32, #tpu.memory_space<vmem>>, vector<16xi32>,
            tpu.vector_store %arg7[%swap3A_381], %convert_element_type3A_379 {strides = array<i32>} : memref<16384xi32, #tpu.memory_space<vmem>>, vector<16xi32>,
            %mul3A_383 = arith.constant 8 : i32
            %mul3A_384 = arith.muli %scan3A_300, %mul3A_383 : i32
            %add3A_385 = arith.constant 6 : i32
            %add3A_386 = arith.addi %mul3A_384, %add3A_385 : i32
            %mul3A_387 = arith.constant 16 : i32
            %mul3A_388 = arith.muli %add3A_386, %mul3A_387 : i32
            %get3A_389 = arith.constant 0 : i32
            %get3A_390 = arith.index_cast %get3A_389 : i32 to index
            %get3A_391 = arith.index_cast %mul3A_388 : i32 to index
            %get3A_392 = tpu.vector_load %arg8[%get3A_390, %get3A_391] {strides = array<i32>} : memref<4x2048xf32, #tpu.memory_space<vmem>>, vector<16xf32>,
            %convert_element_type3A_393 = arith.fptosi %get3A_392 : vector<16xf32> to vector<16xi32>
            %add3A_394 = arith.addi %mul3A_293, %mul3A_388 : i32
            %swap3A_395 = arith.index_cast %add3A_394 : i32 to index
            %swap3A_396 = tpu.vector_load %arg7[%swap3A_395] {strides = array<i32>} : memref<16384xi32, #tpu.memory_space<vmem>>, vector<16xi32>,
            tpu.vector_store %arg7[%swap3A_395], %convert_element_type3A_393 {strides = array<i32>} : memref<16384xi32, #tpu.memory_space<vmem>>, vector<16xi32>,
            %mul3A_397 = arith.constant 8 : i32
            %mul3A_398 = arith.muli %scan3A_300, %mul3A_397 : i32
            %add3A_399 = arith.constant 7 : i32
            %add3A_400 = arith.addi %mul3A_398, %add3A_399 : i32
            %mul3A_401 = arith.constant 16 : i32
            %mul3A_402 = arith.muli %add3A_400, %mul3A_401 : i32
            %get3A_403 = arith.constant 0 : i32
            %get3A_404 = arith.index_cast %get3A_403 : i32 to index
            %get3A_405 = arith.index_cast %mul3A_402 : i32 to index
            %get3A_406 = tpu.vector_load %arg8[%get3A_404, %get3A_405] {strides = array<i32>} : memref<4x2048xf32, #tpu.memory_space<vmem>>, vector<16xf32>,
            %convert_element_type3A_407 = arith.fptosi %get3A_406 : vector<16xf32> to vector<16xi32>
            %add3A_408 = arith.addi %mul3A_293, %mul3A_402 : i32
            %swap3A_409 = arith.index_cast %add3A_408 : i32 to index
            %swap3A_410 = tpu.vector_load %arg7[%swap3A_409] {strides = array<i32>} : memref<16384xi32, #tpu.memory_space<vmem>>, vector<16xi32>,
            tpu.vector_store %arg7[%swap3A_409], %convert_element_type3A_407 {strides = array<i32>} : memref<16384xi32, #tpu.memory_space<vmem>>, vector<16xi32>,
          }
          %scan3A_299 = arith.constant 16 : i32
        }
        %scan3A_290 = arith.constant 8 : i32
      } else {
      }
      %dma_wait3A = arith.constant 0 : i32
      %dma_wait3A_24 = tpu.memref_slice %arg3[%shift_right_arithmetic3A_14, %and3A_15, %dma_wait3A] : memref<26x16x100000xf32, #tpu.memory_space<hbm>> -> memref<1x1x100000xf32, #tpu.memory_space<hbm>>
      %dma_wait3A_25 = tpu.memref_squeeze %dma_wait3A_24 : memref<1x1x100000xf32, #tpu.memory_space<hbm>> -> memref<100000xf32, #tpu.memory_space<hbm>>
      %dma_wait3A_26 = arith.constant 0 : i32
      %dma_wait3A_27 = tpu.memref_slice %arg3[%shift_right_arithmetic3A_14, %and3A_15, %dma_wait3A_26] : memref<26x16x100000xf32, #tpu.memory_space<hbm>> -> memref<1x1x100000xf32, #tpu.memory_space<hbm>>
      %dma_wait3A_28 = tpu.memref_squeeze %dma_wait3A_27 : memref<1x1x100000xf32, #tpu.memory_space<hbm>> -> memref<100000xf32, #tpu.memory_space<hbm>>
      tpu.wait_dma2 semaphore(%arg9 : memref<!tpu.dma_semaphore, #tpu.memory_space<semaphore_mem>>) src(%dma_wait3A_28 : memref<100000xf32, #tpu.memory_space<hbm>>) dst(%arg6 : memref<100000xf32, #tpu.memory_space<vmem>>)
      %scan3A_29 = arith.constant 0 : i32
      %scan3A_30 = arith.constant 0 : i32
      %scan3A_31 = arith.constant 16 : i32
      %scan3A_32 = arith.addi %scan3A_30, %scan3A_31 : i32
      %scan3A_33 = arith.constant 1 : i32
      scf.for %scan3A_285 = %scan3A_30 to %scan3A_32 step %scan3A_33  : i32 {
        %mul3A_286 = arith.constant 8 : i32
        %mul3A_287 = arith.muli %scan3A_285, %mul3A_286 : i32
        %add3A_288 = arith.constant 0 : i32
        %add3A_289 = arith.addi %mul3A_287, %add3A_288 : i32
        %mul3A_290 = arith.constant 16 : i32
        %mul3A_291 = arith.muli %add3A_289, %mul3A_290 : i32
        %add3A_292 = arith.constant 0 : i32
        %add3A_293 = arith.addi %add3A_292, %mul3A_291 : i32
        %get3A = arith.index_cast %add3A_293 : i32 to index
        %get3A_294 = tpu.vector_load %arg7[%get3A] {strides = array<i32>} : memref<16384xi32, #tpu.memory_space<vmem>>, vector<16xi32>,
        %gather3A = tpu.vector_load_idx %arg6[%get3A_294] : memref<100000xf32, #tpu.memory_space<vmem>>[vector<16xi32>], vector<16xf32>,
        %swap3A = arith.constant 0 : i32
        %swap3A_295 = arith.index_cast %swap3A : i32 to index
        %swap3A_296 = arith.index_cast %mul3A_291 : i32 to index
        %swap3A_297 = tpu.vector_load %arg8[%swap3A_295, %swap3A_296] {strides = array<i32>} : memref<4x2048xf32, #tpu.memory_space<vmem>>, vector<16xf32>,
        tpu.vector_store %arg8[%swap3A_295, %swap3A_296], %gather3A {strides = array<i32>} : memref<4x2048xf32, #tpu.memory_space<vmem>>, vector<16xf32>,
        %mul3A_298 = arith.constant 8 : i32
        %mul3A_299 = arith.muli %scan3A_285, %mul3A_298 : i32
        %add3A_300 = arith.constant 1 : i32
        %add3A_301 = arith.addi %mul3A_299, %add3A_300 : i32
        %mul3A_302 = arith.constant 16 : i32
        %mul3A_303 = arith.muli %add3A_301, %mul3A_302 : i32
        %add3A_304 = arith.constant 0 : i32
        %add3A_305 = arith.addi %add3A_304, %mul3A_303 : i32
        %get3A_306 = arith.index_cast %add3A_305 : i32 to index
        %get3A_307 = tpu.vector_load %arg7[%get3A_306] {strides = array<i32>} : memref<16384xi32, #tpu.memory_space<vmem>>, vector<16xi32>,
        %gather3A_308 = tpu.vector_load_idx %arg6[%get3A_307] : memref<100000xf32, #tpu.memory_space<vmem>>[vector<16xi32>], vector<16xf32>,
        %swap3A_309 = arith.constant 0 : i32
        %swap3A_310 = arith.index_cast %swap3A_309 : i32 to index
        %swap3A_311 = arith.index_cast %mul3A_303 : i32 to index
        %swap3A_312 = tpu.vector_load %arg8[%swap3A_310, %swap3A_311] {strides = array<i32>} : memref<4x2048xf32, #tpu.memory_space<vmem>>, vector<16xf32>,
        tpu.vector_store %arg8[%swap3A_310, %swap3A_311], %gather3A_308 {strides = array<i32>} : memref<4x2048xf32, #tpu.memory_space<vmem>>, vector<16xf32>,
        %mul3A_313 = arith.constant 8 : i32
        %mul3A_314 = arith.muli %scan3A_285, %mul3A_313 : i32
        %add3A_315 = arith.constant 2 : i32
        %add3A_316 = arith.addi %mul3A_314, %add3A_315 : i32
        %mul3A_317 = arith.constant 16 : i32
        %mul3A_318 = arith.muli %add3A_316, %mul3A_317 : i32
        %add3A_319 = arith.constant 0 : i32
        %add3A_320 = arith.addi %add3A_319, %mul3A_318 : i32
        %get3A_321 = arith.index_cast %add3A_320 : i32 to index
        %get3A_322 = tpu.vector_load %arg7[%get3A_321] {strides = array<i32>} : memref<16384xi32, #tpu.memory_space<vmem>>, vector<16xi32>,
        %gather3A_323 = tpu.vector_load_idx %arg6[%get3A_322] : memref<100000xf32, #tpu.memory_space<vmem>>[vector<16xi32>], vector<16xf32>,
        %swap3A_324 = arith.constant 0 : i32
        %swap3A_325 = arith.index_cast %swap3A_324 : i32 to index
        %swap3A_326 = arith.index_cast %mul3A_318 : i32 to index
        %swap3A_327 = tpu.vector_load %arg8[%swap3A_325, %swap3A_326] {strides = array<i32>} : memref<4x2048xf32, #tpu.memory_space<vmem>>, vector<16xf32>,
        tpu.vector_store %arg8[%swap3A_325, %swap3A_326], %gather3A_323 {strides = array<i32>} : memref<4x2048xf32, #tpu.memory_space<vmem>>, vector<16xf32>,
        %mul3A_328 = arith.constant 8 : i32
        %mul3A_329 = arith.muli %scan3A_285, %mul3A_328 : i32
        %add3A_330 = arith.constant 3 : i32
        %add3A_331 = arith.addi %mul3A_329, %add3A_330 : i32
        %mul3A_332 = arith.constant 16 : i32
        %mul3A_333 = arith.muli %add3A_331, %mul3A_332 : i32
        %add3A_334 = arith.constant 0 : i32
        %add3A_335 = arith.addi %add3A_334, %mul3A_333 : i32
        %get3A_336 = arith.index_cast %add3A_335 : i32 to index
        %get3A_337 = tpu.vector_load %arg7[%get3A_336] {strides = array<i32>} : memref<16384xi32, #tpu.memory_space<vmem>>, vector<16xi32>,
        %gather3A_338 = tpu.vector_load_idx %arg6[%get3A_337] : memref<100000xf32, #tpu.memory_space<vmem>>[vector<16xi32>], vector<16xf32>,
        %swap3A_339 = arith.constant 0 : i32
        %swap3A_340 = arith.index_cast %swap3A_339 : i32 to index
        %swap3A_341 = arith.index_cast %mul3A_333 : i32 to index
        %swap3A_342 = tpu.vector_load %arg8[%swap3A_340, %swap3A_341] {strides = array<i32>} : memref<4x2048xf32, #tpu.memory_space<vmem>>, vector<16xf32>,
        tpu.vector_store %arg8[%swap3A_340, %swap3A_341], %gather3A_338 {strides = array<i32>} : memref<4x2048xf32, #tpu.memory_space<vmem>>, vector<16xf32>,
        %mul3A_343 = arith.constant 8 : i32
        %mul3A_344 = arith.muli %scan3A_285, %mul3A_343 : i32
        %add3A_345 = arith.constant 4 : i32
        %add3A_346 = arith.addi %mul3A_344, %add3A_345 : i32
        %mul3A_347 = arith.constant 16 : i32
        %mul3A_348 = arith.muli %add3A_346, %mul3A_347 : i32
        %add3A_349 = arith.constant 0 : i32
        %add3A_350 = arith.addi %add3A_349, %mul3A_348 : i32
        %get3A_351 = arith.index_cast %add3A_350 : i32 to index
        %get3A_352 = tpu.vector_load %arg7[%get3A_351] {strides = array<i32>} : memref<16384xi32, #tpu.memory_space<vmem>>, vector<16xi32>,
        %gather3A_353 = tpu.vector_load_idx %arg6[%get3A_352] : memref<100000xf32, #tpu.memory_space<vmem>>[vector<16xi32>], vector<16xf32>,
        %swap3A_354 = arith.constant 0 : i32
        %swap3A_355 = arith.index_cast %swap3A_354 : i32 to index
        %swap3A_356 = arith.index_cast %mul3A_348 : i32 to index
        %swap3A_357 = tpu.vector_load %arg8[%swap3A_355, %swap3A_356] {strides = array<i32>} : memref<4x2048xf32, #tpu.memory_space<vmem>>, vector<16xf32>,
        tpu.vector_store %arg8[%swap3A_355, %swap3A_356], %gather3A_353 {strides = array<i32>} : memref<4x2048xf32, #tpu.memory_space<vmem>>, vector<16xf32>,
        %mul3A_358 = arith.constant 8 : i32
        %mul3A_359 = arith.muli %scan3A_285, %mul3A_358 : i32
        %add3A_360 = arith.constant 5 : i32
        %add3A_361 = arith.addi %mul3A_359, %add3A_360 : i32
        %mul3A_362 = arith.constant 16 : i32
        %mul3A_363 = arith.muli %add3A_361, %mul3A_362 : i32
        %add3A_364 = arith.constant 0 : i32
        %add3A_365 = arith.addi %add3A_364, %mul3A_363 : i32
        %get3A_366 = arith.index_cast %add3A_365 : i32 to index
        %get3A_367 = tpu.vector_load %arg7[%get3A_366] {strides = array<i32>} : memref<16384xi32, #tpu.memory_space<vmem>>, vector<16xi32>,
        %gather3A_368 = tpu.vector_load_idx %arg6[%get3A_367] : memref<100000xf32, #tpu.memory_space<vmem>>[vector<16xi32>], vector<16xf32>,
        %swap3A_369 = arith.constant 0 : i32
        %swap3A_370 = arith.index_cast %swap3A_369 : i32 to index
        %swap3A_371 = arith.index_cast %mul3A_363 : i32 to index
        %swap3A_372 = tpu.vector_load %arg8[%swap3A_370, %swap3A_371] {strides = array<i32>} : memref<4x2048xf32, #tpu.memory_space<vmem>>, vector<16xf32>,
        tpu.vector_store %arg8[%swap3A_370, %swap3A_371], %gather3A_368 {strides = array<i32>} : memref<4x2048xf32, #tpu.memory_space<vmem>>, vector<16xf32>,
        %mul3A_373 = arith.constant 8 : i32
        %mul3A_374 = arith.muli %scan3A_285, %mul3A_373 : i32
        %add3A_375 = arith.constant 6 : i32
        %add3A_376 = arith.addi %mul3A_374, %add3A_375 : i32
        %mul3A_377 = arith.constant 16 : i32
        %mul3A_378 = arith.muli %add3A_376, %mul3A_377 : i32
        %add3A_379 = arith.constant 0 : i32
        %add3A_380 = arith.addi %add3A_379, %mul3A_378 : i32
        %get3A_381 = arith.index_cast %add3A_380 : i32 to index
        %get3A_382 = tpu.vector_load %arg7[%get3A_381] {strides = array<i32>} : memref<16384xi32, #tpu.memory_space<vmem>>, vector<16xi32>,
        %gather3A_383 = tpu.vector_load_idx %arg6[%get3A_382] : memref<100000xf32, #tpu.memory_space<vmem>>[vector<16xi32>], vector<16xf32>,
        %swap3A_384 = arith.constant 0 : i32
        %swap3A_385 = arith.index_cast %swap3A_384 : i32 to index
        %swap3A_386 = arith.index_cast %mul3A_378 : i32 to index
        %swap3A_387 = tpu.vector_load %arg8[%swap3A_385, %swap3A_386] {strides = array<i32>} : memref<4x2048xf32, #tpu.memory_space<vmem>>, vector<16xf32>,
        tpu.vector_store %arg8[%swap3A_385, %swap3A_386], %gather3A_383 {strides = array<i32>} : memref<4x2048xf32, #tpu.memory_space<vmem>>, vector<16xf32>,
        %mul3A_388 = arith.constant 8 : i32
        %mul3A_389 = arith.muli %scan3A_285, %mul3A_388 : i32
        %add3A_390 = arith.constant 7 : i32
        %add3A_391 = arith.addi %mul3A_389, %add3A_390 : i32
        %mul3A_392 = arith.constant 16 : i32
        %mul3A_393 = arith.muli %add3A_391, %mul3A_392 : i32
        %add3A_394 = arith.constant 0 : i32
        %add3A_395 = arith.addi %add3A_394, %mul3A_393 : i32
        %get3A_396 = arith.index_cast %add3A_395 : i32 to index
        %get3A_397 = tpu.vector_load %arg7[%get3A_396] {strides = array<i32>} : memref<16384xi32, #tpu.memory_space<vmem>>, vector<16xi32>,
        %gather3A_398 = tpu.vector_load_idx %arg6[%get3A_397] : memref<100000xf32, #tpu.memory_space<vmem>>[vector<16xi32>], vector<16xf32>,
        %swap3A_399 = arith.constant 0 : i32
        %swap3A_400 = arith.index_cast %swap3A_399 : i32 to index
        %swap3A_401 = arith.index_cast %mul3A_393 : i32 to index
        %swap3A_402 = tpu.vector_load %arg8[%swap3A_400, %swap3A_401] {strides = array<i32>} : memref<4x2048xf32, #tpu.memory_space<vmem>>, vector<16xf32>,
        tpu.vector_store %arg8[%swap3A_400, %swap3A_401], %gather3A_398 {strides = array<i32>} : memref<4x2048xf32, #tpu.memory_space<vmem>>, vector<16xf32>,
      }
      %scan3A_34 = arith.constant 16 : i32
      %dma_start3A_35 = arith.constant 0 : i32
      %dma_start3A_36 = arith.constant 0 : i32
      %dma_start3A_37 = tpu.memref_slice %arg8[%dma_start3A_35, %dma_start3A_36] : memref<4x2048xf32, #tpu.memory_space<vmem>> -> memref<1x2048xf32, #tpu.memory_space<vmem>>
      %dma_start3A_38 = tpu.memref_squeeze %dma_start3A_37 : memref<1x2048xf32, #tpu.memory_space<vmem>> -> memref<2048xf32, #tpu.memory_space<vmem>>
      %dma_start3A_39 = arith.constant 0 : i32
      %dma_start3A_40 = tpu.memref_slice %arg5[%add3A_13, %dma_start3A_39] : memref<429x16384xf32, #tpu.memory_space<hbm>> -> memref<1x2048xf32, #tpu.memory_space<hbm>>
      %dma_start3A_41 = tpu.memref_squeeze %dma_start3A_40 : memref<1x2048xf32, #tpu.memory_space<hbm>> -> memref<2048xf32, #tpu.memory_space<hbm>>
      %dma_start3A_42 = arith.constant 0 : i32
      %dma_start3A_43 = tpu.memref_slice %arg5[%add3A_13, %dma_start3A_42] : memref<429x16384xf32, #tpu.memory_space<hbm>> -> memref<1x2048xf32, #tpu.memory_space<hbm>>
      %dma_start3A_44 = tpu.memref_squeeze %dma_start3A_43 : memref<1x2048xf32, #tpu.memory_space<hbm>> -> memref<2048xf32, #tpu.memory_space<hbm>>
      %dma_start3A_45 = arith.constant 0 : i32
      %dma_start3A_46 = tpu.memref_slice %arg8[%dma_start3A_35, %dma_start3A_45] : memref<4x2048xf32, #tpu.memory_space<vmem>> -> memref<1x2048xf32, #tpu.memory_space<vmem>>
      %dma_start3A_47 = tpu.memref_squeeze %dma_start3A_46 : memref<1x2048xf32, #tpu.memory_space<vmem>> -> memref<2048xf32, #tpu.memory_space<vmem>>
      tpu.enqueue_dma source(%dma_start3A_47 : memref<2048xf32, #tpu.memory_space<vmem>>) target(%dma_start3A_44 : memref<2048xf32, #tpu.memory_space<hbm>>) target_semaphore(%arg11 : memref<!tpu.dma_semaphore, #tpu.memory_space<semaphore_mem>>)
      %scan3A_48 = arith.constant 0 : i32
      %scan3A_49 = arith.constant 0 : i32
      %scan3A_50 = arith.constant 16 : i32
      %scan3A_51 = arith.addi %scan3A_49, %scan3A_50 : i32
      %scan3A_52 = arith.constant 1 : i32
      scf.for %scan3A_285 = %scan3A_49 to %scan3A_51 step %scan3A_52  : i32 {
        %mul3A_286 = arith.constant 8 : i32
        %mul3A_287 = arith.muli %scan3A_285, %mul3A_286 : i32
        %add3A_288 = arith.constant 0 : i32
        %add3A_289 = arith.addi %mul3A_287, %add3A_288 : i32
        %mul3A_290 = arith.constant 16 : i32
        %mul3A_291 = arith.muli %add3A_289, %mul3A_290 : i32
        %add3A_292 = arith.constant 2048 : i32
        %add3A_293 = arith.addi %add3A_292, %mul3A_291 : i32
        %get3A = arith.index_cast %add3A_293 : i32 to index
        %get3A_294 = tpu.vector_load %arg7[%get3A] {strides = array<i32>} : memref<16384xi32, #tpu.memory_space<vmem>>, vector<16xi32>,
        %gather3A = tpu.vector_load_idx %arg6[%get3A_294] : memref<100000xf32, #tpu.memory_space<vmem>>[vector<16xi32>], vector<16xf32>,
        %swap3A = arith.constant 1 : i32
        %swap3A_295 = arith.index_cast %swap3A : i32 to index
        %swap3A_296 = arith.index_cast %mul3A_291 : i32 to index
        %swap3A_297 = tpu.vector_load %arg8[%swap3A_295, %swap3A_296] {strides = array<i32>} : memref<4x2048xf32, #tpu.memory_space<vmem>>, vector<16xf32>,
        tpu.vector_store %arg8[%swap3A_295, %swap3A_296], %gather3A {strides = array<i32>} : memref<4x2048xf32, #tpu.memory_space<vmem>>, vector<16xf32>,
        %mul3A_298 = arith.constant 8 : i32
        %mul3A_299 = arith.muli %scan3A_285, %mul3A_298 : i32
        %add3A_300 = arith.constant 1 : i32
        %add3A_301 = arith.addi %mul3A_299, %add3A_300 : i32
        %mul3A_302 = arith.constant 16 : i32
        %mul3A_303 = arith.muli %add3A_301, %mul3A_302 : i32
        %add3A_304 = arith.constant 2048 : i32
        %add3A_305 = arith.addi %add3A_304, %mul3A_303 : i32
        %get3A_306 = arith.index_cast %add3A_305 : i32 to index
        %get3A_307 = tpu.vector_load %arg7[%get3A_306] {strides = array<i32>} : memref<16384xi32, #tpu.memory_space<vmem>>, vector<16xi32>,
        %gather3A_308 = tpu.vector_load_idx %arg6[%get3A_307] : memref<100000xf32, #tpu.memory_space<vmem>>[vector<16xi32>], vector<16xf32>,
        %swap3A_309 = arith.constant 1 : i32
        %swap3A_310 = arith.index_cast %swap3A_309 : i32 to index
        %swap3A_311 = arith.index_cast %mul3A_303 : i32 to index
        %swap3A_312 = tpu.vector_load %arg8[%swap3A_310, %swap3A_311] {strides = array<i32>} : memref<4x2048xf32, #tpu.memory_space<vmem>>, vector<16xf32>,
        tpu.vector_store %arg8[%swap3A_310, %swap3A_311], %gather3A_308 {strides = array<i32>} : memref<4x2048xf32, #tpu.memory_space<vmem>>, vector<16xf32>,
        %mul3A_313 = arith.constant 8 : i32
        %mul3A_314 = arith.muli %scan3A_285, %mul3A_313 : i32
        %add3A_315 = arith.constant 2 : i32
        %add3A_316 = arith.addi %mul3A_314, %add3A_315 : i32
        %mul3A_317 = arith.constant 16 : i32
        %mul3A_318 = arith.muli %add3A_316, %mul3A_317 : i32
        %add3A_319 = arith.constant 2048 : i32
        %add3A_320 = arith.addi %add3A_319, %mul3A_318 : i32
        %get3A_321 = arith.index_cast %add3A_320 : i32 to index
        %get3A_322 = tpu.vector_load %arg7[%get3A_321] {strides = array<i32>} : memref<16384xi32, #tpu.memory_space<vmem>>, vector<16xi32>,
        %gather3A_323 = tpu.vector_load_idx %arg6[%get3A_322] : memref<100000xf32, #tpu.memory_space<vmem>>[vector<16xi32>], vector<16xf32>,
        %swap3A_324 = arith.constant 1 : i32
        %swap3A_325 = arith.index_cast %swap3A_324 : i32 to index
        %swap3A_326 = arith.index_cast %mul3A_318 : i32 to index
        %swap3A_327 = tpu.vector_load %arg8[%swap3A_325, %swap3A_326] {strides = array<i32>} : memref<4x2048xf32, #tpu.memory_space<vmem>>, vector<16xf32>,
        tpu.vector_store %arg8[%swap3A_325, %swap3A_326], %gather3A_323 {strides = array<i32>} : memref<4x2048xf32, #tpu.memory_space<vmem>>, vector<16xf32>,
        %mul3A_328 = arith.constant 8 : i32
        %mul3A_329 = arith.muli %scan3A_285, %mul3A_328 : i32
        %add3A_330 = arith.constant 3 : i32
        %add3A_331 = arith.addi %mul3A_329, %add3A_330 : i32
        %mul3A_332 = arith.constant 16 : i32
        %mul3A_333 = arith.muli %add3A_331, %mul3A_332 : i32
        %add3A_334 = arith.constant 2048 : i32
        %add3A_335 = arith.addi %add3A_334, %mul3A_333 : i32
        %get3A_336 = arith.index_cast %add3A_335 : i32 to index
        %get3A_337 = tpu.vector_load %arg7[%get3A_336] {strides = array<i32>} : memref<16384xi32, #tpu.memory_space<vmem>>, vector<16xi32>,
        %gather3A_338 = tpu.vector_load_idx %arg6[%get3A_337] : memref<100000xf32, #tpu.memory_space<vmem>>[vector<16xi32>], vector<16xf32>,
        %swap3A_339 = arith.constant 1 : i32
        %swap3A_340 = arith.index_cast %swap3A_339 : i32 to index
        %swap3A_341 = arith.index_cast %mul3A_333 : i32 to index
        %swap3A_342 = tpu.vector_load %arg8[%swap3A_340, %swap3A_341] {strides = array<i32>} : memref<4x2048xf32, #tpu.memory_space<vmem>>, vector<16xf32>,
        tpu.vector_store %arg8[%swap3A_340, %swap3A_341], %gather3A_338 {strides = array<i32>} : memref<4x2048xf32, #tpu.memory_space<vmem>>, vector<16xf32>,
        %mul3A_343 = arith.constant 8 : i32
        %mul3A_344 = arith.muli %scan3A_285, %mul3A_343 : i32
        %add3A_345 = arith.constant 4 : i32
        %add3A_346 = arith.addi %mul3A_344, %add3A_345 : i32
        %mul3A_347 = arith.constant 16 : i32
        %mul3A_348 = arith.muli %add3A_346, %mul3A_347 : i32
        %add3A_349 = arith.constant 2048 : i32
        %add3A_350 = arith.addi %add3A_349, %mul3A_348 : i32
        %get3A_351 = arith.index_cast %add3A_350 : i32 to index
        %get3A_352 = tpu.vector_load %arg7[%get3A_351] {strides = array<i32>} : memref<16384xi32, #tpu.memory_space<vmem>>, vector<16xi32>,
        %gather3A_353 = tpu.vector_load_idx %arg6[%get3A_352] : memref<100000xf32, #tpu.memory_space<vmem>>[vector<16xi32>], vector<16xf32>,
        %swap3A_354 = arith.constant 1 : i32
        %swap3A_355 = arith.index_cast %swap3A_354 : i32 to index
        %swap3A_356 = arith.index_cast %mul3A_348 : i32 to index
        %swap3A_357 = tpu.vector_load %arg8[%swap3A_355, %swap3A_356] {strides = array<i32>} : memref<4x2048xf32, #tpu.memory_space<vmem>>, vector<16xf32>,
        tpu.vector_store %arg8[%swap3A_355, %swap3A_356], %gather3A_353 {strides = array<i32>} : memref<4x2048xf32, #tpu.memory_space<vmem>>, vector<16xf32>,
        %mul3A_358 = arith.constant 8 : i32
        %mul3A_359 = arith.muli %scan3A_285, %mul3A_358 : i32
        %add3A_360 = arith.constant 5 : i32
        %add3A_361 = arith.addi %mul3A_359, %add3A_360 : i32
        %mul3A_362 = arith.constant 16 : i32
        %mul3A_363 = arith.muli %add3A_361, %mul3A_362 : i32
        %add3A_364 = arith.constant 2048 : i32
        %add3A_365 = arith.addi %add3A_364, %mul3A_363 : i32
        %get3A_366 = arith.index_cast %add3A_365 : i32 to index
        %get3A_367 = tpu.vector_load %arg7[%get3A_366] {strides = array<i32>} : memref<16384xi32, #tpu.memory_space<vmem>>, vector<16xi32>,
        %gather3A_368 = tpu.vector_load_idx %arg6[%get3A_367] : memref<100000xf32, #tpu.memory_space<vmem>>[vector<16xi32>], vector<16xf32>,
        %swap3A_369 = arith.constant 1 : i32
        %swap3A_370 = arith.index_cast %swap3A_369 : i32 to index
        %swap3A_371 = arith.index_cast %mul3A_363 : i32 to index
        %swap3A_372 = tpu.vector_load %arg8[%swap3A_370, %swap3A_371] {strides = array<i32>} : memref<4x2048xf32, #tpu.memory_space<vmem>>, vector<16xf32>,
        tpu.vector_store %arg8[%swap3A_370, %swap3A_371], %gather3A_368 {strides = array<i32>} : memref<4x2048xf32, #tpu.memory_space<vmem>>, vector<16xf32>,
        %mul3A_373 = arith.constant 8 : i32
        %mul3A_374 = arith.muli %scan3A_285, %mul3A_373 : i32
        %add3A_375 = arith.constant 6 : i32
        %add3A_376 = arith.addi %mul3A_374, %add3A_375 : i32
        %mul3A_377 = arith.constant 16 : i32
        %mul3A_378 = arith.muli %add3A_376, %mul3A_377 : i32
        %add3A_379 = arith.constant 2048 : i32
        %add3A_380 = arith.addi %add3A_379, %mul3A_378 : i32
        %get3A_381 = arith.index_cast %add3A_380 : i32 to index
        %get3A_382 = tpu.vector_load %arg7[%get3A_381] {strides = array<i32>} : memref<16384xi32, #tpu.memory_space<vmem>>, vector<16xi32>,
        %gather3A_383 = tpu.vector_load_idx %arg6[%get3A_382] : memref<100000xf32, #tpu.memory_space<vmem>>[vector<16xi32>], vector<16xf32>,
        %swap3A_384 = arith.constant 1 : i32
        %swap3A_385 = arith.index_cast %swap3A_384 : i32 to index
        %swap3A_386 = arith.index_cast %mul3A_378 : i32 to index
        %swap3A_387 = tpu.vector_load %arg8[%swap3A_385, %swap3A_386] {strides = array<i32>} : memref<4x2048xf32, #tpu.memory_space<vmem>>, vector<16xf32>,
        tpu.vector_store %arg8[%swap3A_385, %swap3A_386], %gather3A_383 {strides = array<i32>} : memref<4x2048xf32, #tpu.memory_space<vmem>>, vector<16xf32>,
        %mul3A_388 = arith.constant 8 : i32
        %mul3A_389 = arith.muli %scan3A_285, %mul3A_388 : i32
        %add3A_390 = arith.constant 7 : i32
        %add3A_391 = arith.addi %mul3A_389, %add3A_390 : i32
        %mul3A_392 = arith.constant 16 : i32
        %mul3A_393 = arith.muli %add3A_391, %mul3A_392 : i32
        %add3A_394 = arith.constant 2048 : i32
        %add3A_395 = arith.addi %add3A_394, %mul3A_393 : i32
        %get3A_396 = arith.index_cast %add3A_395 : i32 to index
        %get3A_397 = tpu.vector_load %arg7[%get3A_396] {strides = array<i32>} : memref<16384xi32, #tpu.memory_space<vmem>>, vector<16xi32>,
        %gather3A_398 = tpu.vector_load_idx %arg6[%get3A_397] : memref<100000xf32, #tpu.memory_space<vmem>>[vector<16xi32>], vector<16xf32>,
        %swap3A_399 = arith.constant 1 : i32
        %swap3A_400 = arith.index_cast %swap3A_399 : i32 to index
        %swap3A_401 = arith.index_cast %mul3A_393 : i32 to index
        %swap3A_402 = tpu.vector_load %arg8[%swap3A_400, %swap3A_401] {strides = array<i32>} : memref<4x2048xf32, #tpu.memory_space<vmem>>, vector<16xf32>,
        tpu.vector_store %arg8[%swap3A_400, %swap3A_401], %gather3A_398 {strides = array<i32>} : memref<4x2048xf32, #tpu.memory_space<vmem>>, vector<16xf32>,
      }
      %scan3A_53 = arith.constant 16 : i32
      %dma_start3A_54 = arith.constant 1 : i32
      %dma_start3A_55 = arith.constant 0 : i32
      %dma_start3A_56 = tpu.memref_slice %arg8[%dma_start3A_54, %dma_start3A_55] : memref<4x2048xf32, #tpu.memory_space<vmem>> -> memref<1x2048xf32, #tpu.memory_space<vmem>>
      %dma_start3A_57 = tpu.memref_squeeze %dma_start3A_56 : memref<1x2048xf32, #tpu.memory_space<vmem>> -> memref<2048xf32, #tpu.memory_space<vmem>>
      %dma_start3A_58 = arith.constant 2048 : i32
      %dma_start3A_59 = tpu.memref_slice %arg5[%add3A_13, %dma_start3A_58] : memref<429x16384xf32, #tpu.memory_space<hbm>> -> memref<1x2048xf32, #tpu.memory_space<hbm>>
      %dma_start3A_60 = tpu.memref_squeeze %dma_start3A_59 : memref<1x2048xf32, #tpu.memory_space<hbm>> -> memref<2048xf32, #tpu.memory_space<hbm>>
      %dma_start3A_61 = arith.constant 2048 : i32
      %dma_start3A_62 = tpu.memref_slice %arg5[%add3A_13, %dma_start3A_61] : memref<429x16384xf32, #tpu.memory_space<hbm>> -> memref<1x2048xf32, #tpu.memory_space<hbm>>
      %dma_start3A_63 = tpu.memref_squeeze %dma_start3A_62 : memref<1x2048xf32, #tpu.memory_space<hbm>> -> memref<2048xf32, #tpu.memory_space<hbm>>
      %dma_start3A_64 = arith.constant 0 : i32
      %dma_start3A_65 = tpu.memref_slice %arg8[%dma_start3A_54, %dma_start3A_64] : memref<4x2048xf32, #tpu.memory_space<vmem>> -> memref<1x2048xf32, #tpu.memory_space<vmem>>
      %dma_start3A_66 = tpu.memref_squeeze %dma_start3A_65 : memref<1x2048xf32, #tpu.memory_space<vmem>> -> memref<2048xf32, #tpu.memory_space<vmem>>
      tpu.enqueue_dma source(%dma_start3A_66 : memref<2048xf32, #tpu.memory_space<vmem>>) target(%dma_start3A_63 : memref<2048xf32, #tpu.memory_space<hbm>>) target_semaphore(%arg11 : memref<!tpu.dma_semaphore, #tpu.memory_space<semaphore_mem>>)
      %scan3A_67 = arith.constant 0 : i32
      %scan3A_68 = arith.constant 0 : i32
      %scan3A_69 = arith.constant 16 : i32
      %scan3A_70 = arith.addi %scan3A_68, %scan3A_69 : i32
      %scan3A_71 = arith.constant 1 : i32
      scf.for %scan3A_285 = %scan3A_68 to %scan3A_70 step %scan3A_71  : i32 {
        %mul3A_286 = arith.constant 8 : i32
        %mul3A_287 = arith.muli %scan3A_285, %mul3A_286 : i32
        %add3A_288 = arith.constant 0 : i32
        %add3A_289 = arith.addi %mul3A_287, %add3A_288 : i32
        %mul3A_290 = arith.constant 16 : i32
        %mul3A_291 = arith.muli %add3A_289, %mul3A_290 : i32
        %add3A_292 = arith.constant 4096 : i32
        %add3A_293 = arith.addi %add3A_292, %mul3A_291 : i32
        %get3A = arith.index_cast %add3A_293 : i32 to index
        %get3A_294 = tpu.vector_load %arg7[%get3A] {strides = array<i32>} : memref<16384xi32, #tpu.memory_space<vmem>>, vector<16xi32>,
        %gather3A = tpu.vector_load_idx %arg6[%get3A_294] : memref<100000xf32, #tpu.memory_space<vmem>>[vector<16xi32>], vector<16xf32>,
        %swap3A = arith.constant 2 : i32
        %swap3A_295 = arith.index_cast %swap3A : i32 to index
        %swap3A_296 = arith.index_cast %mul3A_291 : i32 to index
        %swap3A_297 = tpu.vector_load %arg8[%swap3A_295, %swap3A_296] {strides = array<i32>} : memref<4x2048xf32, #tpu.memory_space<vmem>>, vector<16xf32>,
        tpu.vector_store %arg8[%swap3A_295, %swap3A_296], %gather3A {strides = array<i32>} : memref<4x2048xf32, #tpu.memory_space<vmem>>, vector<16xf32>,
        %mul3A_298 = arith.constant 8 : i32
        %mul3A_299 = arith.muli %scan3A_285, %mul3A_298 : i32
        %add3A_300 = arith.constant 1 : i32
        %add3A_301 = arith.addi %mul3A_299, %add3A_300 : i32
        %mul3A_302 = arith.constant 16 : i32
        %mul3A_303 = arith.muli %add3A_301, %mul3A_302 : i32
        %add3A_304 = arith.constant 4096 : i32
        %add3A_305 = arith.addi %add3A_304, %mul3A_303 : i32
        %get3A_306 = arith.index_cast %add3A_305 : i32 to index
        %get3A_307 = tpu.vector_load %arg7[%get3A_306] {strides = array<i32>} : memref<16384xi32, #tpu.memory_space<vmem>>, vector<16xi32>,
        %gather3A_308 = tpu.vector_load_idx %arg6[%get3A_307] : memref<100000xf32, #tpu.memory_space<vmem>>[vector<16xi32>], vector<16xf32>,
        %swap3A_309 = arith.constant 2 : i32
        %swap3A_310 = arith.index_cast %swap3A_309 : i32 to index
        %swap3A_311 = arith.index_cast %mul3A_303 : i32 to index
        %swap3A_312 = tpu.vector_load %arg8[%swap3A_310, %swap3A_311] {strides = array<i32>} : memref<4x2048xf32, #tpu.memory_space<vmem>>, vector<16xf32>,
        tpu.vector_store %arg8[%swap3A_310, %swap3A_311], %gather3A_308 {strides = array<i32>} : memref<4x2048xf32, #tpu.memory_space<vmem>>, vector<16xf32>,
        %mul3A_313 = arith.constant 8 : i32
        %mul3A_314 = arith.muli %scan3A_285, %mul3A_313 : i32
        %add3A_315 = arith.constant 2 : i32
        %add3A_316 = arith.addi %mul3A_314, %add3A_315 : i32
        %mul3A_317 = arith.constant 16 : i32
        %mul3A_318 = arith.muli %add3A_316, %mul3A_317 : i32
        %add3A_319 = arith.constant 4096 : i32
        %add3A_320 = arith.addi %add3A_319, %mul3A_318 : i32
        %get3A_321 = arith.index_cast %add3A_320 : i32 to index
        %get3A_322 = tpu.vector_load %arg7[%get3A_321] {strides = array<i32>} : memref<16384xi32, #tpu.memory_space<vmem>>, vector<16xi32>,
        %gather3A_323 = tpu.vector_load_idx %arg6[%get3A_322] : memref<100000xf32, #tpu.memory_space<vmem>>[vector<16xi32>], vector<16xf32>,
        %swap3A_324 = arith.constant 2 : i32
        %swap3A_325 = arith.index_cast %swap3A_324 : i32 to index
        %swap3A_326 = arith.index_cast %mul3A_318 : i32 to index
        %swap3A_327 = tpu.vector_load %arg8[%swap3A_325, %swap3A_326] {strides = array<i32>} : memref<4x2048xf32, #tpu.memory_space<vmem>>, vector<16xf32>,
        tpu.vector_store %arg8[%swap3A_325, %swap3A_326], %gather3A_323 {strides = array<i32>} : memref<4x2048xf32, #tpu.memory_space<vmem>>, vector<16xf32>,
        %mul3A_328 = arith.constant 8 : i32
        %mul3A_329 = arith.muli %scan3A_285, %mul3A_328 : i32
        %add3A_330 = arith.constant 3 : i32
        %add3A_331 = arith.addi %mul3A_329, %add3A_330 : i32
        %mul3A_332 = arith.constant 16 : i32
        %mul3A_333 = arith.muli %add3A_331, %mul3A_332 : i32
        %add3A_334 = arith.constant 4096 : i32
        %add3A_335 = arith.addi %add3A_334, %mul3A_333 : i32
        %get3A_336 = arith.index_cast %add3A_335 : i32 to index
        %get3A_337 = tpu.vector_load %arg7[%get3A_336] {strides = array<i32>} : memref<16384xi32, #tpu.memory_space<vmem>>, vector<16xi32>,
        %gather3A_338 = tpu.vector_load_idx %arg6[%get3A_337] : memref<100000xf32, #tpu.memory_space<vmem>>[vector<16xi32>], vector<16xf32>,
        %swap3A_339 = arith.constant 2 : i32
        %swap3A_340 = arith.index_cast %swap3A_339 : i32 to index
        %swap3A_341 = arith.index_cast %mul3A_333 : i32 to index
        %swap3A_342 = tpu.vector_load %arg8[%swap3A_340, %swap3A_341] {strides = array<i32>} : memref<4x2048xf32, #tpu.memory_space<vmem>>, vector<16xf32>,
        tpu.vector_store %arg8[%swap3A_340, %swap3A_341], %gather3A_338 {strides = array<i32>} : memref<4x2048xf32, #tpu.memory_space<vmem>>, vector<16xf32>,
        %mul3A_343 = arith.constant 8 : i32
        %mul3A_344 = arith.muli %scan3A_285, %mul3A_343 : i32
        %add3A_345 = arith.constant 4 : i32
        %add3A_346 = arith.addi %mul3A_344, %add3A_345 : i32
        %mul3A_347 = arith.constant 16 : i32
        %mul3A_348 = arith.muli %add3A_346, %mul3A_347 : i32
        %add3A_349 = arith.constant 4096 : i32
        %add3A_350 = arith.addi %add3A_349, %mul3A_348 : i32
        %get3A_351 = arith.index_cast %add3A_350 : i32 to index
        %get3A_352 = tpu.vector_load %arg7[%get3A_351] {strides = array<i32>} : memref<16384xi32, #tpu.memory_space<vmem>>, vector<16xi32>,
        %gather3A_353 = tpu.vector_load_idx %arg6[%get3A_352] : memref<100000xf32, #tpu.memory_space<vmem>>[vector<16xi32>], vector<16xf32>,
        %swap3A_354 = arith.constant 2 : i32
        %swap3A_355 = arith.index_cast %swap3A_354 : i32 to index
        %swap3A_356 = arith.index_cast %mul3A_348 : i32 to index
        %swap3A_357 = tpu.vector_load %arg8[%swap3A_355, %swap3A_356] {strides = array<i32>} : memref<4x2048xf32, #tpu.memory_space<vmem>>, vector<16xf32>,
        tpu.vector_store %arg8[%swap3A_355, %swap3A_356], %gather3A_353 {strides = array<i32>} : memref<4x2048xf32, #tpu.memory_space<vmem>>, vector<16xf32>,
        %mul3A_358 = arith.constant 8 : i32
        %mul3A_359 = arith.muli %scan3A_285, %mul3A_358 : i32
        %add3A_360 = arith.constant 5 : i32
        %add3A_361 = arith.addi %mul3A_359, %add3A_360 : i32
        %mul3A_362 = arith.constant 16 : i32
        %mul3A_363 = arith.muli %add3A_361, %mul3A_362 : i32
        %add3A_364 = arith.constant 4096 : i32
        %add3A_365 = arith.addi %add3A_364, %mul3A_363 : i32
        %get3A_366 = arith.index_cast %add3A_365 : i32 to index
        %get3A_367 = tpu.vector_load %arg7[%get3A_366] {strides = array<i32>} : memref<16384xi32, #tpu.memory_space<vmem>>, vector<16xi32>,
        %gather3A_368 = tpu.vector_load_idx %arg6[%get3A_367] : memref<100000xf32, #tpu.memory_space<vmem>>[vector<16xi32>], vector<16xf32>,
        %swap3A_369 = arith.constant 2 : i32
        %swap3A_370 = arith.index_cast %swap3A_369 : i32 to index
        %swap3A_371 = arith.index_cast %mul3A_363 : i32 to index
        %swap3A_372 = tpu.vector_load %arg8[%swap3A_370, %swap3A_371] {strides = array<i32>} : memref<4x2048xf32, #tpu.memory_space<vmem>>, vector<16xf32>,
        tpu.vector_store %arg8[%swap3A_370, %swap3A_371], %gather3A_368 {strides = array<i32>} : memref<4x2048xf32, #tpu.memory_space<vmem>>, vector<16xf32>,
        %mul3A_373 = arith.constant 8 : i32
        %mul3A_374 = arith.muli %scan3A_285, %mul3A_373 : i32
        %add3A_375 = arith.constant 6 : i32
        %add3A_376 = arith.addi %mul3A_374, %add3A_375 : i32
        %mul3A_377 = arith.constant 16 : i32
        %mul3A_378 = arith.muli %add3A_376, %mul3A_377 : i32
        %add3A_379 = arith.constant 4096 : i32
        %add3A_380 = arith.addi %add3A_379, %mul3A_378 : i32
        %get3A_381 = arith.index_cast %add3A_380 : i32 to index
        %get3A_382 = tpu.vector_load %arg7[%get3A_381] {strides = array<i32>} : memref<16384xi32, #tpu.memory_space<vmem>>, vector<16xi32>,
        %gather3A_383 = tpu.vector_load_idx %arg6[%get3A_382] : memref<100000xf32, #tpu.memory_space<vmem>>[vector<16xi32>], vector<16xf32>,
        %swap3A_384 = arith.constant 2 : i32
        %swap3A_385 = arith.index_cast %swap3A_384 : i32 to index
        %swap3A_386 = arith.index_cast %mul3A_378 : i32 to index
        %swap3A_387 = tpu.vector_load %arg8[%swap3A_385, %swap3A_386] {strides = array<i32>} : memref<4x2048xf32, #tpu.memory_space<vmem>>, vector<16xf32>,
        tpu.vector_store %arg8[%swap3A_385, %swap3A_386], %gather3A_383 {strides = array<i32>} : memref<4x2048xf32, #tpu.memory_space<vmem>>, vector<16xf32>,
        %mul3A_388 = arith.constant 8 : i32
        %mul3A_389 = arith.muli %scan3A_285, %mul3A_388 : i32
        %add3A_390 = arith.constant 7 : i32
        %add3A_391 = arith.addi %mul3A_389, %add3A_390 : i32
        %mul3A_392 = arith.constant 16 : i32
        %mul3A_393 = arith.muli %add3A_391, %mul3A_392 : i32
        %add3A_394 = arith.constant 4096 : i32
        %add3A_395 = arith.addi %add3A_394, %mul3A_393 : i32
        %get3A_396 = arith.index_cast %add3A_395 : i32 to index
        %get3A_397 = tpu.vector_load %arg7[%get3A_396] {strides = array<i32>} : memref<16384xi32, #tpu.memory_space<vmem>>, vector<16xi32>,
        %gather3A_398 = tpu.vector_load_idx %arg6[%get3A_397] : memref<100000xf32, #tpu.memory_space<vmem>>[vector<16xi32>], vector<16xf32>,
        %swap3A_399 = arith.constant 2 : i32
        %swap3A_400 = arith.index_cast %swap3A_399 : i32 to index
        %swap3A_401 = arith.index_cast %mul3A_393 : i32 to index
        %swap3A_402 = tpu.vector_load %arg8[%swap3A_400, %swap3A_401] {strides = array<i32>} : memref<4x2048xf32, #tpu.memory_space<vmem>>, vector<16xf32>,
        tpu.vector_store %arg8[%swap3A_400, %swap3A_401], %gather3A_398 {strides = array<i32>} : memref<4x2048xf32, #tpu.memory_space<vmem>>, vector<16xf32>,
      }
      %scan3A_72 = arith.constant 16 : i32
      %dma_start3A_73 = arith.constant 2 : i32
      %dma_start3A_74 = arith.constant 0 : i32
      %dma_start3A_75 = tpu.memref_slice %arg8[%dma_start3A_73, %dma_start3A_74] : memref<4x2048xf32, #tpu.memory_space<vmem>> -> memref<1x2048xf32, #tpu.memory_space<vmem>>
      %dma_start3A_76 = tpu.memref_squeeze %dma_start3A_75 : memref<1x2048xf32, #tpu.memory_space<vmem>> -> memref<2048xf32, #tpu.memory_space<vmem>>
      %dma_start3A_77 = arith.constant 4096 : i32
      %dma_start3A_78 = tpu.memref_slice %arg5[%add3A_13, %dma_start3A_77] : memref<429x16384xf32, #tpu.memory_space<hbm>> -> memref<1x2048xf32, #tpu.memory_space<hbm>>
      %dma_start3A_79 = tpu.memref_squeeze %dma_start3A_78 : memref<1x2048xf32, #tpu.memory_space<hbm>> -> memref<2048xf32, #tpu.memory_space<hbm>>
      %dma_start3A_80 = arith.constant 4096 : i32
      %dma_start3A_81 = tpu.memref_slice %arg5[%add3A_13, %dma_start3A_80] : memref<429x16384xf32, #tpu.memory_space<hbm>> -> memref<1x2048xf32, #tpu.memory_space<hbm>>
      %dma_start3A_82 = tpu.memref_squeeze %dma_start3A_81 : memref<1x2048xf32, #tpu.memory_space<hbm>> -> memref<2048xf32, #tpu.memory_space<hbm>>
      %dma_start3A_83 = arith.constant 0 : i32
      %dma_start3A_84 = tpu.memref_slice %arg8[%dma_start3A_73, %dma_start3A_83] : memref<4x2048xf32, #tpu.memory_space<vmem>> -> memref<1x2048xf32, #tpu.memory_space<vmem>>
      %dma_start3A_85 = tpu.memref_squeeze %dma_start3A_84 : memref<1x2048xf32, #tpu.memory_space<vmem>> -> memref<2048xf32, #tpu.memory_space<vmem>>
      tpu.enqueue_dma source(%dma_start3A_85 : memref<2048xf32, #tpu.memory_space<vmem>>) target(%dma_start3A_82 : memref<2048xf32, #tpu.memory_space<hbm>>) target_semaphore(%arg11 : memref<!tpu.dma_semaphore, #tpu.memory_space<semaphore_mem>>)
      %scan3A_86 = arith.constant 0 : i32
      %scan3A_87 = arith.constant 0 : i32
      %scan3A_88 = arith.constant 16 : i32
      %scan3A_89 = arith.addi %scan3A_87, %scan3A_88 : i32
      %scan3A_90 = arith.constant 1 : i32
      scf.for %scan3A_285 = %scan3A_87 to %scan3A_89 step %scan3A_90  : i32 {
        %mul3A_286 = arith.constant 8 : i32
        %mul3A_287 = arith.muli %scan3A_285, %mul3A_286 : i32
        %add3A_288 = arith.constant 0 : i32
        %add3A_289 = arith.addi %mul3A_287, %add3A_288 : i32
        %mul3A_290 = arith.constant 16 : i32
        %mul3A_291 = arith.muli %add3A_289, %mul3A_290 : i32
        %add3A_292 = arith.constant 6144 : i32
        %add3A_293 = arith.addi %add3A_292, %mul3A_291 : i32
        %get3A = arith.index_cast %add3A_293 : i32 to index
        %get3A_294 = tpu.vector_load %arg7[%get3A] {strides = array<i32>} : memref<16384xi32, #tpu.memory_space<vmem>>, vector<16xi32>,
        %gather3A = tpu.vector_load_idx %arg6[%get3A_294] : memref<100000xf32, #tpu.memory_space<vmem>>[vector<16xi32>], vector<16xf32>,
        %swap3A = arith.constant 3 : i32
        %swap3A_295 = arith.index_cast %swap3A : i32 to index
        %swap3A_296 = arith.index_cast %mul3A_291 : i32 to index
        %swap3A_297 = tpu.vector_load %arg8[%swap3A_295, %swap3A_296] {strides = array<i32>} : memref<4x2048xf32, #tpu.memory_space<vmem>>, vector<16xf32>,
        tpu.vector_store %arg8[%swap3A_295, %swap3A_296], %gather3A {strides = array<i32>} : memref<4x2048xf32, #tpu.memory_space<vmem>>, vector<16xf32>,
        %mul3A_298 = arith.constant 8 : i32
        %mul3A_299 = arith.muli %scan3A_285, %mul3A_298 : i32
        %add3A_300 = arith.constant 1 : i32
        %add3A_301 = arith.addi %mul3A_299, %add3A_300 : i32
        %mul3A_302 = arith.constant 16 : i32
        %mul3A_303 = arith.muli %add3A_301, %mul3A_302 : i32
        %add3A_304 = arith.constant 6144 : i32
        %add3A_305 = arith.addi %add3A_304, %mul3A_303 : i32
        %get3A_306 = arith.index_cast %add3A_305 : i32 to index
        %get3A_307 = tpu.vector_load %arg7[%get3A_306] {strides = array<i32>} : memref<16384xi32, #tpu.memory_space<vmem>>, vector<16xi32>,
        %gather3A_308 = tpu.vector_load_idx %arg6[%get3A_307] : memref<100000xf32, #tpu.memory_space<vmem>>[vector<16xi32>], vector<16xf32>,
        %swap3A_309 = arith.constant 3 : i32
        %swap3A_310 = arith.index_cast %swap3A_309 : i32 to index
        %swap3A_311 = arith.index_cast %mul3A_303 : i32 to index
        %swap3A_312 = tpu.vector_load %arg8[%swap3A_310, %swap3A_311] {strides = array<i32>} : memref<4x2048xf32, #tpu.memory_space<vmem>>, vector<16xf32>,
        tpu.vector_store %arg8[%swap3A_310, %swap3A_311], %gather3A_308 {strides = array<i32>} : memref<4x2048xf32, #tpu.memory_space<vmem>>, vector<16xf32>,
        %mul3A_313 = arith.constant 8 : i32
        %mul3A_314 = arith.muli %scan3A_285, %mul3A_313 : i32
        %add3A_315 = arith.constant 2 : i32
        %add3A_316 = arith.addi %mul3A_314, %add3A_315 : i32
        %mul3A_317 = arith.constant 16 : i32
        %mul3A_318 = arith.muli %add3A_316, %mul3A_317 : i32
        %add3A_319 = arith.constant 6144 : i32
        %add3A_320 = arith.addi %add3A_319, %mul3A_318 : i32
        %get3A_321 = arith.index_cast %add3A_320 : i32 to index
        %get3A_322 = tpu.vector_load %arg7[%get3A_321] {strides = array<i32>} : memref<16384xi32, #tpu.memory_space<vmem>>, vector<16xi32>,
        %gather3A_323 = tpu.vector_load_idx %arg6[%get3A_322] : memref<100000xf32, #tpu.memory_space<vmem>>[vector<16xi32>], vector<16xf32>,
        %swap3A_324 = arith.constant 3 : i32
        %swap3A_325 = arith.index_cast %swap3A_324 : i32 to index
        %swap3A_326 = arith.index_cast %mul3A_318 : i32 to index
        %swap3A_327 = tpu.vector_load %arg8[%swap3A_325, %swap3A_326] {strides = array<i32>} : memref<4x2048xf32, #tpu.memory_space<vmem>>, vector<16xf32>,
        tpu.vector_store %arg8[%swap3A_325, %swap3A_326], %gather3A_323 {strides = array<i32>} : memref<4x2048xf32, #tpu.memory_space<vmem>>, vector<16xf32>,
        %mul3A_328 = arith.constant 8 : i32
        %mul3A_329 = arith.muli %scan3A_285, %mul3A_328 : i32
        %add3A_330 = arith.constant 3 : i32
        %add3A_331 = arith.addi %mul3A_329, %add3A_330 : i32
        %mul3A_332 = arith.constant 16 : i32
        %mul3A_333 = arith.muli %add3A_331, %mul3A_332 : i32
        %add3A_334 = arith.constant 6144 : i32
        %add3A_335 = arith.addi %add3A_334, %mul3A_333 : i32
        %get3A_336 = arith.index_cast %add3A_335 : i32 to index
        %get3A_337 = tpu.vector_load %arg7[%get3A_336] {strides = array<i32>} : memref<16384xi32, #tpu.memory_space<vmem>>, vector<16xi32>,
        %gather3A_338 = tpu.vector_load_idx %arg6[%get3A_337] : memref<100000xf32, #tpu.memory_space<vmem>>[vector<16xi32>], vector<16xf32>,
        %swap3A_339 = arith.constant 3 : i32
        %swap3A_340 = arith.index_cast %swap3A_339 : i32 to index
        %swap3A_341 = arith.index_cast %mul3A_333 : i32 to index
        %swap3A_342 = tpu.vector_load %arg8[%swap3A_340, %swap3A_341] {strides = array<i32>} : memref<4x2048xf32, #tpu.memory_space<vmem>>, vector<16xf32>,
        tpu.vector_store %arg8[%swap3A_340, %swap3A_341], %gather3A_338 {strides = array<i32>} : memref<4x2048xf32, #tpu.memory_space<vmem>>, vector<16xf32>,
        %mul3A_343 = arith.constant 8 : i32
        %mul3A_344 = arith.muli %scan3A_285, %mul3A_343 : i32
        %add3A_345 = arith.constant 4 : i32
        %add3A_346 = arith.addi %mul3A_344, %add3A_345 : i32
        %mul3A_347 = arith.constant 16 : i32
        %mul3A_348 = arith.muli %add3A_346, %mul3A_347 : i32
        %add3A_349 = arith.constant 6144 : i32
        %add3A_350 = arith.addi %add3A_349, %mul3A_348 : i32
        %get3A_351 = arith.index_cast %add3A_350 : i32 to index
        %get3A_352 = tpu.vector_load %arg7[%get3A_351] {strides = array<i32>} : memref<16384xi32, #tpu.memory_space<vmem>>, vector<16xi32>,
        %gather3A_353 = tpu.vector_load_idx %arg6[%get3A_352] : memref<100000xf32, #tpu.memory_space<vmem>>[vector<16xi32>], vector<16xf32>,
        %swap3A_354 = arith.constant 3 : i32
        %swap3A_355 = arith.index_cast %swap3A_354 : i32 to index
        %swap3A_356 = arith.index_cast %mul3A_348 : i32 to index
        %swap3A_357 = tpu.vector_load %arg8[%swap3A_355, %swap3A_356] {strides = array<i32>} : memref<4x2048xf32, #tpu.memory_space<vmem>>, vector<16xf32>,
        tpu.vector_store %arg8[%swap3A_355, %swap3A_356], %gather3A_353 {strides = array<i32>} : memref<4x2048xf32, #tpu.memory_space<vmem>>, vector<16xf32>,
        %mul3A_358 = arith.constant 8 : i32
        %mul3A_359 = arith.muli %scan3A_285, %mul3A_358 : i32
        %add3A_360 = arith.constant 5 : i32
        %add3A_361 = arith.addi %mul3A_359, %add3A_360 : i32
        %mul3A_362 = arith.constant 16 : i32
        %mul3A_363 = arith.muli %add3A_361, %mul3A_362 : i32
        %add3A_364 = arith.constant 6144 : i32
        %add3A_365 = arith.addi %add3A_364, %mul3A_363 : i32
        %get3A_366 = arith.index_cast %add3A_365 : i32 to index
        %get3A_367 = tpu.vector_load %arg7[%get3A_366] {strides = array<i32>} : memref<16384xi32, #tpu.memory_space<vmem>>, vector<16xi32>,
        %gather3A_368 = tpu.vector_load_idx %arg6[%get3A_367] : memref<100000xf32, #tpu.memory_space<vmem>>[vector<16xi32>], vector<16xf32>,
        %swap3A_369 = arith.constant 3 : i32
        %swap3A_370 = arith.index_cast %swap3A_369 : i32 to index
        %swap3A_371 = arith.index_cast %mul3A_363 : i32 to index
        %swap3A_372 = tpu.vector_load %arg8[%swap3A_370, %swap3A_371] {strides = array<i32>} : memref<4x2048xf32, #tpu.memory_space<vmem>>, vector<16xf32>,
        tpu.vector_store %arg8[%swap3A_370, %swap3A_371], %gather3A_368 {strides = array<i32>} : memref<4x2048xf32, #tpu.memory_space<vmem>>, vector<16xf32>,
        %mul3A_373 = arith.constant 8 : i32
        %mul3A_374 = arith.muli %scan3A_285, %mul3A_373 : i32
        %add3A_375 = arith.constant 6 : i32
        %add3A_376 = arith.addi %mul3A_374, %add3A_375 : i32
        %mul3A_377 = arith.constant 16 : i32
        %mul3A_378 = arith.muli %add3A_376, %mul3A_377 : i32
        %add3A_379 = arith.constant 6144 : i32
        %add3A_380 = arith.addi %add3A_379, %mul3A_378 : i32
        %get3A_381 = arith.index_cast %add3A_380 : i32 to index
        %get3A_382 = tpu.vector_load %arg7[%get3A_381] {strides = array<i32>} : memref<16384xi32, #tpu.memory_space<vmem>>, vector<16xi32>,
        %gather3A_383 = tpu.vector_load_idx %arg6[%get3A_382] : memref<100000xf32, #tpu.memory_space<vmem>>[vector<16xi32>], vector<16xf32>,
        %swap3A_384 = arith.constant 3 : i32
        %swap3A_385 = arith.index_cast %swap3A_384 : i32 to index
        %swap3A_386 = arith.index_cast %mul3A_378 : i32 to index
        %swap3A_387 = tpu.vector_load %arg8[%swap3A_385, %swap3A_386] {strides = array<i32>} : memref<4x2048xf32, #tpu.memory_space<vmem>>, vector<16xf32>,
        tpu.vector_store %arg8[%swap3A_385, %swap3A_386], %gather3A_383 {strides = array<i32>} : memref<4x2048xf32, #tpu.memory_space<vmem>>, vector<16xf32>,
        %mul3A_388 = arith.constant 8 : i32
        %mul3A_389 = arith.muli %scan3A_285, %mul3A_388 : i32
        %add3A_390 = arith.constant 7 : i32
        %add3A_391 = arith.addi %mul3A_389, %add3A_390 : i32
        %mul3A_392 = arith.constant 16 : i32
        %mul3A_393 = arith.muli %add3A_391, %mul3A_392 : i32
        %add3A_394 = arith.constant 6144 : i32
        %add3A_395 = arith.addi %add3A_394, %mul3A_393 : i32
        %get3A_396 = arith.index_cast %add3A_395 : i32 to index
        %get3A_397 = tpu.vector_load %arg7[%get3A_396] {strides = array<i32>} : memref<16384xi32, #tpu.memory_space<vmem>>, vector<16xi32>,
        %gather3A_398 = tpu.vector_load_idx %arg6[%get3A_397] : memref<100000xf32, #tpu.memory_space<vmem>>[vector<16xi32>], vector<16xf32>,
        %swap3A_399 = arith.constant 3 : i32
        %swap3A_400 = arith.index_cast %swap3A_399 : i32 to index
        %swap3A_401 = arith.index_cast %mul3A_393 : i32 to index
        %swap3A_402 = tpu.vector_load %arg8[%swap3A_400, %swap3A_401] {strides = array<i32>} : memref<4x2048xf32, #tpu.memory_space<vmem>>, vector<16xf32>,
        tpu.vector_store %arg8[%swap3A_400, %swap3A_401], %gather3A_398 {strides = array<i32>} : memref<4x2048xf32, #tpu.memory_space<vmem>>, vector<16xf32>,
      }
      %scan3A_91 = arith.constant 16 : i32
      %dma_start3A_92 = arith.constant 3 : i32
      %dma_start3A_93 = arith.constant 0 : i32
      %dma_start3A_94 = tpu.memref_slice %arg8[%dma_start3A_92, %dma_start3A_93] : memref<4x2048xf32, #tpu.memory_space<vmem>> -> memref<1x2048xf32, #tpu.memory_space<vmem>>
      %dma_start3A_95 = tpu.memref_squeeze %dma_start3A_94 : memref<1x2048xf32, #tpu.memory_space<vmem>> -> memref<2048xf32, #tpu.memory_space<vmem>>
      %dma_start3A_96 = arith.constant 6144 : i32
      %dma_start3A_97 = tpu.memref_slice %arg5[%add3A_13, %dma_start3A_96] : memref<429x16384xf32, #tpu.memory_space<hbm>> -> memref<1x2048xf32, #tpu.memory_space<hbm>>
      %dma_start3A_98 = tpu.memref_squeeze %dma_start3A_97 : memref<1x2048xf32, #tpu.memory_space<hbm>> -> memref<2048xf32, #tpu.memory_space<hbm>>
      %dma_start3A_99 = arith.constant 6144 : i32
      %dma_start3A_100 = tpu.memref_slice %arg5[%add3A_13, %dma_start3A_99] : memref<429x16384xf32, #tpu.memory_space<hbm>> -> memref<1x2048xf32, #tpu.memory_space<hbm>>
      %dma_start3A_101 = tpu.memref_squeeze %dma_start3A_100 : memref<1x2048xf32, #tpu.memory_space<hbm>> -> memref<2048xf32, #tpu.memory_space<hbm>>
      %dma_start3A_102 = arith.constant 0 : i32
      %dma_start3A_103 = tpu.memref_slice %arg8[%dma_start3A_92, %dma_start3A_102] : memref<4x2048xf32, #tpu.memory_space<vmem>> -> memref<1x2048xf32, #tpu.memory_space<vmem>>
      %dma_start3A_104 = tpu.memref_squeeze %dma_start3A_103 : memref<1x2048xf32, #tpu.memory_space<vmem>> -> memref<2048xf32, #tpu.memory_space<vmem>>
      tpu.enqueue_dma source(%dma_start3A_104 : memref<2048xf32, #tpu.memory_space<vmem>>) target(%dma_start3A_101 : memref<2048xf32, #tpu.memory_space<hbm>>) target_semaphore(%arg11 : memref<!tpu.dma_semaphore, #tpu.memory_space<semaphore_mem>>)
      %dma_wait3A_105 = arith.constant 0 : i32
      %dma_wait3A_106 = arith.constant 0 : i32
      %dma_wait3A_107 = tpu.memref_slice %arg8[%dma_wait3A_105, %dma_wait3A_106] : memref<4x2048xf32, #tpu.memory_space<vmem>> -> memref<1x2048xf32, #tpu.memory_space<vmem>>
      %dma_wait3A_108 = tpu.memref_squeeze %dma_wait3A_107 : memref<1x2048xf32, #tpu.memory_space<vmem>> -> memref<2048xf32, #tpu.memory_space<vmem>>
      %dma_wait3A_109 = arith.constant 0 : i32
      %dma_wait3A_110 = tpu.memref_slice %arg5[%add3A_13, %dma_wait3A_109] : memref<429x16384xf32, #tpu.memory_space<hbm>> -> memref<1x2048xf32, #tpu.memory_space<hbm>>
      %dma_wait3A_111 = tpu.memref_squeeze %dma_wait3A_110 : memref<1x2048xf32, #tpu.memory_space<hbm>> -> memref<2048xf32, #tpu.memory_space<hbm>>
      %dma_wait3A_112 = arith.constant 0 : i32
      %dma_wait3A_113 = tpu.memref_slice %arg5[%add3A_13, %dma_wait3A_112] : memref<429x16384xf32, #tpu.memory_space<hbm>> -> memref<1x2048xf32, #tpu.memory_space<hbm>>
      %dma_wait3A_114 = tpu.memref_squeeze %dma_wait3A_113 : memref<1x2048xf32, #tpu.memory_space<hbm>> -> memref<2048xf32, #tpu.memory_space<hbm>>
      %dma_wait3A_115 = arith.constant 0 : i32
      %dma_wait3A_116 = tpu.memref_slice %arg8[%dma_wait3A_105, %dma_wait3A_115] : memref<4x2048xf32, #tpu.memory_space<vmem>> -> memref<1x2048xf32, #tpu.memory_space<vmem>>
      %dma_wait3A_117 = tpu.memref_squeeze %dma_wait3A_116 : memref<1x2048xf32, #tpu.memory_space<vmem>> -> memref<2048xf32, #tpu.memory_space<vmem>>
      tpu.wait_dma2 semaphore(%arg11 : memref<!tpu.dma_semaphore, #tpu.memory_space<semaphore_mem>>) src(%dma_wait3A_117 : memref<2048xf32, #tpu.memory_space<vmem>>) dst(%dma_wait3A_114 : memref<2048xf32, #tpu.memory_space<hbm>>)
      %scan3A_118 = arith.constant 0 : i32
      %scan3A_119 = arith.constant 0 : i32
      %scan3A_120 = arith.constant 16 : i32
      %scan3A_121 = arith.addi %scan3A_119, %scan3A_120 : i32
      %scan3A_122 = arith.constant 1 : i32
      scf.for %scan3A_285 = %scan3A_119 to %scan3A_121 step %scan3A_122  : i32 {
        %mul3A_286 = arith.constant 8 : i32
        %mul3A_287 = arith.muli %scan3A_285, %mul3A_286 : i32
        %add3A_288 = arith.constant 0 : i32
        %add3A_289 = arith.addi %mul3A_287, %add3A_288 : i32
        %mul3A_290 = arith.constant 16 : i32
        %mul3A_291 = arith.muli %add3A_289, %mul3A_290 : i32
        %add3A_292 = arith.constant 8192 : i32
        %add3A_293 = arith.addi %add3A_292, %mul3A_291 : i32
        %get3A = arith.index_cast %add3A_293 : i32 to index
        %get3A_294 = tpu.vector_load %arg7[%get3A] {strides = array<i32>} : memref<16384xi32, #tpu.memory_space<vmem>>, vector<16xi32>,
        %gather3A = tpu.vector_load_idx %arg6[%get3A_294] : memref<100000xf32, #tpu.memory_space<vmem>>[vector<16xi32>], vector<16xf32>,
        %swap3A = arith.constant 0 : i32
        %swap3A_295 = arith.index_cast %swap3A : i32 to index
        %swap3A_296 = arith.index_cast %mul3A_291 : i32 to index
        %swap3A_297 = tpu.vector_load %arg8[%swap3A_295, %swap3A_296] {strides = array<i32>} : memref<4x2048xf32, #tpu.memory_space<vmem>>, vector<16xf32>,
        tpu.vector_store %arg8[%swap3A_295, %swap3A_296], %gather3A {strides = array<i32>} : memref<4x2048xf32, #tpu.memory_space<vmem>>, vector<16xf32>,
        %mul3A_298 = arith.constant 8 : i32
        %mul3A_299 = arith.muli %scan3A_285, %mul3A_298 : i32
        %add3A_300 = arith.constant 1 : i32
        %add3A_301 = arith.addi %mul3A_299, %add3A_300 : i32
        %mul3A_302 = arith.constant 16 : i32
        %mul3A_303 = arith.muli %add3A_301, %mul3A_302 : i32
        %add3A_304 = arith.constant 8192 : i32
        %add3A_305 = arith.addi %add3A_304, %mul3A_303 : i32
        %get3A_306 = arith.index_cast %add3A_305 : i32 to index
        %get3A_307 = tpu.vector_load %arg7[%get3A_306] {strides = array<i32>} : memref<16384xi32, #tpu.memory_space<vmem>>, vector<16xi32>,
        %gather3A_308 = tpu.vector_load_idx %arg6[%get3A_307] : memref<100000xf32, #tpu.memory_space<vmem>>[vector<16xi32>], vector<16xf32>,
        %swap3A_309 = arith.constant 0 : i32
        %swap3A_310 = arith.index_cast %swap3A_309 : i32 to index
        %swap3A_311 = arith.index_cast %mul3A_303 : i32 to index
        %swap3A_312 = tpu.vector_load %arg8[%swap3A_310, %swap3A_311] {strides = array<i32>} : memref<4x2048xf32, #tpu.memory_space<vmem>>, vector<16xf32>,
        tpu.vector_store %arg8[%swap3A_310, %swap3A_311], %gather3A_308 {strides = array<i32>} : memref<4x2048xf32, #tpu.memory_space<vmem>>, vector<16xf32>,
        %mul3A_313 = arith.constant 8 : i32
        %mul3A_314 = arith.muli %scan3A_285, %mul3A_313 : i32
        %add3A_315 = arith.constant 2 : i32
        %add3A_316 = arith.addi %mul3A_314, %add3A_315 : i32
        %mul3A_317 = arith.constant 16 : i32
        %mul3A_318 = arith.muli %add3A_316, %mul3A_317 : i32
        %add3A_319 = arith.constant 8192 : i32
        %add3A_320 = arith.addi %add3A_319, %mul3A_318 : i32
        %get3A_321 = arith.index_cast %add3A_320 : i32 to index
        %get3A_322 = tpu.vector_load %arg7[%get3A_321] {strides = array<i32>} : memref<16384xi32, #tpu.memory_space<vmem>>, vector<16xi32>,
        %gather3A_323 = tpu.vector_load_idx %arg6[%get3A_322] : memref<100000xf32, #tpu.memory_space<vmem>>[vector<16xi32>], vector<16xf32>,
        %swap3A_324 = arith.constant 0 : i32
        %swap3A_325 = arith.index_cast %swap3A_324 : i32 to index
        %swap3A_326 = arith.index_cast %mul3A_318 : i32 to index
        %swap3A_327 = tpu.vector_load %arg8[%swap3A_325, %swap3A_326] {strides = array<i32>} : memref<4x2048xf32, #tpu.memory_space<vmem>>, vector<16xf32>,
        tpu.vector_store %arg8[%swap3A_325, %swap3A_326], %gather3A_323 {strides = array<i32>} : memref<4x2048xf32, #tpu.memory_space<vmem>>, vector<16xf32>,
        %mul3A_328 = arith.constant 8 : i32
        %mul3A_329 = arith.muli %scan3A_285, %mul3A_328 : i32
        %add3A_330 = arith.constant 3 : i32
        %add3A_331 = arith.addi %mul3A_329, %add3A_330 : i32
        %mul3A_332 = arith.constant 16 : i32
        %mul3A_333 = arith.muli %add3A_331, %mul3A_332 : i32
        %add3A_334 = arith.constant 8192 : i32
        %add3A_335 = arith.addi %add3A_334, %mul3A_333 : i32
        %get3A_336 = arith.index_cast %add3A_335 : i32 to index
        %get3A_337 = tpu.vector_load %arg7[%get3A_336] {strides = array<i32>} : memref<16384xi32, #tpu.memory_space<vmem>>, vector<16xi32>,
        %gather3A_338 = tpu.vector_load_idx %arg6[%get3A_337] : memref<100000xf32, #tpu.memory_space<vmem>>[vector<16xi32>], vector<16xf32>,
        %swap3A_339 = arith.constant 0 : i32
        %swap3A_340 = arith.index_cast %swap3A_339 : i32 to index
        %swap3A_341 = arith.index_cast %mul3A_333 : i32 to index
        %swap3A_342 = tpu.vector_load %arg8[%swap3A_340, %swap3A_341] {strides = array<i32>} : memref<4x2048xf32, #tpu.memory_space<vmem>>, vector<16xf32>,
        tpu.vector_store %arg8[%swap3A_340, %swap3A_341], %gather3A_338 {strides = array<i32>} : memref<4x2048xf32, #tpu.memory_space<vmem>>, vector<16xf32>,
        %mul3A_343 = arith.constant 8 : i32
        %mul3A_344 = arith.muli %scan3A_285, %mul3A_343 : i32
        %add3A_345 = arith.constant 4 : i32
        %add3A_346 = arith.addi %mul3A_344, %add3A_345 : i32
        %mul3A_347 = arith.constant 16 : i32
        %mul3A_348 = arith.muli %add3A_346, %mul3A_347 : i32
        %add3A_349 = arith.constant 8192 : i32
        %add3A_350 = arith.addi %add3A_349, %mul3A_348 : i32
        %get3A_351 = arith.index_cast %add3A_350 : i32 to index
        %get3A_352 = tpu.vector_load %arg7[%get3A_351] {strides = array<i32>} : memref<16384xi32, #tpu.memory_space<vmem>>, vector<16xi32>,
        %gather3A_353 = tpu.vector_load_idx %arg6[%get3A_352] : memref<100000xf32, #tpu.memory_space<vmem>>[vector<16xi32>], vector<16xf32>,
        %swap3A_354 = arith.constant 0 : i32
        %swap3A_355 = arith.index_cast %swap3A_354 : i32 to index
        %swap3A_356 = arith.index_cast %mul3A_348 : i32 to index
        %swap3A_357 = tpu.vector_load %arg8[%swap3A_355, %swap3A_356] {strides = array<i32>} : memref<4x2048xf32, #tpu.memory_space<vmem>>, vector<16xf32>,
        tpu.vector_store %arg8[%swap3A_355, %swap3A_356], %gather3A_353 {strides = array<i32>} : memref<4x2048xf32, #tpu.memory_space<vmem>>, vector<16xf32>,
        %mul3A_358 = arith.constant 8 : i32
        %mul3A_359 = arith.muli %scan3A_285, %mul3A_358 : i32
        %add3A_360 = arith.constant 5 : i32
        %add3A_361 = arith.addi %mul3A_359, %add3A_360 : i32
        %mul3A_362 = arith.constant 16 : i32
        %mul3A_363 = arith.muli %add3A_361, %mul3A_362 : i32
        %add3A_364 = arith.constant 8192 : i32
        %add3A_365 = arith.addi %add3A_364, %mul3A_363 : i32
        %get3A_366 = arith.index_cast %add3A_365 : i32 to index
        %get3A_367 = tpu.vector_load %arg7[%get3A_366] {strides = array<i32>} : memref<16384xi32, #tpu.memory_space<vmem>>, vector<16xi32>,
        %gather3A_368 = tpu.vector_load_idx %arg6[%get3A_367] : memref<100000xf32, #tpu.memory_space<vmem>>[vector<16xi32>], vector<16xf32>,
        %swap3A_369 = arith.constant 0 : i32
        %swap3A_370 = arith.index_cast %swap3A_369 : i32 to index
        %swap3A_371 = arith.index_cast %mul3A_363 : i32 to index
        %swap3A_372 = tpu.vector_load %arg8[%swap3A_370, %swap3A_371] {strides = array<i32>} : memref<4x2048xf32, #tpu.memory_space<vmem>>, vector<16xf32>,
        tpu.vector_store %arg8[%swap3A_370, %swap3A_371], %gather3A_368 {strides = array<i32>} : memref<4x2048xf32, #tpu.memory_space<vmem>>, vector<16xf32>,
        %mul3A_373 = arith.constant 8 : i32
        %mul3A_374 = arith.muli %scan3A_285, %mul3A_373 : i32
        %add3A_375 = arith.constant 6 : i32
        %add3A_376 = arith.addi %mul3A_374, %add3A_375 : i32
        %mul3A_377 = arith.constant 16 : i32
        %mul3A_378 = arith.muli %add3A_376, %mul3A_377 : i32
        %add3A_379 = arith.constant 8192 : i32
        %add3A_380 = arith.addi %add3A_379, %mul3A_378 : i32
        %get3A_381 = arith.index_cast %add3A_380 : i32 to index
        %get3A_382 = tpu.vector_load %arg7[%get3A_381] {strides = array<i32>} : memref<16384xi32, #tpu.memory_space<vmem>>, vector<16xi32>,
        %gather3A_383 = tpu.vector_load_idx %arg6[%get3A_382] : memref<100000xf32, #tpu.memory_space<vmem>>[vector<16xi32>], vector<16xf32>,
        %swap3A_384 = arith.constant 0 : i32
        %swap3A_385 = arith.index_cast %swap3A_384 : i32 to index
        %swap3A_386 = arith.index_cast %mul3A_378 : i32 to index
        %swap3A_387 = tpu.vector_load %arg8[%swap3A_385, %swap3A_386] {strides = array<i32>} : memref<4x2048xf32, #tpu.memory_space<vmem>>, vector<16xf32>,
        tpu.vector_store %arg8[%swap3A_385, %swap3A_386], %gather3A_383 {strides = array<i32>} : memref<4x2048xf32, #tpu.memory_space<vmem>>, vector<16xf32>,
        %mul3A_388 = arith.constant 8 : i32
        %mul3A_389 = arith.muli %scan3A_285, %mul3A_388 : i32
        %add3A_390 = arith.constant 7 : i32
        %add3A_391 = arith.addi %mul3A_389, %add3A_390 : i32
        %mul3A_392 = arith.constant 16 : i32
        %mul3A_393 = arith.muli %add3A_391, %mul3A_392 : i32
        %add3A_394 = arith.constant 8192 : i32
        %add3A_395 = arith.addi %add3A_394, %mul3A_393 : i32
        %get3A_396 = arith.index_cast %add3A_395 : i32 to index
        %get3A_397 = tpu.vector_load %arg7[%get3A_396] {strides = array<i32>} : memref<16384xi32, #tpu.memory_space<vmem>>, vector<16xi32>,
        %gather3A_398 = tpu.vector_load_idx %arg6[%get3A_397] : memref<100000xf32, #tpu.memory_space<vmem>>[vector<16xi32>], vector<16xf32>,
        %swap3A_399 = arith.constant 0 : i32
        %swap3A_400 = arith.index_cast %swap3A_399 : i32 to index
        %swap3A_401 = arith.index_cast %mul3A_393 : i32 to index
        %swap3A_402 = tpu.vector_load %arg8[%swap3A_400, %swap3A_401] {strides = array<i32>} : memref<4x2048xf32, #tpu.memory_space<vmem>>, vector<16xf32>,
        tpu.vector_store %arg8[%swap3A_400, %swap3A_401], %gather3A_398 {strides = array<i32>} : memref<4x2048xf32, #tpu.memory_space<vmem>>, vector<16xf32>,
      }
      %scan3A_123 = arith.constant 16 : i32
      %dma_start3A_124 = arith.constant 0 : i32
      %dma_start3A_125 = arith.constant 0 : i32
      %dma_start3A_126 = tpu.memref_slice %arg8[%dma_start3A_124, %dma_start3A_125] : memref<4x2048xf32, #tpu.memory_space<vmem>> -> memref<1x2048xf32, #tpu.memory_space<vmem>>
      %dma_start3A_127 = tpu.memref_squeeze %dma_start3A_126 : memref<1x2048xf32, #tpu.memory_space<vmem>> -> memref<2048xf32, #tpu.memory_space<vmem>>
      %dma_start3A_128 = arith.constant 8192 : i32
      %dma_start3A_129 = tpu.memref_slice %arg5[%add3A_13, %dma_start3A_128] : memref<429x16384xf32, #tpu.memory_space<hbm>> -> memref<1x2048xf32, #tpu.memory_space<hbm>>
      %dma_start3A_130 = tpu.memref_squeeze %dma_start3A_129 : memref<1x2048xf32, #tpu.memory_space<hbm>> -> memref<2048xf32, #tpu.memory_space<hbm>>
      %dma_start3A_131 = arith.constant 8192 : i32
      %dma_start3A_132 = tpu.memref_slice %arg5[%add3A_13, %dma_start3A_131] : memref<429x16384xf32, #tpu.memory_space<hbm>> -> memref<1x2048xf32, #tpu.memory_space<hbm>>
      %dma_start3A_133 = tpu.memref_squeeze %dma_start3A_132 : memref<1x2048xf32, #tpu.memory_space<hbm>> -> memref<2048xf32, #tpu.memory_space<hbm>>
      %dma_start3A_134 = arith.constant 0 : i32
      %dma_start3A_135 = tpu.memref_slice %arg8[%dma_start3A_124, %dma_start3A_134] : memref<4x2048xf32, #tpu.memory_space<vmem>> -> memref<1x2048xf32, #tpu.memory_space<vmem>>
      %dma_start3A_136 = tpu.memref_squeeze %dma_start3A_135 : memref<1x2048xf32, #tpu.memory_space<vmem>> -> memref<2048xf32, #tpu.memory_space<vmem>>
      tpu.enqueue_dma source(%dma_start3A_136 : memref<2048xf32, #tpu.memory_space<vmem>>) target(%dma_start3A_133 : memref<2048xf32, #tpu.memory_space<hbm>>) target_semaphore(%arg11 : memref<!tpu.dma_semaphore, #tpu.memory_space<semaphore_mem>>)
      %dma_wait3A_137 = arith.constant 1 : i32
      %dma_wait3A_138 = arith.constant 0 : i32
      %dma_wait3A_139 = tpu.memref_slice %arg8[%dma_wait3A_137, %dma_wait3A_138] : memref<4x2048xf32, #tpu.memory_space<vmem>> -> memref<1x2048xf32, #tpu.memory_space<vmem>>
      %dma_wait3A_140 = tpu.memref_squeeze %dma_wait3A_139 : memref<1x2048xf32, #tpu.memory_space<vmem>> -> memref<2048xf32, #tpu.memory_space<vmem>>
      %dma_wait3A_141 = arith.constant 2048 : i32
      %dma_wait3A_142 = tpu.memref_slice %arg5[%add3A_13, %dma_wait3A_141] : memref<429x16384xf32, #tpu.memory_space<hbm>> -> memref<1x2048xf32, #tpu.memory_space<hbm>>
      %dma_wait3A_143 = tpu.memref_squeeze %dma_wait3A_142 : memref<1x2048xf32, #tpu.memory_space<hbm>> -> memref<2048xf32, #tpu.memory_space<hbm>>
      %dma_wait3A_144 = arith.constant 2048 : i32
      %dma_wait3A_145 = tpu.memref_slice %arg5[%add3A_13, %dma_wait3A_144] : memref<429x16384xf32, #tpu.memory_space<hbm>> -> memref<1x2048xf32, #tpu.memory_space<hbm>>
      %dma_wait3A_146 = tpu.memref_squeeze %dma_wait3A_145 : memref<1x2048xf32, #tpu.memory_space<hbm>> -> memref<2048xf32, #tpu.memory_space<hbm>>
      %dma_wait3A_147 = arith.constant 0 : i32
      %dma_wait3A_148 = tpu.memref_slice %arg8[%dma_wait3A_137, %dma_wait3A_147] : memref<4x2048xf32, #tpu.memory_space<vmem>> -> memref<1x2048xf32, #tpu.memory_space<vmem>>
      %dma_wait3A_149 = tpu.memref_squeeze %dma_wait3A_148 : memref<1x2048xf32, #tpu.memory_space<vmem>> -> memref<2048xf32, #tpu.memory_space<vmem>>
      tpu.wait_dma2 semaphore(%arg11 : memref<!tpu.dma_semaphore, #tpu.memory_space<semaphore_mem>>) src(%dma_wait3A_149 : memref<2048xf32, #tpu.memory_space<vmem>>) dst(%dma_wait3A_146 : memref<2048xf32, #tpu.memory_space<hbm>>)
      %scan3A_150 = arith.constant 0 : i32
      %scan3A_151 = arith.constant 0 : i32
      %scan3A_152 = arith.constant 16 : i32
      %scan3A_153 = arith.addi %scan3A_151, %scan3A_152 : i32
      %scan3A_154 = arith.constant 1 : i32
      scf.for %scan3A_285 = %scan3A_151 to %scan3A_153 step %scan3A_154  : i32 {
        %mul3A_286 = arith.constant 8 : i32
        %mul3A_287 = arith.muli %scan3A_285, %mul3A_286 : i32
        %add3A_288 = arith.constant 0 : i32
        %add3A_289 = arith.addi %mul3A_287, %add3A_288 : i32
        %mul3A_290 = arith.constant 16 : i32
        %mul3A_291 = arith.muli %add3A_289, %mul3A_290 : i32
        %add3A_292 = arith.constant 10240 : i32
        %add3A_293 = arith.addi %add3A_292, %mul3A_291 : i32
        %get3A = arith.index_cast %add3A_293 : i32 to index
        %get3A_294 = tpu.vector_load %arg7[%get3A] {strides = array<i32>} : memref<16384xi32, #tpu.memory_space<vmem>>, vector<16xi32>,
        %gather3A = tpu.vector_load_idx %arg6[%get3A_294] : memref<100000xf32, #tpu.memory_space<vmem>>[vector<16xi32>], vector<16xf32>,
        %swap3A = arith.constant 1 : i32
        %swap3A_295 = arith.index_cast %swap3A : i32 to index
        %swap3A_296 = arith.index_cast %mul3A_291 : i32 to index
        %swap3A_297 = tpu.vector_load %arg8[%swap3A_295, %swap3A_296] {strides = array<i32>} : memref<4x2048xf32, #tpu.memory_space<vmem>>, vector<16xf32>,
        tpu.vector_store %arg8[%swap3A_295, %swap3A_296], %gather3A {strides = array<i32>} : memref<4x2048xf32, #tpu.memory_space<vmem>>, vector<16xf32>,
        %mul3A_298 = arith.constant 8 : i32
        %mul3A_299 = arith.muli %scan3A_285, %mul3A_298 : i32
        %add3A_300 = arith.constant 1 : i32
        %add3A_301 = arith.addi %mul3A_299, %add3A_300 : i32
        %mul3A_302 = arith.constant 16 : i32
        %mul3A_303 = arith.muli %add3A_301, %mul3A_302 : i32
        %add3A_304 = arith.constant 10240 : i32
        %add3A_305 = arith.addi %add3A_304, %mul3A_303 : i32
        %get3A_306 = arith.index_cast %add3A_305 : i32 to index
        %get3A_307 = tpu.vector_load %arg7[%get3A_306] {strides = array<i32>} : memref<16384xi32, #tpu.memory_space<vmem>>, vector<16xi32>,
        %gather3A_308 = tpu.vector_load_idx %arg6[%get3A_307] : memref<100000xf32, #tpu.memory_space<vmem>>[vector<16xi32>], vector<16xf32>,
        %swap3A_309 = arith.constant 1 : i32
        %swap3A_310 = arith.index_cast %swap3A_309 : i32 to index
        %swap3A_311 = arith.index_cast %mul3A_303 : i32 to index
        %swap3A_312 = tpu.vector_load %arg8[%swap3A_310, %swap3A_311] {strides = array<i32>} : memref<4x2048xf32, #tpu.memory_space<vmem>>, vector<16xf32>,
        tpu.vector_store %arg8[%swap3A_310, %swap3A_311], %gather3A_308 {strides = array<i32>} : memref<4x2048xf32, #tpu.memory_space<vmem>>, vector<16xf32>,
        %mul3A_313 = arith.constant 8 : i32
        %mul3A_314 = arith.muli %scan3A_285, %mul3A_313 : i32
        %add3A_315 = arith.constant 2 : i32
        %add3A_316 = arith.addi %mul3A_314, %add3A_315 : i32
        %mul3A_317 = arith.constant 16 : i32
        %mul3A_318 = arith.muli %add3A_316, %mul3A_317 : i32
        %add3A_319 = arith.constant 10240 : i32
        %add3A_320 = arith.addi %add3A_319, %mul3A_318 : i32
        %get3A_321 = arith.index_cast %add3A_320 : i32 to index
        %get3A_322 = tpu.vector_load %arg7[%get3A_321] {strides = array<i32>} : memref<16384xi32, #tpu.memory_space<vmem>>, vector<16xi32>,
        %gather3A_323 = tpu.vector_load_idx %arg6[%get3A_322] : memref<100000xf32, #tpu.memory_space<vmem>>[vector<16xi32>], vector<16xf32>,
        %swap3A_324 = arith.constant 1 : i32
        %swap3A_325 = arith.index_cast %swap3A_324 : i32 to index
        %swap3A_326 = arith.index_cast %mul3A_318 : i32 to index
        %swap3A_327 = tpu.vector_load %arg8[%swap3A_325, %swap3A_326] {strides = array<i32>} : memref<4x2048xf32, #tpu.memory_space<vmem>>, vector<16xf32>,
        tpu.vector_store %arg8[%swap3A_325, %swap3A_326], %gather3A_323 {strides = array<i32>} : memref<4x2048xf32, #tpu.memory_space<vmem>>, vector<16xf32>,
        %mul3A_328 = arith.constant 8 : i32
        %mul3A_329 = arith.muli %scan3A_285, %mul3A_328 : i32
        %add3A_330 = arith.constant 3 : i32
        %add3A_331 = arith.addi %mul3A_329, %add3A_330 : i32
        %mul3A_332 = arith.constant 16 : i32
        %mul3A_333 = arith.muli %add3A_331, %mul3A_332 : i32
        %add3A_334 = arith.constant 10240 : i32
        %add3A_335 = arith.addi %add3A_334, %mul3A_333 : i32
        %get3A_336 = arith.index_cast %add3A_335 : i32 to index
        %get3A_337 = tpu.vector_load %arg7[%get3A_336] {strides = array<i32>} : memref<16384xi32, #tpu.memory_space<vmem>>, vector<16xi32>,
        %gather3A_338 = tpu.vector_load_idx %arg6[%get3A_337] : memref<100000xf32, #tpu.memory_space<vmem>>[vector<16xi32>], vector<16xf32>,
        %swap3A_339 = arith.constant 1 : i32
        %swap3A_340 = arith.index_cast %swap3A_339 : i32 to index
        %swap3A_341 = arith.index_cast %mul3A_333 : i32 to index
        %swap3A_342 = tpu.vector_load %arg8[%swap3A_340, %swap3A_341] {strides = array<i32>} : memref<4x2048xf32, #tpu.memory_space<vmem>>, vector<16xf32>,
        tpu.vector_store %arg8[%swap3A_340, %swap3A_341], %gather3A_338 {strides = array<i32>} : memref<4x2048xf32, #tpu.memory_space<vmem>>, vector<16xf32>,
        %mul3A_343 = arith.constant 8 : i32
        %mul3A_344 = arith.muli %scan3A_285, %mul3A_343 : i32
        %add3A_345 = arith.constant 4 : i32
        %add3A_346 = arith.addi %mul3A_344, %add3A_345 : i32
        %mul3A_347 = arith.constant 16 : i32
        %mul3A_348 = arith.muli %add3A_346, %mul3A_347 : i32
        %add3A_349 = arith.constant 10240 : i32
        %add3A_350 = arith.addi %add3A_349, %mul3A_348 : i32
        %get3A_351 = arith.index_cast %add3A_350 : i32 to index
        %get3A_352 = tpu.vector_load %arg7[%get3A_351] {strides = array<i32>} : memref<16384xi32, #tpu.memory_space<vmem>>, vector<16xi32>,
        %gather3A_353 = tpu.vector_load_idx %arg6[%get3A_352] : memref<100000xf32, #tpu.memory_space<vmem>>[vector<16xi32>], vector<16xf32>,
        %swap3A_354 = arith.constant 1 : i32
        %swap3A_355 = arith.index_cast %swap3A_354 : i32 to index
        %swap3A_356 = arith.index_cast %mul3A_348 : i32 to index
        %swap3A_357 = tpu.vector_load %arg8[%swap3A_355, %swap3A_356] {strides = array<i32>} : memref<4x2048xf32, #tpu.memory_space<vmem>>, vector<16xf32>,
        tpu.vector_store %arg8[%swap3A_355, %swap3A_356], %gather3A_353 {strides = array<i32>} : memref<4x2048xf32, #tpu.memory_space<vmem>>, vector<16xf32>,
        %mul3A_358 = arith.constant 8 : i32
        %mul3A_359 = arith.muli %scan3A_285, %mul3A_358 : i32
        %add3A_360 = arith.constant 5 : i32
        %add3A_361 = arith.addi %mul3A_359, %add3A_360 : i32
        %mul3A_362 = arith.constant 16 : i32
        %mul3A_363 = arith.muli %add3A_361, %mul3A_362 : i32
        %add3A_364 = arith.constant 10240 : i32
        %add3A_365 = arith.addi %add3A_364, %mul3A_363 : i32
        %get3A_366 = arith.index_cast %add3A_365 : i32 to index
        %get3A_367 = tpu.vector_load %arg7[%get3A_366] {strides = array<i32>} : memref<16384xi32, #tpu.memory_space<vmem>>, vector<16xi32>,
        %gather3A_368 = tpu.vector_load_idx %arg6[%get3A_367] : memref<100000xf32, #tpu.memory_space<vmem>>[vector<16xi32>], vector<16xf32>,
        %swap3A_369 = arith.constant 1 : i32
        %swap3A_370 = arith.index_cast %swap3A_369 : i32 to index
        %swap3A_371 = arith.index_cast %mul3A_363 : i32 to index
        %swap3A_372 = tpu.vector_load %arg8[%swap3A_370, %swap3A_371] {strides = array<i32>} : memref<4x2048xf32, #tpu.memory_space<vmem>>, vector<16xf32>,
        tpu.vector_store %arg8[%swap3A_370, %swap3A_371], %gather3A_368 {strides = array<i32>} : memref<4x2048xf32, #tpu.memory_space<vmem>>, vector<16xf32>,
        %mul3A_373 = arith.constant 8 : i32
        %mul3A_374 = arith.muli %scan3A_285, %mul3A_373 : i32
        %add3A_375 = arith.constant 6 : i32
        %add3A_376 = arith.addi %mul3A_374, %add3A_375 : i32
        %mul3A_377 = arith.constant 16 : i32
        %mul3A_378 = arith.muli %add3A_376, %mul3A_377 : i32
        %add3A_379 = arith.constant 10240 : i32
        %add3A_380 = arith.addi %add3A_379, %mul3A_378 : i32
        %get3A_381 = arith.index_cast %add3A_380 : i32 to index
        %get3A_382 = tpu.vector_load %arg7[%get3A_381] {strides = array<i32>} : memref<16384xi32, #tpu.memory_space<vmem>>, vector<16xi32>,
        %gather3A_383 = tpu.vector_load_idx %arg6[%get3A_382] : memref<100000xf32, #tpu.memory_space<vmem>>[vector<16xi32>], vector<16xf32>,
        %swap3A_384 = arith.constant 1 : i32
        %swap3A_385 = arith.index_cast %swap3A_384 : i32 to index
        %swap3A_386 = arith.index_cast %mul3A_378 : i32 to index
        %swap3A_387 = tpu.vector_load %arg8[%swap3A_385, %swap3A_386] {strides = array<i32>} : memref<4x2048xf32, #tpu.memory_space<vmem>>, vector<16xf32>,
        tpu.vector_store %arg8[%swap3A_385, %swap3A_386], %gather3A_383 {strides = array<i32>} : memref<4x2048xf32, #tpu.memory_space<vmem>>, vector<16xf32>,
        %mul3A_388 = arith.constant 8 : i32
        %mul3A_389 = arith.muli %scan3A_285, %mul3A_388 : i32
        %add3A_390 = arith.constant 7 : i32
        %add3A_391 = arith.addi %mul3A_389, %add3A_390 : i32
        %mul3A_392 = arith.constant 16 : i32
        %mul3A_393 = arith.muli %add3A_391, %mul3A_392 : i32
        %add3A_394 = arith.constant 10240 : i32
        %add3A_395 = arith.addi %add3A_394, %mul3A_393 : i32
        %get3A_396 = arith.index_cast %add3A_395 : i32 to index
        %get3A_397 = tpu.vector_load %arg7[%get3A_396] {strides = array<i32>} : memref<16384xi32, #tpu.memory_space<vmem>>, vector<16xi32>,
        %gather3A_398 = tpu.vector_load_idx %arg6[%get3A_397] : memref<100000xf32, #tpu.memory_space<vmem>>[vector<16xi32>], vector<16xf32>,
        %swap3A_399 = arith.constant 1 : i32
        %swap3A_400 = arith.index_cast %swap3A_399 : i32 to index
        %swap3A_401 = arith.index_cast %mul3A_393 : i32 to index
        %swap3A_402 = tpu.vector_load %arg8[%swap3A_400, %swap3A_401] {strides = array<i32>} : memref<4x2048xf32, #tpu.memory_space<vmem>>, vector<16xf32>,
        tpu.vector_store %arg8[%swap3A_400, %swap3A_401], %gather3A_398 {strides = array<i32>} : memref<4x2048xf32, #tpu.memory_space<vmem>>, vector<16xf32>,
      }
      %scan3A_155 = arith.constant 16 : i32
      %dma_start3A_156 = arith.constant 1 : i32
      %dma_start3A_157 = arith.constant 0 : i32
      %dma_start3A_158 = tpu.memref_slice %arg8[%dma_start3A_156, %dma_start3A_157] : memref<4x2048xf32, #tpu.memory_space<vmem>> -> memref<1x2048xf32, #tpu.memory_space<vmem>>
      %dma_start3A_159 = tpu.memref_squeeze %dma_start3A_158 : memref<1x2048xf32, #tpu.memory_space<vmem>> -> memref<2048xf32, #tpu.memory_space<vmem>>
      %dma_start3A_160 = arith.constant 10240 : i32
      %dma_start3A_161 = tpu.memref_slice %arg5[%add3A_13, %dma_start3A_160] : memref<429x16384xf32, #tpu.memory_space<hbm>> -> memref<1x2048xf32, #tpu.memory_space<hbm>>
      %dma_start3A_162 = tpu.memref_squeeze %dma_start3A_161 : memref<1x2048xf32, #tpu.memory_space<hbm>> -> memref<2048xf32, #tpu.memory_space<hbm>>
      %dma_start3A_163 = arith.constant 10240 : i32
      %dma_start3A_164 = tpu.memref_slice %arg5[%add3A_13, %dma_start3A_163] : memref<429x16384xf32, #tpu.memory_space<hbm>> -> memref<1x2048xf32, #tpu.memory_space<hbm>>
      %dma_start3A_165 = tpu.memref_squeeze %dma_start3A_164 : memref<1x2048xf32, #tpu.memory_space<hbm>> -> memref<2048xf32, #tpu.memory_space<hbm>>
      %dma_start3A_166 = arith.constant 0 : i32
      %dma_start3A_167 = tpu.memref_slice %arg8[%dma_start3A_156, %dma_start3A_166] : memref<4x2048xf32, #tpu.memory_space<vmem>> -> memref<1x2048xf32, #tpu.memory_space<vmem>>
      %dma_start3A_168 = tpu.memref_squeeze %dma_start3A_167 : memref<1x2048xf32, #tpu.memory_space<vmem>> -> memref<2048xf32, #tpu.memory_space<vmem>>
      tpu.enqueue_dma source(%dma_start3A_168 : memref<2048xf32, #tpu.memory_space<vmem>>) target(%dma_start3A_165 : memref<2048xf32, #tpu.memory_space<hbm>>) target_semaphore(%arg11 : memref<!tpu.dma_semaphore, #tpu.memory_space<semaphore_mem>>)
      %dma_wait3A_169 = arith.constant 2 : i32
      %dma_wait3A_170 = arith.constant 0 : i32
      %dma_wait3A_171 = tpu.memref_slice %arg8[%dma_wait3A_169, %dma_wait3A_170] : memref<4x2048xf32, #tpu.memory_space<vmem>> -> memref<1x2048xf32, #tpu.memory_space<vmem>>
      %dma_wait3A_172 = tpu.memref_squeeze %dma_wait3A_171 : memref<1x2048xf32, #tpu.memory_space<vmem>> -> memref<2048xf32, #tpu.memory_space<vmem>>
      %dma_wait3A_173 = arith.constant 4096 : i32
      %dma_wait3A_174 = tpu.memref_slice %arg5[%add3A_13, %dma_wait3A_173] : memref<429x16384xf32, #tpu.memory_space<hbm>> -> memref<1x2048xf32, #tpu.memory_space<hbm>>
      %dma_wait3A_175 = tpu.memref_squeeze %dma_wait3A_174 : memref<1x2048xf32, #tpu.memory_space<hbm>> -> memref<2048xf32, #tpu.memory_space<hbm>>
      %dma_wait3A_176 = arith.constant 4096 : i32
      %dma_wait3A_177 = tpu.memref_slice %arg5[%add3A_13, %dma_wait3A_176] : memref<429x16384xf32, #tpu.memory_space<hbm>> -> memref<1x2048xf32, #tpu.memory_space<hbm>>
      %dma_wait3A_178 = tpu.memref_squeeze %dma_wait3A_177 : memref<1x2048xf32, #tpu.memory_space<hbm>> -> memref<2048xf32, #tpu.memory_space<hbm>>
      %dma_wait3A_179 = arith.constant 0 : i32
      %dma_wait3A_180 = tpu.memref_slice %arg8[%dma_wait3A_169, %dma_wait3A_179] : memref<4x2048xf32, #tpu.memory_space<vmem>> -> memref<1x2048xf32, #tpu.memory_space<vmem>>
      %dma_wait3A_181 = tpu.memref_squeeze %dma_wait3A_180 : memref<1x2048xf32, #tpu.memory_space<vmem>> -> memref<2048xf32, #tpu.memory_space<vmem>>
      tpu.wait_dma2 semaphore(%arg11 : memref<!tpu.dma_semaphore, #tpu.memory_space<semaphore_mem>>) src(%dma_wait3A_181 : memref<2048xf32, #tpu.memory_space<vmem>>) dst(%dma_wait3A_178 : memref<2048xf32, #tpu.memory_space<hbm>>)
      %scan3A_182 = arith.constant 0 : i32
      %scan3A_183 = arith.constant 0 : i32
      %scan3A_184 = arith.constant 16 : i32
      %scan3A_185 = arith.addi %scan3A_183, %scan3A_184 : i32
      %scan3A_186 = arith.constant 1 : i32
      scf.for %scan3A_285 = %scan3A_183 to %scan3A_185 step %scan3A_186  : i32 {
        %mul3A_286 = arith.constant 8 : i32
        %mul3A_287 = arith.muli %scan3A_285, %mul3A_286 : i32
        %add3A_288 = arith.constant 0 : i32
        %add3A_289 = arith.addi %mul3A_287, %add3A_288 : i32
        %mul3A_290 = arith.constant 16 : i32
        %mul3A_291 = arith.muli %add3A_289, %mul3A_290 : i32
        %add3A_292 = arith.constant 12288 : i32
        %add3A_293 = arith.addi %add3A_292, %mul3A_291 : i32
        %get3A = arith.index_cast %add3A_293 : i32 to index
        %get3A_294 = tpu.vector_load %arg7[%get3A] {strides = array<i32>} : memref<16384xi32, #tpu.memory_space<vmem>>, vector<16xi32>,
        %gather3A = tpu.vector_load_idx %arg6[%get3A_294] : memref<100000xf32, #tpu.memory_space<vmem>>[vector<16xi32>], vector<16xf32>,
        %swap3A = arith.constant 2 : i32
        %swap3A_295 = arith.index_cast %swap3A : i32 to index
        %swap3A_296 = arith.index_cast %mul3A_291 : i32 to index
        %swap3A_297 = tpu.vector_load %arg8[%swap3A_295, %swap3A_296] {strides = array<i32>} : memref<4x2048xf32, #tpu.memory_space<vmem>>, vector<16xf32>,
        tpu.vector_store %arg8[%swap3A_295, %swap3A_296], %gather3A {strides = array<i32>} : memref<4x2048xf32, #tpu.memory_space<vmem>>, vector<16xf32>,
        %mul3A_298 = arith.constant 8 : i32
        %mul3A_299 = arith.muli %scan3A_285, %mul3A_298 : i32
        %add3A_300 = arith.constant 1 : i32
        %add3A_301 = arith.addi %mul3A_299, %add3A_300 : i32
        %mul3A_302 = arith.constant 16 : i32
        %mul3A_303 = arith.muli %add3A_301, %mul3A_302 : i32
        %add3A_304 = arith.constant 12288 : i32
        %add3A_305 = arith.addi %add3A_304, %mul3A_303 : i32
        %get3A_306 = arith.index_cast %add3A_305 : i32 to index
        %get3A_307 = tpu.vector_load %arg7[%get3A_306] {strides = array<i32>} : memref<16384xi32, #tpu.memory_space<vmem>>, vector<16xi32>,
        %gather3A_308 = tpu.vector_load_idx %arg6[%get3A_307] : memref<100000xf32, #tpu.memory_space<vmem>>[vector<16xi32>], vector<16xf32>,
        %swap3A_309 = arith.constant 2 : i32
        %swap3A_310 = arith.index_cast %swap3A_309 : i32 to index
        %swap3A_311 = arith.index_cast %mul3A_303 : i32 to index
        %swap3A_312 = tpu.vector_load %arg8[%swap3A_310, %swap3A_311] {strides = array<i32>} : memref<4x2048xf32, #tpu.memory_space<vmem>>, vector<16xf32>,
        tpu.vector_store %arg8[%swap3A_310, %swap3A_311], %gather3A_308 {strides = array<i32>} : memref<4x2048xf32, #tpu.memory_space<vmem>>, vector<16xf32>,
        %mul3A_313 = arith.constant 8 : i32
        %mul3A_314 = arith.muli %scan3A_285, %mul3A_313 : i32
        %add3A_315 = arith.constant 2 : i32
        %add3A_316 = arith.addi %mul3A_314, %add3A_315 : i32
        %mul3A_317 = arith.constant 16 : i32
        %mul3A_318 = arith.muli %add3A_316, %mul3A_317 : i32
        %add3A_319 = arith.constant 12288 : i32
        %add3A_320 = arith.addi %add3A_319, %mul3A_318 : i32
        %get3A_321 = arith.index_cast %add3A_320 : i32 to index
        %get3A_322 = tpu.vector_load %arg7[%get3A_321] {strides = array<i32>} : memref<16384xi32, #tpu.memory_space<vmem>>, vector<16xi32>,
        %gather3A_323 = tpu.vector_load_idx %arg6[%get3A_322] : memref<100000xf32, #tpu.memory_space<vmem>>[vector<16xi32>], vector<16xf32>,
        %swap3A_324 = arith.constant 2 : i32
        %swap3A_325 = arith.index_cast %swap3A_324 : i32 to index
        %swap3A_326 = arith.index_cast %mul3A_318 : i32 to index
        %swap3A_327 = tpu.vector_load %arg8[%swap3A_325, %swap3A_326] {strides = array<i32>} : memref<4x2048xf32, #tpu.memory_space<vmem>>, vector<16xf32>,
        tpu.vector_store %arg8[%swap3A_325, %swap3A_326], %gather3A_323 {strides = array<i32>} : memref<4x2048xf32, #tpu.memory_space<vmem>>, vector<16xf32>,
        %mul3A_328 = arith.constant 8 : i32
        %mul3A_329 = arith.muli %scan3A_285, %mul3A_328 : i32
        %add3A_330 = arith.constant 3 : i32
        %add3A_331 = arith.addi %mul3A_329, %add3A_330 : i32
        %mul3A_332 = arith.constant 16 : i32
        %mul3A_333 = arith.muli %add3A_331, %mul3A_332 : i32
        %add3A_334 = arith.constant 12288 : i32
        %add3A_335 = arith.addi %add3A_334, %mul3A_333 : i32
        %get3A_336 = arith.index_cast %add3A_335 : i32 to index
        %get3A_337 = tpu.vector_load %arg7[%get3A_336] {strides = array<i32>} : memref<16384xi32, #tpu.memory_space<vmem>>, vector<16xi32>,
        %gather3A_338 = tpu.vector_load_idx %arg6[%get3A_337] : memref<100000xf32, #tpu.memory_space<vmem>>[vector<16xi32>], vector<16xf32>,
        %swap3A_339 = arith.constant 2 : i32
        %swap3A_340 = arith.index_cast %swap3A_339 : i32 to index
        %swap3A_341 = arith.index_cast %mul3A_333 : i32 to index
        %swap3A_342 = tpu.vector_load %arg8[%swap3A_340, %swap3A_341] {strides = array<i32>} : memref<4x2048xf32, #tpu.memory_space<vmem>>, vector<16xf32>,
        tpu.vector_store %arg8[%swap3A_340, %swap3A_341], %gather3A_338 {strides = array<i32>} : memref<4x2048xf32, #tpu.memory_space<vmem>>, vector<16xf32>,
        %mul3A_343 = arith.constant 8 : i32
        %mul3A_344 = arith.muli %scan3A_285, %mul3A_343 : i32
        %add3A_345 = arith.constant 4 : i32
        %add3A_346 = arith.addi %mul3A_344, %add3A_345 : i32
        %mul3A_347 = arith.constant 16 : i32
        %mul3A_348 = arith.muli %add3A_346, %mul3A_347 : i32
        %add3A_349 = arith.constant 12288 : i32
        %add3A_350 = arith.addi %add3A_349, %mul3A_348 : i32
        %get3A_351 = arith.index_cast %add3A_350 : i32 to index
        %get3A_352 = tpu.vector_load %arg7[%get3A_351] {strides = array<i32>} : memref<16384xi32, #tpu.memory_space<vmem>>, vector<16xi32>,
        %gather3A_353 = tpu.vector_load_idx %arg6[%get3A_352] : memref<100000xf32, #tpu.memory_space<vmem>>[vector<16xi32>], vector<16xf32>,
        %swap3A_354 = arith.constant 2 : i32
        %swap3A_355 = arith.index_cast %swap3A_354 : i32 to index
        %swap3A_356 = arith.index_cast %mul3A_348 : i32 to index
        %swap3A_357 = tpu.vector_load %arg8[%swap3A_355, %swap3A_356] {strides = array<i32>} : memref<4x2048xf32, #tpu.memory_space<vmem>>, vector<16xf32>,
        tpu.vector_store %arg8[%swap3A_355, %swap3A_356], %gather3A_353 {strides = array<i32>} : memref<4x2048xf32, #tpu.memory_space<vmem>>, vector<16xf32>,
        %mul3A_358 = arith.constant 8 : i32
        %mul3A_359 = arith.muli %scan3A_285, %mul3A_358 : i32
        %add3A_360 = arith.constant 5 : i32
        %add3A_361 = arith.addi %mul3A_359, %add3A_360 : i32
        %mul3A_362 = arith.constant 16 : i32
        %mul3A_363 = arith.muli %add3A_361, %mul3A_362 : i32
        %add3A_364 = arith.constant 12288 : i32
        %add3A_365 = arith.addi %add3A_364, %mul3A_363 : i32
        %get3A_366 = arith.index_cast %add3A_365 : i32 to index
        %get3A_367 = tpu.vector_load %arg7[%get3A_366] {strides = array<i32>} : memref<16384xi32, #tpu.memory_space<vmem>>, vector<16xi32>,
        %gather3A_368 = tpu.vector_load_idx %arg6[%get3A_367] : memref<100000xf32, #tpu.memory_space<vmem>>[vector<16xi32>], vector<16xf32>,
        %swap3A_369 = arith.constant 2 : i32
        %swap3A_370 = arith.index_cast %swap3A_369 : i32 to index
        %swap3A_371 = arith.index_cast %mul3A_363 : i32 to index
        %swap3A_372 = tpu.vector_load %arg8[%swap3A_370, %swap3A_371] {strides = array<i32>} : memref<4x2048xf32, #tpu.memory_space<vmem>>, vector<16xf32>,
        tpu.vector_store %arg8[%swap3A_370, %swap3A_371], %gather3A_368 {strides = array<i32>} : memref<4x2048xf32, #tpu.memory_space<vmem>>, vector<16xf32>,
        %mul3A_373 = arith.constant 8 : i32
        %mul3A_374 = arith.muli %scan3A_285, %mul3A_373 : i32
        %add3A_375 = arith.constant 6 : i32
        %add3A_376 = arith.addi %mul3A_374, %add3A_375 : i32
        %mul3A_377 = arith.constant 16 : i32
        %mul3A_378 = arith.muli %add3A_376, %mul3A_377 : i32
        %add3A_379 = arith.constant 12288 : i32
        %add3A_380 = arith.addi %add3A_379, %mul3A_378 : i32
        %get3A_381 = arith.index_cast %add3A_380 : i32 to index
        %get3A_382 = tpu.vector_load %arg7[%get3A_381] {strides = array<i32>} : memref<16384xi32, #tpu.memory_space<vmem>>, vector<16xi32>,
        %gather3A_383 = tpu.vector_load_idx %arg6[%get3A_382] : memref<100000xf32, #tpu.memory_space<vmem>>[vector<16xi32>], vector<16xf32>,
        %swap3A_384 = arith.constant 2 : i32
        %swap3A_385 = arith.index_cast %swap3A_384 : i32 to index
        %swap3A_386 = arith.index_cast %mul3A_378 : i32 to index
        %swap3A_387 = tpu.vector_load %arg8[%swap3A_385, %swap3A_386] {strides = array<i32>} : memref<4x2048xf32, #tpu.memory_space<vmem>>, vector<16xf32>,
        tpu.vector_store %arg8[%swap3A_385, %swap3A_386], %gather3A_383 {strides = array<i32>} : memref<4x2048xf32, #tpu.memory_space<vmem>>, vector<16xf32>,
        %mul3A_388 = arith.constant 8 : i32
        %mul3A_389 = arith.muli %scan3A_285, %mul3A_388 : i32
        %add3A_390 = arith.constant 7 : i32
        %add3A_391 = arith.addi %mul3A_389, %add3A_390 : i32
        %mul3A_392 = arith.constant 16 : i32
        %mul3A_393 = arith.muli %add3A_391, %mul3A_392 : i32
        %add3A_394 = arith.constant 12288 : i32
        %add3A_395 = arith.addi %add3A_394, %mul3A_393 : i32
        %get3A_396 = arith.index_cast %add3A_395 : i32 to index
        %get3A_397 = tpu.vector_load %arg7[%get3A_396] {strides = array<i32>} : memref<16384xi32, #tpu.memory_space<vmem>>, vector<16xi32>,
        %gather3A_398 = tpu.vector_load_idx %arg6[%get3A_397] : memref<100000xf32, #tpu.memory_space<vmem>>[vector<16xi32>], vector<16xf32>,
        %swap3A_399 = arith.constant 2 : i32
        %swap3A_400 = arith.index_cast %swap3A_399 : i32 to index
        %swap3A_401 = arith.index_cast %mul3A_393 : i32 to index
        %swap3A_402 = tpu.vector_load %arg8[%swap3A_400, %swap3A_401] {strides = array<i32>} : memref<4x2048xf32, #tpu.memory_space<vmem>>, vector<16xf32>,
        tpu.vector_store %arg8[%swap3A_400, %swap3A_401], %gather3A_398 {strides = array<i32>} : memref<4x2048xf32, #tpu.memory_space<vmem>>, vector<16xf32>,
      }
      %scan3A_187 = arith.constant 16 : i32
      %dma_start3A_188 = arith.constant 2 : i32
      %dma_start3A_189 = arith.constant 0 : i32
      %dma_start3A_190 = tpu.memref_slice %arg8[%dma_start3A_188, %dma_start3A_189] : memref<4x2048xf32, #tpu.memory_space<vmem>> -> memref<1x2048xf32, #tpu.memory_space<vmem>>
      %dma_start3A_191 = tpu.memref_squeeze %dma_start3A_190 : memref<1x2048xf32, #tpu.memory_space<vmem>> -> memref<2048xf32, #tpu.memory_space<vmem>>
      %dma_start3A_192 = arith.constant 12288 : i32
      %dma_start3A_193 = tpu.memref_slice %arg5[%add3A_13, %dma_start3A_192] : memref<429x16384xf32, #tpu.memory_space<hbm>> -> memref<1x2048xf32, #tpu.memory_space<hbm>>
      %dma_start3A_194 = tpu.memref_squeeze %dma_start3A_193 : memref<1x2048xf32, #tpu.memory_space<hbm>> -> memref<2048xf32, #tpu.memory_space<hbm>>
      %dma_start3A_195 = arith.constant 12288 : i32
      %dma_start3A_196 = tpu.memref_slice %arg5[%add3A_13, %dma_start3A_195] : memref<429x16384xf32, #tpu.memory_space<hbm>> -> memref<1x2048xf32, #tpu.memory_space<hbm>>
      %dma_start3A_197 = tpu.memref_squeeze %dma_start3A_196 : memref<1x2048xf32, #tpu.memory_space<hbm>> -> memref<2048xf32, #tpu.memory_space<hbm>>
      %dma_start3A_198 = arith.constant 0 : i32
      %dma_start3A_199 = tpu.memref_slice %arg8[%dma_start3A_188, %dma_start3A_198] : memref<4x2048xf32, #tpu.memory_space<vmem>> -> memref<1x2048xf32, #tpu.memory_space<vmem>>
      %dma_start3A_200 = tpu.memref_squeeze %dma_start3A_199 : memref<1x2048xf32, #tpu.memory_space<vmem>> -> memref<2048xf32, #tpu.memory_space<vmem>>
      tpu.enqueue_dma source(%dma_start3A_200 : memref<2048xf32, #tpu.memory_space<vmem>>) target(%dma_start3A_197 : memref<2048xf32, #tpu.memory_space<hbm>>) target_semaphore(%arg11 : memref<!tpu.dma_semaphore, #tpu.memory_space<semaphore_mem>>)
      %dma_wait3A_201 = arith.constant 3 : i32
      %dma_wait3A_202 = arith.constant 0 : i32
      %dma_wait3A_203 = tpu.memref_slice %arg8[%dma_wait3A_201, %dma_wait3A_202] : memref<4x2048xf32, #tpu.memory_space<vmem>> -> memref<1x2048xf32, #tpu.memory_space<vmem>>
      %dma_wait3A_204 = tpu.memref_squeeze %dma_wait3A_203 : memref<1x2048xf32, #tpu.memory_space<vmem>> -> memref<2048xf32, #tpu.memory_space<vmem>>
      %dma_wait3A_205 = arith.constant 6144 : i32
      %dma_wait3A_206 = tpu.memref_slice %arg5[%add3A_13, %dma_wait3A_205] : memref<429x16384xf32, #tpu.memory_space<hbm>> -> memref<1x2048xf32, #tpu.memory_space<hbm>>
      %dma_wait3A_207 = tpu.memref_squeeze %dma_wait3A_206 : memref<1x2048xf32, #tpu.memory_space<hbm>> -> memref<2048xf32, #tpu.memory_space<hbm>>
      %dma_wait3A_208 = arith.constant 6144 : i32
      %dma_wait3A_209 = tpu.memref_slice %arg5[%add3A_13, %dma_wait3A_208] : memref<429x16384xf32, #tpu.memory_space<hbm>> -> memref<1x2048xf32, #tpu.memory_space<hbm>>
      %dma_wait3A_210 = tpu.memref_squeeze %dma_wait3A_209 : memref<1x2048xf32, #tpu.memory_space<hbm>> -> memref<2048xf32, #tpu.memory_space<hbm>>
      %dma_wait3A_211 = arith.constant 0 : i32
      %dma_wait3A_212 = tpu.memref_slice %arg8[%dma_wait3A_201, %dma_wait3A_211] : memref<4x2048xf32, #tpu.memory_space<vmem>> -> memref<1x2048xf32, #tpu.memory_space<vmem>>
      %dma_wait3A_213 = tpu.memref_squeeze %dma_wait3A_212 : memref<1x2048xf32, #tpu.memory_space<vmem>> -> memref<2048xf32, #tpu.memory_space<vmem>>
      tpu.wait_dma2 semaphore(%arg11 : memref<!tpu.dma_semaphore, #tpu.memory_space<semaphore_mem>>) src(%dma_wait3A_213 : memref<2048xf32, #tpu.memory_space<vmem>>) dst(%dma_wait3A_210 : memref<2048xf32, #tpu.memory_space<hbm>>)
      %scan3A_214 = arith.constant 0 : i32
      %scan3A_215 = arith.constant 0 : i32
      %scan3A_216 = arith.constant 16 : i32
      %scan3A_217 = arith.addi %scan3A_215, %scan3A_216 : i32
      %scan3A_218 = arith.constant 1 : i32
      scf.for %scan3A_285 = %scan3A_215 to %scan3A_217 step %scan3A_218  : i32 {
        %mul3A_286 = arith.constant 8 : i32
        %mul3A_287 = arith.muli %scan3A_285, %mul3A_286 : i32
        %add3A_288 = arith.constant 0 : i32
        %add3A_289 = arith.addi %mul3A_287, %add3A_288 : i32
        %mul3A_290 = arith.constant 16 : i32
        %mul3A_291 = arith.muli %add3A_289, %mul3A_290 : i32
        %add3A_292 = arith.constant 14336 : i32
        %add3A_293 = arith.addi %add3A_292, %mul3A_291 : i32
        %get3A = arith.index_cast %add3A_293 : i32 to index
        %get3A_294 = tpu.vector_load %arg7[%get3A] {strides = array<i32>} : memref<16384xi32, #tpu.memory_space<vmem>>, vector<16xi32>,
        %gather3A = tpu.vector_load_idx %arg6[%get3A_294] : memref<100000xf32, #tpu.memory_space<vmem>>[vector<16xi32>], vector<16xf32>,
        %swap3A = arith.constant 3 : i32
        %swap3A_295 = arith.index_cast %swap3A : i32 to index
        %swap3A_296 = arith.index_cast %mul3A_291 : i32 to index
        %swap3A_297 = tpu.vector_load %arg8[%swap3A_295, %swap3A_296] {strides = array<i32>} : memref<4x2048xf32, #tpu.memory_space<vmem>>, vector<16xf32>,
        tpu.vector_store %arg8[%swap3A_295, %swap3A_296], %gather3A {strides = array<i32>} : memref<4x2048xf32, #tpu.memory_space<vmem>>, vector<16xf32>,
        %mul3A_298 = arith.constant 8 : i32
        %mul3A_299 = arith.muli %scan3A_285, %mul3A_298 : i32
        %add3A_300 = arith.constant 1 : i32
        %add3A_301 = arith.addi %mul3A_299, %add3A_300 : i32
        %mul3A_302 = arith.constant 16 : i32
        %mul3A_303 = arith.muli %add3A_301, %mul3A_302 : i32
        %add3A_304 = arith.constant 14336 : i32
        %add3A_305 = arith.addi %add3A_304, %mul3A_303 : i32
        %get3A_306 = arith.index_cast %add3A_305 : i32 to index
        %get3A_307 = tpu.vector_load %arg7[%get3A_306] {strides = array<i32>} : memref<16384xi32, #tpu.memory_space<vmem>>, vector<16xi32>,
        %gather3A_308 = tpu.vector_load_idx %arg6[%get3A_307] : memref<100000xf32, #tpu.memory_space<vmem>>[vector<16xi32>], vector<16xf32>,
        %swap3A_309 = arith.constant 3 : i32
        %swap3A_310 = arith.index_cast %swap3A_309 : i32 to index
        %swap3A_311 = arith.index_cast %mul3A_303 : i32 to index
        %swap3A_312 = tpu.vector_load %arg8[%swap3A_310, %swap3A_311] {strides = array<i32>} : memref<4x2048xf32, #tpu.memory_space<vmem>>, vector<16xf32>,
        tpu.vector_store %arg8[%swap3A_310, %swap3A_311], %gather3A_308 {strides = array<i32>} : memref<4x2048xf32, #tpu.memory_space<vmem>>, vector<16xf32>,
        %mul3A_313 = arith.constant 8 : i32
        %mul3A_314 = arith.muli %scan3A_285, %mul3A_313 : i32
        %add3A_315 = arith.constant 2 : i32
        %add3A_316 = arith.addi %mul3A_314, %add3A_315 : i32
        %mul3A_317 = arith.constant 16 : i32
        %mul3A_318 = arith.muli %add3A_316, %mul3A_317 : i32
        %add3A_319 = arith.constant 14336 : i32
        %add3A_320 = arith.addi %add3A_319, %mul3A_318 : i32
        %get3A_321 = arith.index_cast %add3A_320 : i32 to index
        %get3A_322 = tpu.vector_load %arg7[%get3A_321] {strides = array<i32>} : memref<16384xi32, #tpu.memory_space<vmem>>, vector<16xi32>,
        %gather3A_323 = tpu.vector_load_idx %arg6[%get3A_322] : memref<100000xf32, #tpu.memory_space<vmem>>[vector<16xi32>], vector<16xf32>,
        %swap3A_324 = arith.constant 3 : i32
        %swap3A_325 = arith.index_cast %swap3A_324 : i32 to index
        %swap3A_326 = arith.index_cast %mul3A_318 : i32 to index
        %swap3A_327 = tpu.vector_load %arg8[%swap3A_325, %swap3A_326] {strides = array<i32>} : memref<4x2048xf32, #tpu.memory_space<vmem>>, vector<16xf32>,
        tpu.vector_store %arg8[%swap3A_325, %swap3A_326], %gather3A_323 {strides = array<i32>} : memref<4x2048xf32, #tpu.memory_space<vmem>>, vector<16xf32>,
        %mul3A_328 = arith.constant 8 : i32
        %mul3A_329 = arith.muli %scan3A_285, %mul3A_328 : i32
        %add3A_330 = arith.constant 3 : i32
        %add3A_331 = arith.addi %mul3A_329, %add3A_330 : i32
        %mul3A_332 = arith.constant 16 : i32
        %mul3A_333 = arith.muli %add3A_331, %mul3A_332 : i32
        %add3A_334 = arith.constant 14336 : i32
        %add3A_335 = arith.addi %add3A_334, %mul3A_333 : i32
        %get3A_336 = arith.index_cast %add3A_335 : i32 to index
        %get3A_337 = tpu.vector_load %arg7[%get3A_336] {strides = array<i32>} : memref<16384xi32, #tpu.memory_space<vmem>>, vector<16xi32>,
        %gather3A_338 = tpu.vector_load_idx %arg6[%get3A_337] : memref<100000xf32, #tpu.memory_space<vmem>>[vector<16xi32>], vector<16xf32>,
        %swap3A_339 = arith.constant 3 : i32
        %swap3A_340 = arith.index_cast %swap3A_339 : i32 to index
        %swap3A_341 = arith.index_cast %mul3A_333 : i32 to index
        %swap3A_342 = tpu.vector_load %arg8[%swap3A_340, %swap3A_341] {strides = array<i32>} : memref<4x2048xf32, #tpu.memory_space<vmem>>, vector<16xf32>,
        tpu.vector_store %arg8[%swap3A_340, %swap3A_341], %gather3A_338 {strides = array<i32>} : memref<4x2048xf32, #tpu.memory_space<vmem>>, vector<16xf32>,
        %mul3A_343 = arith.constant 8 : i32
        %mul3A_344 = arith.muli %scan3A_285, %mul3A_343 : i32
        %add3A_345 = arith.constant 4 : i32
        %add3A_346 = arith.addi %mul3A_344, %add3A_345 : i32
        %mul3A_347 = arith.constant 16 : i32
        %mul3A_348 = arith.muli %add3A_346, %mul3A_347 : i32
        %add3A_349 = arith.constant 14336 : i32
        %add3A_350 = arith.addi %add3A_349, %mul3A_348 : i32
        %get3A_351 = arith.index_cast %add3A_350 : i32 to index
        %get3A_352 = tpu.vector_load %arg7[%get3A_351] {strides = array<i32>} : memref<16384xi32, #tpu.memory_space<vmem>>, vector<16xi32>,
        %gather3A_353 = tpu.vector_load_idx %arg6[%get3A_352] : memref<100000xf32, #tpu.memory_space<vmem>>[vector<16xi32>], vector<16xf32>,
        %swap3A_354 = arith.constant 3 : i32
        %swap3A_355 = arith.index_cast %swap3A_354 : i32 to index
        %swap3A_356 = arith.index_cast %mul3A_348 : i32 to index
        %swap3A_357 = tpu.vector_load %arg8[%swap3A_355, %swap3A_356] {strides = array<i32>} : memref<4x2048xf32, #tpu.memory_space<vmem>>, vector<16xf32>,
        tpu.vector_store %arg8[%swap3A_355, %swap3A_356], %gather3A_353 {strides = array<i32>} : memref<4x2048xf32, #tpu.memory_space<vmem>>, vector<16xf32>,
        %mul3A_358 = arith.constant 8 : i32
        %mul3A_359 = arith.muli %scan3A_285, %mul3A_358 : i32
        %add3A_360 = arith.constant 5 : i32
        %add3A_361 = arith.addi %mul3A_359, %add3A_360 : i32
        %mul3A_362 = arith.constant 16 : i32
        %mul3A_363 = arith.muli %add3A_361, %mul3A_362 : i32
        %add3A_364 = arith.constant 14336 : i32
        %add3A_365 = arith.addi %add3A_364, %mul3A_363 : i32
        %get3A_366 = arith.index_cast %add3A_365 : i32 to index
        %get3A_367 = tpu.vector_load %arg7[%get3A_366] {strides = array<i32>} : memref<16384xi32, #tpu.memory_space<vmem>>, vector<16xi32>,
        %gather3A_368 = tpu.vector_load_idx %arg6[%get3A_367] : memref<100000xf32, #tpu.memory_space<vmem>>[vector<16xi32>], vector<16xf32>,
        %swap3A_369 = arith.constant 3 : i32
        %swap3A_370 = arith.index_cast %swap3A_369 : i32 to index
        %swap3A_371 = arith.index_cast %mul3A_363 : i32 to index
        %swap3A_372 = tpu.vector_load %arg8[%swap3A_370, %swap3A_371] {strides = array<i32>} : memref<4x2048xf32, #tpu.memory_space<vmem>>, vector<16xf32>,
        tpu.vector_store %arg8[%swap3A_370, %swap3A_371], %gather3A_368 {strides = array<i32>} : memref<4x2048xf32, #tpu.memory_space<vmem>>, vector<16xf32>,
        %mul3A_373 = arith.constant 8 : i32
        %mul3A_374 = arith.muli %scan3A_285, %mul3A_373 : i32
        %add3A_375 = arith.constant 6 : i32
        %add3A_376 = arith.addi %mul3A_374, %add3A_375 : i32
        %mul3A_377 = arith.constant 16 : i32
        %mul3A_378 = arith.muli %add3A_376, %mul3A_377 : i32
        %add3A_379 = arith.constant 14336 : i32
        %add3A_380 = arith.addi %add3A_379, %mul3A_378 : i32
        %get3A_381 = arith.index_cast %add3A_380 : i32 to index
        %get3A_382 = tpu.vector_load %arg7[%get3A_381] {strides = array<i32>} : memref<16384xi32, #tpu.memory_space<vmem>>, vector<16xi32>,
        %gather3A_383 = tpu.vector_load_idx %arg6[%get3A_382] : memref<100000xf32, #tpu.memory_space<vmem>>[vector<16xi32>], vector<16xf32>,
        %swap3A_384 = arith.constant 3 : i32
        %swap3A_385 = arith.index_cast %swap3A_384 : i32 to index
        %swap3A_386 = arith.index_cast %mul3A_378 : i32 to index
        %swap3A_387 = tpu.vector_load %arg8[%swap3A_385, %swap3A_386] {strides = array<i32>} : memref<4x2048xf32, #tpu.memory_space<vmem>>, vector<16xf32>,
        tpu.vector_store %arg8[%swap3A_385, %swap3A_386], %gather3A_383 {strides = array<i32>} : memref<4x2048xf32, #tpu.memory_space<vmem>>, vector<16xf32>,
        %mul3A_388 = arith.constant 8 : i32
        %mul3A_389 = arith.muli %scan3A_285, %mul3A_388 : i32
        %add3A_390 = arith.constant 7 : i32
        %add3A_391 = arith.addi %mul3A_389, %add3A_390 : i32
        %mul3A_392 = arith.constant 16 : i32
        %mul3A_393 = arith.muli %add3A_391, %mul3A_392 : i32
        %add3A_394 = arith.constant 14336 : i32
        %add3A_395 = arith.addi %add3A_394, %mul3A_393 : i32
        %get3A_396 = arith.index_cast %add3A_395 : i32 to index
        %get3A_397 = tpu.vector_load %arg7[%get3A_396] {strides = array<i32>} : memref<16384xi32, #tpu.memory_space<vmem>>, vector<16xi32>,
        %gather3A_398 = tpu.vector_load_idx %arg6[%get3A_397] : memref<100000xf32, #tpu.memory_space<vmem>>[vector<16xi32>], vector<16xf32>,
        %swap3A_399 = arith.constant 3 : i32
        %swap3A_400 = arith.index_cast %swap3A_399 : i32 to index
        %swap3A_401 = arith.index_cast %mul3A_393 : i32 to index
        %swap3A_402 = tpu.vector_load %arg8[%swap3A_400, %swap3A_401] {strides = array<i32>} : memref<4x2048xf32, #tpu.memory_space<vmem>>, vector<16xf32>,
        tpu.vector_store %arg8[%swap3A_400, %swap3A_401], %gather3A_398 {strides = array<i32>} : memref<4x2048xf32, #tpu.memory_space<vmem>>, vector<16xf32>,
      }
      %scan3A_219 = arith.constant 16 : i32
      %dma_start3A_220 = arith.constant 3 : i32
      %dma_start3A_221 = arith.constant 0 : i32
      %dma_start3A_222 = tpu.memref_slice %arg8[%dma_start3A_220, %dma_start3A_221] : memref<4x2048xf32, #tpu.memory_space<vmem>> -> memref<1x2048xf32, #tpu.memory_space<vmem>>
      %dma_start3A_223 = tpu.memref_squeeze %dma_start3A_222 : memref<1x2048xf32, #tpu.memory_space<vmem>> -> memref<2048xf32, #tpu.memory_space<vmem>>
      %dma_start3A_224 = arith.constant 14336 : i32
      %dma_start3A_225 = tpu.memref_slice %arg5[%add3A_13, %dma_start3A_224] : memref<429x16384xf32, #tpu.memory_space<hbm>> -> memref<1x2048xf32, #tpu.memory_space<hbm>>
      %dma_start3A_226 = tpu.memref_squeeze %dma_start3A_225 : memref<1x2048xf32, #tpu.memory_space<hbm>> -> memref<2048xf32, #tpu.memory_space<hbm>>
      %dma_start3A_227 = arith.constant 14336 : i32
      %dma_start3A_228 = tpu.memref_slice %arg5[%add3A_13, %dma_start3A_227] : memref<429x16384xf32, #tpu.memory_space<hbm>> -> memref<1x2048xf32, #tpu.memory_space<hbm>>
      %dma_start3A_229 = tpu.memref_squeeze %dma_start3A_228 : memref<1x2048xf32, #tpu.memory_space<hbm>> -> memref<2048xf32, #tpu.memory_space<hbm>>
      %dma_start3A_230 = arith.constant 0 : i32
      %dma_start3A_231 = tpu.memref_slice %arg8[%dma_start3A_220, %dma_start3A_230] : memref<4x2048xf32, #tpu.memory_space<vmem>> -> memref<1x2048xf32, #tpu.memory_space<vmem>>
      %dma_start3A_232 = tpu.memref_squeeze %dma_start3A_231 : memref<1x2048xf32, #tpu.memory_space<vmem>> -> memref<2048xf32, #tpu.memory_space<vmem>>
      tpu.enqueue_dma source(%dma_start3A_232 : memref<2048xf32, #tpu.memory_space<vmem>>) target(%dma_start3A_229 : memref<2048xf32, #tpu.memory_space<hbm>>) target_semaphore(%arg11 : memref<!tpu.dma_semaphore, #tpu.memory_space<semaphore_mem>>)
      %dma_wait3A_233 = arith.constant 0 : i32
      %dma_wait3A_234 = arith.constant 0 : i32
      %dma_wait3A_235 = tpu.memref_slice %arg8[%dma_wait3A_233, %dma_wait3A_234] : memref<4x2048xf32, #tpu.memory_space<vmem>> -> memref<1x2048xf32, #tpu.memory_space<vmem>>
      %dma_wait3A_236 = tpu.memref_squeeze %dma_wait3A_235 : memref<1x2048xf32, #tpu.memory_space<vmem>> -> memref<2048xf32, #tpu.memory_space<vmem>>
      %dma_wait3A_237 = arith.constant 8192 : i32
      %dma_wait3A_238 = tpu.memref_slice %arg5[%add3A_13, %dma_wait3A_237] : memref<429x16384xf32, #tpu.memory_space<hbm>> -> memref<1x2048xf32, #tpu.memory_space<hbm>>
      %dma_wait3A_239 = tpu.memref_squeeze %dma_wait3A_238 : memref<1x2048xf32, #tpu.memory_space<hbm>> -> memref<2048xf32, #tpu.memory_space<hbm>>
      %dma_wait3A_240 = arith.constant 8192 : i32
      %dma_wait3A_241 = tpu.memref_slice %arg5[%add3A_13, %dma_wait3A_240] : memref<429x16384xf32, #tpu.memory_space<hbm>> -> memref<1x2048xf32, #tpu.memory_space<hbm>>
      %dma_wait3A_242 = tpu.memref_squeeze %dma_wait3A_241 : memref<1x2048xf32, #tpu.memory_space<hbm>> -> memref<2048xf32, #tpu.memory_space<hbm>>
      %dma_wait3A_243 = arith.constant 0 : i32
      %dma_wait3A_244 = tpu.memref_slice %arg8[%dma_wait3A_233, %dma_wait3A_243] : memref<4x2048xf32, #tpu.memory_space<vmem>> -> memref<1x2048xf32, #tpu.memory_space<vmem>>
      %dma_wait3A_245 = tpu.memref_squeeze %dma_wait3A_244 : memref<1x2048xf32, #tpu.memory_space<vmem>> -> memref<2048xf32, #tpu.memory_space<vmem>>
      tpu.wait_dma2 semaphore(%arg11 : memref<!tpu.dma_semaphore, #tpu.memory_space<semaphore_mem>>) src(%dma_wait3A_245 : memref<2048xf32, #tpu.memory_space<vmem>>) dst(%dma_wait3A_242 : memref<2048xf32, #tpu.memory_space<hbm>>)
      %dma_wait3A_246 = arith.constant 1 : i32
      %dma_wait3A_247 = arith.constant 0 : i32
      %dma_wait3A_248 = tpu.memref_slice %arg8[%dma_wait3A_246, %dma_wait3A_247] : memref<4x2048xf32, #tpu.memory_space<vmem>> -> memref<1x2048xf32, #tpu.memory_space<vmem>>
      %dma_wait3A_249 = tpu.memref_squeeze %dma_wait3A_248 : memref<1x2048xf32, #tpu.memory_space<vmem>> -> memref<2048xf32, #tpu.memory_space<vmem>>
      %dma_wait3A_250 = arith.constant 10240 : i32
      %dma_wait3A_251 = tpu.memref_slice %arg5[%add3A_13, %dma_wait3A_250] : memref<429x16384xf32, #tpu.memory_space<hbm>> -> memref<1x2048xf32, #tpu.memory_space<hbm>>
      %dma_wait3A_252 = tpu.memref_squeeze %dma_wait3A_251 : memref<1x2048xf32, #tpu.memory_space<hbm>> -> memref<2048xf32, #tpu.memory_space<hbm>>
      %dma_wait3A_253 = arith.constant 10240 : i32
      %dma_wait3A_254 = tpu.memref_slice %arg5[%add3A_13, %dma_wait3A_253] : memref<429x16384xf32, #tpu.memory_space<hbm>> -> memref<1x2048xf32, #tpu.memory_space<hbm>>
      %dma_wait3A_255 = tpu.memref_squeeze %dma_wait3A_254 : memref<1x2048xf32, #tpu.memory_space<hbm>> -> memref<2048xf32, #tpu.memory_space<hbm>>
      %dma_wait3A_256 = arith.constant 0 : i32
      %dma_wait3A_257 = tpu.memref_slice %arg8[%dma_wait3A_246, %dma_wait3A_256] : memref<4x2048xf32, #tpu.memory_space<vmem>> -> memref<1x2048xf32, #tpu.memory_space<vmem>>
      %dma_wait3A_258 = tpu.memref_squeeze %dma_wait3A_257 : memref<1x2048xf32, #tpu.memory_space<vmem>> -> memref<2048xf32, #tpu.memory_space<vmem>>
      tpu.wait_dma2 semaphore(%arg11 : memref<!tpu.dma_semaphore, #tpu.memory_space<semaphore_mem>>) src(%dma_wait3A_258 : memref<2048xf32, #tpu.memory_space<vmem>>) dst(%dma_wait3A_255 : memref<2048xf32, #tpu.memory_space<hbm>>)
      %dma_wait3A_259 = arith.constant 2 : i32
      %dma_wait3A_260 = arith.constant 0 : i32
      %dma_wait3A_261 = tpu.memref_slice %arg8[%dma_wait3A_259, %dma_wait3A_260] : memref<4x2048xf32, #tpu.memory_space<vmem>> -> memref<1x2048xf32, #tpu.memory_space<vmem>>
      %dma_wait3A_262 = tpu.memref_squeeze %dma_wait3A_261 : memref<1x2048xf32, #tpu.memory_space<vmem>> -> memref<2048xf32, #tpu.memory_space<vmem>>
      %dma_wait3A_263 = arith.constant 12288 : i32
      %dma_wait3A_264 = tpu.memref_slice %arg5[%add3A_13, %dma_wait3A_263] : memref<429x16384xf32, #tpu.memory_space<hbm>> -> memref<1x2048xf32, #tpu.memory_space<hbm>>
      %dma_wait3A_265 = tpu.memref_squeeze %dma_wait3A_264 : memref<1x2048xf32, #tpu.memory_space<hbm>> -> memref<2048xf32, #tpu.memory_space<hbm>>
      %dma_wait3A_266 = arith.constant 12288 : i32
      %dma_wait3A_267 = tpu.memref_slice %arg5[%add3A_13, %dma_wait3A_266] : memref<429x16384xf32, #tpu.memory_space<hbm>> -> memref<1x2048xf32, #tpu.memory_space<hbm>>
      %dma_wait3A_268 = tpu.memref_squeeze %dma_wait3A_267 : memref<1x2048xf32, #tpu.memory_space<hbm>> -> memref<2048xf32, #tpu.memory_space<hbm>>
      %dma_wait3A_269 = arith.constant 0 : i32
      %dma_wait3A_270 = tpu.memref_slice %arg8[%dma_wait3A_259, %dma_wait3A_269] : memref<4x2048xf32, #tpu.memory_space<vmem>> -> memref<1x2048xf32, #tpu.memory_space<vmem>>
      %dma_wait3A_271 = tpu.memref_squeeze %dma_wait3A_270 : memref<1x2048xf32, #tpu.memory_space<vmem>> -> memref<2048xf32, #tpu.memory_space<vmem>>
      tpu.wait_dma2 semaphore(%arg11 : memref<!tpu.dma_semaphore, #tpu.memory_space<semaphore_mem>>) src(%dma_wait3A_271 : memref<2048xf32, #tpu.memory_space<vmem>>) dst(%dma_wait3A_268 : memref<2048xf32, #tpu.memory_space<hbm>>)
      %dma_wait3A_272 = arith.constant 3 : i32
      %dma_wait3A_273 = arith.constant 0 : i32
      %dma_wait3A_274 = tpu.memref_slice %arg8[%dma_wait3A_272, %dma_wait3A_273] : memref<4x2048xf32, #tpu.memory_space<vmem>> -> memref<1x2048xf32, #tpu.memory_space<vmem>>
      %dma_wait3A_275 = tpu.memref_squeeze %dma_wait3A_274 : memref<1x2048xf32, #tpu.memory_space<vmem>> -> memref<2048xf32, #tpu.memory_space<vmem>>
      %dma_wait3A_276 = arith.constant 14336 : i32
      %dma_wait3A_277 = tpu.memref_slice %arg5[%add3A_13, %dma_wait3A_276] : memref<429x16384xf32, #tpu.memory_space<hbm>> -> memref<1x2048xf32, #tpu.memory_space<hbm>>
      %dma_wait3A_278 = tpu.memref_squeeze %dma_wait3A_277 : memref<1x2048xf32, #tpu.memory_space<hbm>> -> memref<2048xf32, #tpu.memory_space<hbm>>
      %dma_wait3A_279 = arith.constant 14336 : i32
      %dma_wait3A_280 = tpu.memref_slice %arg5[%add3A_13, %dma_wait3A_279] : memref<429x16384xf32, #tpu.memory_space<hbm>> -> memref<1x2048xf32, #tpu.memory_space<hbm>>
      %dma_wait3A_281 = tpu.memref_squeeze %dma_wait3A_280 : memref<1x2048xf32, #tpu.memory_space<hbm>> -> memref<2048xf32, #tpu.memory_space<hbm>>
      %dma_wait3A_282 = arith.constant 0 : i32
      %dma_wait3A_283 = tpu.memref_slice %arg8[%dma_wait3A_272, %dma_wait3A_282] : memref<4x2048xf32, #tpu.memory_space<vmem>> -> memref<1x2048xf32, #tpu.memory_space<vmem>>
      %dma_wait3A_284 = tpu.memref_squeeze %dma_wait3A_283 : memref<1x2048xf32, #tpu.memory_space<vmem>> -> memref<2048xf32, #tpu.memory_space<vmem>>
      tpu.wait_dma2 semaphore(%arg11 : memref<!tpu.dma_semaphore, #tpu.memory_space<semaphore_mem>>) src(%dma_wait3A_284 : memref<2048xf32, #tpu.memory_space<vmem>>) dst(%dma_wait3A_281 : memref<2048xf32, #tpu.memory_space<hbm>>)
      scf.yield %shift_right_arithmetic3A_14 : i32
    }
    %scan3A_8 = arith.constant 13 : i32
    %lt3A = arith.constant 13 : i32
    %lt3A_9 = arith.cmpi slt, %add3A, %lt3A : i32
    %convert_element_type3A = arith.extui %lt3A_9 : i1 to i32
    %cond3A = arith.constant 0 : i32
    %cond3A_10 = arith.cmpi ne, %convert_element_type3A, %cond3A : i32
    scf.if %cond3A_10 {
      %add3A_11 = arith.constant 416 : i32
      %add3A_12 = arith.addi %add3A_11, %add3A : i32
      %sub3A = arith.constant 416 : i32
      %sub3A_13 = arith.subi %add3A_12, %sub3A : i32
      "tpu.region"() ({
        %run_scoped3A = tpu.sem_alloc : memref<!tpu.dma_semaphore, #tpu.memory_space<semaphore_mem>>
        %dma_start3A = arith.constant 0 : i32
        %dma_start3A_14 = tpu.memref_slice %arg6[%dma_start3A] : memref<100000xf32, #tpu.memory_space<vmem>> -> memref<16384xf32, #tpu.memory_space<vmem>>
        %dma_start3A_15 = arith.constant 0 : i32
        %dma_start3A_16 = tpu.memref_slice %arg4[%sub3A_13, %dma_start3A_15] : memref<13x16384xf32, #tpu.memory_space<hbm>> -> memref<1x16384xf32, #tpu.memory_space<hbm>>
        %dma_start3A_17 = tpu.memref_squeeze %dma_start3A_16 : memref<1x16384xf32, #tpu.memory_space<hbm>> -> memref<16384xf32, #tpu.memory_space<hbm>>
        %dma_start3A_18 = arith.constant 0 : i32
        %dma_start3A_19 = tpu.memref_slice %arg6[%dma_start3A_18] : memref<100000xf32, #tpu.memory_space<vmem>> -> memref<16384xf32, #tpu.memory_space<vmem>>
        %dma_start3A_20 = arith.constant 0 : i32
        %dma_start3A_21 = tpu.memref_slice %arg4[%sub3A_13, %dma_start3A_20] : memref<13x16384xf32, #tpu.memory_space<hbm>> -> memref<1x16384xf32, #tpu.memory_space<hbm>>
        %dma_start3A_22 = tpu.memref_squeeze %dma_start3A_21 : memref<1x16384xf32, #tpu.memory_space<hbm>> -> memref<16384xf32, #tpu.memory_space<hbm>>
        tpu.enqueue_dma source(%dma_start3A_22 : memref<16384xf32, #tpu.memory_space<hbm>>) target(%dma_start3A_19 : memref<16384xf32, #tpu.memory_space<vmem>>) target_semaphore(%run_scoped3A : memref<!tpu.dma_semaphore, #tpu.memory_space<semaphore_mem>>)
        %dma_wait3A = arith.constant 0 : i32
        %dma_wait3A_23 = tpu.memref_slice %arg6[%dma_wait3A] : memref<100000xf32, #tpu.memory_space<vmem>> -> memref<16384xf32, #tpu.memory_space<vmem>>
        %dma_wait3A_24 = arith.constant 0 : i32
        %dma_wait3A_25 = tpu.memref_slice %arg4[%sub3A_13, %dma_wait3A_24] : memref<13x16384xf32, #tpu.memory_space<hbm>> -> memref<1x16384xf32, #tpu.memory_space<hbm>>
        %dma_wait3A_26 = tpu.memref_squeeze %dma_wait3A_25 : memref<1x16384xf32, #tpu.memory_space<hbm>> -> memref<16384xf32, #tpu.memory_space<hbm>>
        %dma_wait3A_27 = arith.constant 0 : i32
        %dma_wait3A_28 = tpu.memref_slice %arg6[%dma_wait3A_27] : memref<100000xf32, #tpu.memory_space<vmem>> -> memref<16384xf32, #tpu.memory_space<vmem>>
        %dma_wait3A_29 = arith.constant 0 : i32
        %dma_wait3A_30 = tpu.memref_slice %arg4[%sub3A_13, %dma_wait3A_29] : memref<13x16384xf32, #tpu.memory_space<hbm>> -> memref<1x16384xf32, #tpu.memory_space<hbm>>
        %dma_wait3A_31 = tpu.memref_squeeze %dma_wait3A_30 : memref<1x16384xf32, #tpu.memory_space<hbm>> -> memref<16384xf32, #tpu.memory_space<hbm>>
        tpu.wait_dma2 semaphore(%run_scoped3A : memref<!tpu.dma_semaphore, #tpu.memory_space<semaphore_mem>>) src(%dma_wait3A_31 : memref<16384xf32, #tpu.memory_space<hbm>>) dst(%dma_wait3A_28 : memref<16384xf32, #tpu.memory_space<vmem>>)
        tpu.yield
      }) : () -> ()
      "tpu.region"() ({
        %run_scoped3A = tpu.sem_alloc : memref<!tpu.dma_semaphore, #tpu.memory_space<semaphore_mem>>
        %dma_start3A = arith.constant 0 : i32
        %dma_start3A_14 = tpu.memref_slice %arg6[%dma_start3A] : memref<100000xf32, #tpu.memory_space<vmem>> -> memref<16384xf32, #tpu.memory_space<vmem>>
        %dma_start3A_15 = arith.constant 0 : i32
        %dma_start3A_16 = tpu.memref_slice %arg5[%add3A_12, %dma_start3A_15] : memref<429x16384xf32, #tpu.memory_space<hbm>> -> memref<1x16384xf32, #tpu.memory_space<hbm>>
        %dma_start3A_17 = tpu.memref_squeeze %dma_start3A_16 : memref<1x16384xf32, #tpu.memory_space<hbm>> -> memref<16384xf32, #tpu.memory_space<hbm>>
        %dma_start3A_18 = arith.constant 0 : i32
        %dma_start3A_19 = tpu.memref_slice %arg5[%add3A_12, %dma_start3A_18] : memref<429x16384xf32, #tpu.memory_space<hbm>> -> memref<1x16384xf32, #tpu.memory_space<hbm>>
        %dma_start3A_20 = tpu.memref_squeeze %dma_start3A_19 : memref<1x16384xf32, #tpu.memory_space<hbm>> -> memref<16384xf32, #tpu.memory_space<hbm>>
        %dma_start3A_21 = arith.constant 0 : i32
        %dma_start3A_22 = tpu.memref_slice %arg6[%dma_start3A_21] : memref<100000xf32, #tpu.memory_space<vmem>> -> memref<16384xf32, #tpu.memory_space<vmem>>
        tpu.enqueue_dma source(%dma_start3A_22 : memref<16384xf32, #tpu.memory_space<vmem>>) target(%dma_start3A_20 : memref<16384xf32, #tpu.memory_space<hbm>>) target_semaphore(%run_scoped3A : memref<!tpu.dma_semaphore, #tpu.memory_space<semaphore_mem>>)
        %dma_wait3A = arith.constant 0 : i32
        %dma_wait3A_23 = tpu.memref_slice %arg6[%dma_wait3A] : memref<100000xf32, #tpu.memory_space<vmem>> -> memref<16384xf32, #tpu.memory_space<vmem>>
        %dma_wait3A_24 = arith.constant 0 : i32
        %dma_wait3A_25 = tpu.memref_slice %arg5[%add3A_12, %dma_wait3A_24] : memref<429x16384xf32, #tpu.memory_space<hbm>> -> memref<1x16384xf32, #tpu.memory_space<hbm>>
        %dma_wait3A_26 = tpu.memref_squeeze %dma_wait3A_25 : memref<1x16384xf32, #tpu.memory_space<hbm>> -> memref<16384xf32, #tpu.memory_space<hbm>>
        %dma_wait3A_27 = arith.constant 0 : i32
        %dma_wait3A_28 = tpu.memref_slice %arg5[%add3A_12, %dma_wait3A_27] : memref<429x16384xf32, #tpu.memory_space<hbm>> -> memref<1x16384xf32, #tpu.memory_space<hbm>>
        %dma_wait3A_29 = tpu.memref_squeeze %dma_wait3A_28 : memref<1x16384xf32, #tpu.memory_space<hbm>> -> memref<16384xf32, #tpu.memory_space<hbm>>
        %dma_wait3A_30 = arith.constant 0 : i32
        %dma_wait3A_31 = tpu.memref_slice %arg6[%dma_wait3A_30] : memref<100000xf32, #tpu.memory_space<vmem>> -> memref<16384xf32, #tpu.memory_space<vmem>>
        tpu.wait_dma2 semaphore(%run_scoped3A : memref<!tpu.dma_semaphore, #tpu.memory_space<semaphore_mem>>) src(%dma_wait3A_31 : memref<16384xf32, #tpu.memory_space<vmem>>) dst(%dma_wait3A_29 : memref<16384xf32, #tpu.memory_space<hbm>>)
        tpu.yield
      }) : () -> ()
    } else {
    }
    return
  }
}

module attributes {stable_mosaic.version = 14 : i64} {
  func.func @_prelude_body(%arg0: memref<39x16384xf32, #tpu.memory_space<vmem>>, %arg1: memref<13x1xf32, #tpu.memory_space<vmem>>, %arg2: memref<13x1xf32, #tpu.memory_space<vmem>>, %arg3: memref<13x16384xf32, #tpu.memory_space<vmem>>) attributes {dimension_semantics = [], scalar_prefetch = 0 : i64, scratch_operands = 0 : i64, tpu.core_type = #tpu.core_type<tc>} {
    %get3A = arith.constant 26 : index
    %get3A_0 = arith.constant 0 : index
    %get3A_1 = vector.load %arg0[%get3A, %get3A_0] : memref<39x16384xf32, #tpu.memory_space<vmem>>, vector<13x16384xf32>
    %reduce_sum3A = arith.constant dense<0.000000e+00> : vector<13xf32>
    %reduce_sum3A_2 = vector.multi_reduction <add>, %get3A_1, %reduce_sum3A [1] : vector<13x16384xf32> to vector<13xf32>
    %broadcast_in_dim3A = vector.shape_cast %reduce_sum3A_2 : vector<13xf32> to vector<13x1xf32>
    %div3A = arith.constant 1.638400e+04 : f32
    %div3A_3 = vector.broadcast %div3A : f32 to vector<13x1xf32>
    %div3A_4 = arith.divf %broadcast_in_dim3A, %div3A_3 : vector<13x1xf32>
    %sub3A = vector.broadcast %div3A_4 : vector<13x1xf32> to vector<13x16384xf32>
    %sub3A_5 = arith.subf %get3A_1, %sub3A : vector<13x16384xf32>
    %integer_pow3A = arith.mulf %sub3A_5, %sub3A_5 : vector<13x16384xf32>
    %reduce_sum3A_6 = arith.constant dense<0.000000e+00> : vector<13xf32>
    %reduce_sum3A_7 = vector.multi_reduction <add>, %integer_pow3A, %reduce_sum3A_6 [1] : vector<13x16384xf32> to vector<13xf32>
    %broadcast_in_dim3A_8 = vector.shape_cast %reduce_sum3A_7 : vector<13xf32> to vector<13x1xf32>
    %div3A_9 = arith.constant 1.638400e+04 : f32
    %div3A_10 = vector.broadcast %div3A_9 : f32 to vector<13x1xf32>
    %div3A_11 = arith.divf %broadcast_in_dim3A_8, %div3A_10 : vector<13x1xf32>
    %add3A = arith.constant 9.99999974E-6 : f32
    %add3A_12 = vector.broadcast %add3A : f32 to vector<13x1xf32>
    %add3A_13 = arith.addf %div3A_11, %add3A_12 : vector<13x1xf32>
    %rsqrt3A = math.rsqrt %add3A_13 : vector<13x1xf32>
    %sub3A_14 = vector.broadcast %div3A_4 : vector<13x1xf32> to vector<13x16384xf32>
    %sub3A_15 = arith.subf %get3A_1, %sub3A_14 : vector<13x16384xf32>
    %mul3A = vector.broadcast %rsqrt3A : vector<13x1xf32> to vector<13x16384xf32>
    %mul3A_16 = arith.mulf %sub3A_15, %mul3A : vector<13x16384xf32>
    %get3A_17 = arith.constant 0 : index
    %get3A_18 = arith.constant 0 : index
    %get3A_19 = vector.load %arg1[%get3A_17, %get3A_18] : memref<13x1xf32, #tpu.memory_space<vmem>>, vector<13x1xf32>
    %mul3A_20 = vector.broadcast %get3A_19 : vector<13x1xf32> to vector<13x16384xf32>
    %mul3A_21 = arith.mulf %mul3A_16, %mul3A_20 : vector<13x16384xf32>
    %get3A_22 = arith.constant 0 : index
    %get3A_23 = arith.constant 0 : index
    %get3A_24 = vector.load %arg2[%get3A_22, %get3A_23] : memref<13x1xf32, #tpu.memory_space<vmem>>, vector<13x1xf32>
    %add3A_25 = vector.broadcast %get3A_24 : vector<13x1xf32> to vector<13x16384xf32>
    %add3A_26 = arith.addf %mul3A_21, %add3A_25 : vector<13x16384xf32>
    %swap3A = arith.constant 0 : index
    %swap3A_27 = arith.constant 0 : index
    %swap3A_28 = vector.load %arg3[%swap3A, %swap3A_27] : memref<13x16384xf32, #tpu.memory_space<vmem>>, vector<13x16384xf32>
    tpu.vector_store %arg3[%swap3A, %swap3A_27], %add3A_26 {strides = array<i32>} : memref<13x16384xf32, #tpu.memory_space<vmem>>, vector<13x16384xf32>,
    return
  }
}

</mosaic_0001>

<sc_bundles>
// kernel: kernel.4.cloned.1.call-start
scs
__scs_entry_jumppad:
0x0: {  	(pc) =	sbr.rel $0x88, $3  }
0x1: {  	(tag) =	ssettag $0x0;
	lr =	simm.s32 $0x1  }
0x2: {  	[smem:$0x3F9D] =	sst lr;
	_ =	strace $0xD0000000  }
0x3: {  	_ = 	snop  }
0x4: {  	_ = 	snop  }
0x5: {  	_ = 	snop  }
0x6: {  	_ = 	snop  }
0x7: {  	_ = 	snop  }
__scs_overlays_trampoline_lowered:
0x8: {  	[smem:$0x3FAC] =	sst s0  }
0x9: {  	[smem:$0x3FAD] =	sst s1  }
0xa: {  	[smem:$0x3FAE] =	sst s2  }
0xb: {  	[smem:$0x3FAF] =	sst s3  }
0xc: {  	[smem:$0x3FB0] =	sst s4  }
0xd: {  	[smem:$0x3FB1] =	sst s5  }
0xe: {  	[smem:$0x3FB2] =	sst s6  }
0xf: {  	[smem:$0x3FB3] =	sst s7  }
0x10: {  	[smem:$0x3FB4] =	sst s8  }
0x11: {  	[smem:$0x3FB5] =	sst s9;
	s0 =	simm.s32 @!p0 $0x0  }
0x12: {  	s1 =	sld [smem:$0x3F9B];
	s0 =	simm.s32 @p0 $0x1  }
0x13: {  	[smem:$0x3FB6] =	sst s0;
	s0 =	simm.s32 @!p1 $0x0  }
0x14: {  	s2 =	sld [smem:$0x3F9A];
	s0 =	simm.s32 @p1 $0x1  }
0x15: {  	[smem:$0x3FB7] =	sst s0;
	s0 =	simm.s32 @!p2 $0x0  }
0x16: {  	s3 =	sld [smem:$0x3FDB];
	s0 =	simm.s32 @p2 $0x1  }
0x17: {  	s4 =	simm.s32 $0x1BF5;
	[smem:$0x3FB9] =	sst s0  }
0x18: {  	s0 =	sld [smem:$0x3F9C];
	_ =	swait.ge [sflag:s4], $0x0  }
0x19: {  	s7 =	sld [smem:$0x3F9D]  }
0x1a: {  	s8 =	sadd.s32 $0xFFFFE003, lr  }
0x1b: {  	s9 =	sadd.s32 $0xFFFFFEF7, lr;
	s5 =	simm.s32 $0xFFFFFFFF;
	p2 =	slt.u32 s8, $0xFFFFF086  }
0x1c: {  	p1 =	slt.u32 s9, $0xF7A;
	s5 =	simm.s32 @!p2 $0x0  }
0x1d: {  	s5 =	simm.s32 @p1 $0x1;
	p0 =	seq.s32 s7, s2  }
0x1e: {  	s7 =	smul.u32 @!p0 $0xF7A, s2;
	p2 =	seq.s32 @!p0 s5, $0x0  }
0x1f: {  	s9 =	smul.u32 $0xF7A, s1;
	s8 =	simm.s32 @!p0 $0x1BF5;
	p2 =	por !p2, p0  }
0x20: {  	[sflag:s8] =	ssyncset.s32 @!p0 $0xFFFFF086;
	s6 =	sadd.s32 @!p0 s3, s7;
	s7 =	simm.s32 @!p0 $0x108  }
0x21: {  	s3 =	sadd.s32 s3, s9;
	s6 =	sadd.s32 @!p0 $0x88, s6;
	s7 =	simm.s32 @p2 $0x1082  }
0x22: {  	[simem:s7], [sflag:s8] =	dma.local @!p0 [hbm:s6], $0xF7A  }
0x23: {  	s9 =	sor.u32 $0xD0000000, s2;
	s6 =	simm.s32 $0x108;
	_ =	swait.ge @!p0 [sflag:s8], $0x0  }
0x24: {  	s3 =	sadd.s32 $0x88, s3;
	s6 =	simm.s32 @!p1 $0x1082;
	[sflag:s4] =	ssyncset.s32 $0xFFFFF086  }
0x25: {  	[simem:s6], [sflag:s4] =	dma.local [hbm:s3], $0xF7A  }
0x26: {  	[smem:$0x3F9D] =	sst s1;
	(tag) =	ssettag s2;
	_ =	strace s9  }
0x27: {  	s1 =	sld [smem:$0x3FAD]  }
0x28: {  	s2 =	sld [smem:$0x3FAE]  }
0x29: {  	s4 =	sld [smem:$0x3FB0]  }
0x2a: {  	p0 =	seq.s32 s5, $0x0;
	s5 =	sld [smem:$0x3FB1]  }
0x2b: {  	s6 =	sld [smem:$0x3FB2]  }
0x2c: {  	s7 =	sld [smem:$0x3FB3]  }
0x2d: {  	s3 =	simm.s32 $0x108;
	s8 =	sld [smem:$0x3FB4]  }
0x2e: {  	s3 =	simm.s32 @!p0 $0x1082;
	s9 =	sld [smem:$0x3FB5]  }
0x2f: {  	lr =	sadd.s32 s0, s3;
	s0 =	sld [smem:$0x3FAC]  }
0x30: {  	s3 =	sld [smem:$0x3FAF]  }
0x31: {  	[smem:$0x3FB8] =	sst s10  }
0x32: {  	s10 =	sld [smem:$0x3FB6];
	_ =	sdelay $0x3  }
0x33: {  	p0 =	seq.s32 s10, $0x1;
	s10 =	sld [smem:$0x3FB8];
	_ =	sdelay $0x3  }
0x34: {  	[smem:$0x3FB8] =	sst s10  }
0x35: {  	s10 =	sld [smem:$0x3FB7];
	_ =	sdelay $0x3  }
0x36: {  	p1 =	seq.s32 s10, $0x1;
	s10 =	sld [smem:$0x3FB8];
	_ =	sdelay $0x3  }
0x37: {  	[smem:$0x3FB8] =	sst s10  }
0x38: {  	s10 =	sld [smem:$0x3FB9]  }
0x39: {  	_ = 	snop;
	(pc) =	sbr.ind lr, $3  }
0x3a: {  	_ = 	snop  }
0x3b: {  	_ = 	snop  }
0x3c: {  	p2 =	seq.s32 s10, $0x1;
	s10 =	sld [smem:$0x3FB8]  }
0x3d: {  	_ =	shalt  }
0x3e: {  	_ =	shalt  }
0x3f: {  	_ =	shalt  }
0x40: {  	_ =	shalt  }
0x41: {  	_ =	shalt  }
0x42: {  	_ =	shalt  }
0x43: {  	_ =	shalt  }
0x44: {  	_ =	shalt  }
0x45: {  	_ =	shalt  }
0x46: {  	_ =	shalt  }
0x47: {  	_ =	shalt  }
0x48: {  	_ =	shalt  }
0x49: {  	_ =	shalt  }
0x4a: {  	_ =	shalt  }
0x4b: {  	_ =	shalt  }
0x4c: {  	_ =	shalt  }
0x4d: {  	_ =	shalt  }
0x4e: {  	_ =	shalt  }
0x4f: {  	_ =	shalt  }
0x50: {  	_ =	shalt  }
0x51: {  	_ =	shalt  }
0x52: {  	_ =	shalt  }
0x53: {  	_ =	shalt  }
0x54: {  	_ =	shalt  }
0x55: {  	_ =	shalt  }
0x56: {  	_ =	shalt  }
0x57: {  	_ =	shalt  }
0x58: {  	_ =	shalt  }
0x59: {  	_ =	shalt  }
0x5a: {  	_ =	shalt  }
0x5b: {  	_ =	shalt  }
0x5c: {  	_ =	shalt  }
0x5d: {  	_ =	shalt  }
0x5e: {  	_ =	shalt  }
0x5f: {  	_ =	shalt  }
0x60: {  	_ =	shalt  }
0x61: {  	_ =	shalt  }
0x62: {  	_ =	shalt  }
0x63: {  	_ =	shalt  }
0x64: {  	_ =	shalt  }
0x65: {  	_ =	shalt  }
0x66: {  	_ =	shalt  }
0x67: {  	_ =	shalt  }
0x68: {  	_ =	shalt  }
0x69: {  	_ =	shalt  }
0x6a: {  	_ =	shalt  }
0x6b: {  	_ =	shalt  }
0x6c: {  	_ =	shalt  }
0x6d: {  	_ =	shalt  }
0x6e: {  	_ =	shalt  }
0x6f: {  	_ =	shalt  }
0x70: {  	_ =	shalt  }
0x71: {  	_ =	shalt  }
0x72: {  	_ =	shalt  }
0x73: {  	_ =	shalt  }
0x74: {  	_ =	shalt  }
0x75: {  	_ =	shalt  }
0x76: {  	_ =	shalt  }
0x77: {  	_ =	shalt  }
0x78: {  	_ =	shalt  }
0x79: {  	_ =	shalt  }
0x7a: {  	_ =	shalt  }
0x7b: {  	_ =	shalt  }
0x7c: {  	_ =	shalt  }
0x7d: {  	_ =	shalt  }
0x7e: {  	_ =	shalt  }
0x7f: {  	_ =	shalt  }
0x80: {  	_ =	shalt  }
0x81: {  	_ =	shalt  }
0x82: {  	_ =	shalt  }
0x83: {  	_ =	shalt  }
0x84: {  	_ =	shalt  }
0x85: {  	_ =	shalt  }
0x86: {  	_ =	shalt  }
0x87: {  	_ =	shalt  }
.Lfunc_end0:
.L_simem_size_0:
called_computation_lowered:
.L_overlay_start_0:
0x88: {  	s2 =	sld [smem:$0x3FD9]  }
0x89: {  	s3 =	sld [smem:$0x3FFE];
	_ =	sdelay $0x1  }
0x8a: {  	s1 =	srdreg.scid  }
0x8b: {  	s0 =	sand.u32 $0x1, s1  }
0x8c: {  	s17 =	sshll.u32 s0, $0xA;
	s2 =	sadd.s32 s3, s2  }
0x8d: {  	s2 =	sadd.s32 s2, s17  }
0x8e: {  	[smem:$0x3FC4] =	sst s2  }
0x8f: {  	_ = 	snop  }
0x90: {  	s2 =	sld [smem:$0x3FC9]  }
0x91: {  	s18 =	sld [smem:$0x3FC8]  }
0x92: {  	s4 =	sld [smem:$0x3FD0];
	(tm) =	ssettm $0x1  }
0x93: {  	s5 =	sld [smem:$0x3FFB];
	_ =	sdelay $0x3  }
0x94: {  	_ =	strace s5  }
0x95: {  	s5 =	sld [smem:$0x3FFC];
	_ =	sdelay $0x3  }
0x96: {  	_ =	strace s5  }
0x97: {  	s5 =	sld [smem:$0x3FFD];
	_ =	sdelay $0x3  }
0x98: {  	_ =	strace s5  }
0x99: {  	_ =	strace $0x8FFFFFFF  }
0x9a: {  	s19 =	sld [smem:$0x3FDB];
	_ =	sdelay $0x1  }
0x9b: {  	s6 =	simm.s32 $_scs_section_size  }
0x9c: {  	s7 =	simm.s32 $_size__tile_overlayer_lowered;
	s8 =	simm.s32 $_tile_overlayer_lowered  }
0x9d: {  	s22 =	simm.s32 $0x1BFF;
	s21 =	sshll.u32 s8, $0x1;
	s5 =	sadd.s32 s6, s19  }
0x9e: {  	s9 =	simm.s32 $0x0;
	s20 =	sshll.u32 s7, $0x1;
	s7 =	sadd.s32 s21, s5  }
0x9f: {  	[timem:s9], [sflag:s22] =	dma.local [hbm:s7], s20  }
0xa0: {  	_ =	swait.ge [sflag:s22], s20  }
0xa1: {  	s6 =	ssub.s32 $0x0, s20;
	[sflag:s22] =	ssyncset.done $0x0  }
0xa2: {  	[sflag:s22] =	ssyncadd.s32 s6;
	_ =	sdelay $0x1  }
0xa3: {  	s23 =	simm.s32 $0x1B8B  }
0xa4: {  	_ =	swait.ge [sflag:s23], $0x1  }
0xa5: {  	[sflag:s23] =	ssyncset.done $0x0  }
0xa6: {  	s25 =	simm.s32 $0x1B8E;
	s24 =	sld [smem:$0x3FFE];
	[sflag:s23] =	ssyncadd.s32 $0xFFFFFFFF  }
0xa7: {  	s26 =	simm.s32 $execute0_lowered;
	[smem:$0x3FD2] =	sst s25  }
0xa8: {  	s7 =	sshll.u32 s26, $0x1;
	_ =	strace $0x80000046;
	[dreg:$0x1] =	wrdreg $0xFFFFFFFF  }
0xa9: {  	s28 =	simm.s32 $_size_execute0_lowered;
	s5 =	sadd.s32 s5, s7;
	[dreg:$0x0] =	wrdreg $0x0  }
0xaa: {  	s7 =	sshll.u32 s28, $0x1;
	[dreg:$0x2] =	wrdreg s5  }
0xab: {  	[dreg:$0x3] =	wrdreg s7  }
0xac: {  	[dreg:$0x4] =	wrdreg $0xC0  }
0xad: {  	_ =	task [dreg:s9], $0x5FFFF  }
0xae: {  	[dreg:$0x1] =	wrdreg $0xFFFFFFFF  }
0xaf: {  	[dreg:$0x0] =	wrdreg $0x60  }
0xb0: {  	[dreg:$0x2] =	wrdreg s2  }
0xb1: {  	[dreg:$0x3] =	wrdreg s18  }
0xb2: {  	[dreg:$0x4] =	wrdreg s24  }
0xb3: {  	[dreg:$0x5] =	wrdreg s4  }
0xb4: {  	[dreg:$0x6] =	wrdreg $0x9  }
0xb5: {  	_ =	task.clear_ibuf [dreg:s9], $0x7FFFF;
	_ =	strace $0x90000046  }
0xb6: {  	s29 =	simm.s32 $0x9;
	_ =	strace $0x80000048  }
0xb7: {  	_ =	swait.ge [sflag:s29], $0x1  }
0xb8: {  	[sflag:s29] =	ssyncadd.s32 $0xFFFFFFFF  }
0xb9: {  	_ =	strace $0x90000048  }
0xba: {  	_ =	sfence  }
0xbb: {  	s30 =	sld [smem:$0x0];
	_ =	sdelay $0x2  }
0xbc: {  	s31 =	sshll.u32 s1, $0xD;
	s1 =	sshrl.u32 s1, $0x2  }
0xbd: {  	s3 =	sand.u32 $0x4000, s31;
	s1 =	sadd.s32 s1, s30  }
0xbe: {  	s0 =	sor.u32 s3, s0;
	s1 =	sshll.u32 s1, $0x11  }
0xbf: {  	s0 =	sor.u32 s1, s0  }
0xc0: {  	s0 =	sadd.s32 $0x8F2B, s0  }
0xc1: {  	[sflag:s0] =	ssyncadd.remote.s32 $0x1  }
0xc2: {  	_ =	sfence.sel $0xFFFF  }
0xc3: {  	[dreg:$0x0] =	wrdreg $0xFFFFFFFF;
	(pc) =	sbr.abs _section_cstart, $3  }
0xc4: {  	[dreg:$0x1] =	wrdreg $0xFFFFFFFF  }
0xc5: {  	_ =	task.clear_ibuf [dreg:s9], $0x2FFFF;
	_ =	strace $0x9FFFFFFF  }
0xc6: {  	(tm) =	ssettm $0x7FFFFFFF  }
0xc7: {  	_ =	shalt  }
tec
execute0_lowered:
.L_overlay_start_1:
0x0: {  	(tag) =	ssettag $0x1  }
0x1: {  	s0 =	rddreg [dreg:$0x2];
	s1 =	srdreg.scid  }
0x2: {  	s3 =	stileid.u32;
	s8 =	rddreg [dreg:$0x3];
	s5 =	simm.s32 $0x0  }
0x3: {  	s28 =	simm.s32 $0x1D700;
	s29 =	simm.s32 $0x1D900;
	s30 =	simm.s32 $0x1DB00  }
0x4: {  	s31 =	simm.s32 $0x1DD00;
	s13 =	simm.s32 $0x1E300;
	s14 =	simm.s32 $0x1E500  }
0x5: {  	s9 =	simm.s32 $0x2;
	[smem:$0x7FF] =	sst s5;
	s19 =	sadd.s32 $0x800, s8  }
0x6: {  	s20 =	sadd.s32 $0x1000, s8;
	_ =	strace $0x80000047;
	[dreg:$0x6] =	wrdreg s19  }
0x7: {  	s10 =	simm.s32 $0x3;
	s21 =	sadd.s32 $0x1800, s8;
	[dreg:$0x7] =	wrdreg s20  }
0x8: {  	s1 =	sand.u32 $0x1, s1;
	s22 =	sadd.s32 $0x2000, s8;
	[dreg:$0x8] =	wrdreg s21  }
0x9: {  	s2 =	sshll.u32 s3, $0x1;
	s23 =	sadd.s32 $0x2800, s8;
	[dreg:$0x9] =	wrdreg s22  }
0xa: {  	s3 =	sshll.u32 s3, $0xC;
	s24 =	sadd.s32 $0x3000, s8;
	[dreg:$0xa] =	wrdreg s23  }
0xb: {  	s2 =	sor.u32 s1, s2;
	s1 =	ssub.s32 $0x2, s1;
	[dreg:$0xb] =	wrdreg s24  }
0xc: {  	s19 =	simm.s32 $0x1C700;
	s20 =	simm.s32 $0x1C900;
	s21 =	simm.s32 $0x1CB00  }
0xd: {  	s22 =	simm.s32 $0x1CD00;
	s23 =	simm.s32 $0x1CF00;
	s24 =	simm.s32 $0x1D100  }
0xe: {  	s4 =	sshll.u32 s2, $0x4;
	s17 =	sshrl.u32 s1, $0x1;
	s18 =	smul.u32 $0xD, s2  }
0xf: {  	p0 =	sgt.u32 s2, $0xC;
	s2 =	simm.s32 $0x0;
	s3 =	sor.u32 s3, s4  }
0x10: {  	s1 =	ssub.s32 s1, s17;
	s3 =	sand.u32 $0xC070, s3;
	[dreg:$0x5] =	wrdreg s18  }
0x11: {  	s26 =	smax.u32 s1, $0x1;
	s0 =	sadd.s32 s3, s0;
	s3 =	sadd.s32 s3, s8  }
0x12: {  	[dreg:$0xe] =	wrdreg s26;
	s26 =	simm.s32 $0x1D500;
	s0 =	sadd.s32 $0x800, s0  }
0x13: {  	s25 =	sadd.s32 $0xD0000, s3;
	s3 =	simm.s32 $0x1DF00;
	[dreg:$0xc] =	wrdreg s0  }
0x14: {  	[dreg:$0xd] =	wrdreg s25;
	s25 =	simm.s32 $0x1D300;
	s0 =	simm.s32 $0x1E100  }
.LBB2_1:
0x15: {  	[dreg:$0xf] =	wrdreg s2;
	s12 =	simm.s32 $0xFFFFFFFF;
	s11 =	simm.s32 $0x0  }
.LBB2_2:
0x16: {  	s1 =	rddreg [dreg:$0x5]  }
0x17: {  	s1 =	sadd.s32 s1, s11  }
0x18: {  	s2 =	smov.u32 s12;
	s12 =	sshrl.u32 s1, $0x4;
	s4 =	sshll.u32 s1, $0x1C  }
0x19: {  	s15 =	smov.u32 s8;
	s6 =	smul.u32 $0x187000, s12;
	s4 =	sshra.s32 s4, $0x1F  }
0x1a: {  	s7 =	sshll.u32 s1, $0x7;
	p1 =	seq.s32 s12, s2;
	s4 =	sand.u32 $0xC3800, s4  }
.Ltmp0:
0x1b: {  	s8 =	sand.u32 $0x380, s7;
	s4 =	sadd.s32 s6, s4;
	(pc) =	sbr.rel @p1 .LBB2_7-.Ltmp0, $4  }
0x1c: {  	s4 =	sor.u32 s8, s4  }
0x1d: {  	s16 =	rddreg [dreg:$0x1];
	s17 =	simm.s32 $0x80;
	s4 =	sshrl.u32 s4, $0x3  }
0x1e: {  	s18 =	simm.s32 $0x400;
	[dreg:$0x10] =	wrdreg s8;
	s4 =	sadd.s32 s16, s4  }
0x1f: {  	[tilespmem:s5], [sflag:$0x1] =	stream.strided.gather [hbm4b:s4+s17], $0x18700, s18, s17, $0x38;
	[tilespmem:$0x1E700] =	vst v63  }
0x20: {  	s4 =	sand.u32 $0x70, s1  }
0x21: {  	s2 =	sand.u32 $0x3FFF8, s12;
	s6 =	rddreg [dreg:$0x0];
	s17 =	simm.s32 $0x0  }
0x22: {  	s16 =	sadd.s32 s6, s4;
	s4 =	simm.s32 $0x18740;
	s6 =	simm.s32 $0x0  }
.LBB2_4:
0x23: {  	s7 =	sadd.s32 s2, s6  }
0x24: {  	s7 =	sshll.u32 s7, $0xB  }
0x25: {  	s7 =	sadd.s32 s7, s16  }
0x26: {  	[tilespmem:s19], [sflag:$0x3] =	stream.linear.gather [hbm4b:s7+s17], $0x80, $0x38;
	[tilespmem:$0x1E700] =	vst v63  }
0x27: {  	s8 =	sadd.s32 $0x80, s7  }
0x28: {  	[tilespmem:s20], [sflag:$0x3] =	stream.linear.gather [hbm4b:s8+s17], $0x80, $0x38;
	[tilespmem:$0x1E700] =	vst v63  }
0x29: {  	s18 =	sadd.s32 $0x100, s7  }
0x2a: {  	[tilespmem:s21], [sflag:$0x3] =	stream.linear.gather [hbm4b:s18+s17], $0x80, $0x38;
	[tilespmem:$0x1E700] =	vst v63  }
0x2b: {  	s18 =	sadd.s32 $0x180, s7  }
0x2c: {  	[tilespmem:s22], [sflag:$0x3] =	stream.linear.gather [hbm4b:s18+s17], $0x80, $0x38;
	[tilespmem:$0x1E700] =	vst v63  }
0x2d: {  	s18 =	sadd.s32 $0x200, s7  }
0x2e: {  	[tilespmem:s23], [sflag:$0x3] =	stream.linear.gather [hbm4b:s18+s17], $0x80, $0x38;
	[tilespmem:$0x1E700] =	vst v63  }
0x2f: {  	s18 =	sadd.s32 $0x280, s7  }
0x30: {  	[tilespmem:s24], [sflag:$0x3] =	stream.linear.gather [hbm4b:s18+s17], $0x80, $0x38;
	[tilespmem:$0x1E700] =	vst v63  }
0x31: {  	s18 =	sadd.s32 $0x300, s7  }
0x32: {  	[tilespmem:s25], [sflag:$0x3] =	stream.linear.gather [hbm4b:s18+s17], $0x80, $0x38;
	[tilespmem:$0x1E700] =	vst v63  }
0x33: {  	s18 =	sadd.s32 $0x380, s7  }
0x34: {  	[tilespmem:s26], [sflag:$0x3] =	stream.linear.gather [hbm4b:s18+s17], $0x80, $0x38;
	[tilespmem:$0x1E700] =	vst v63  }
0x35: {  	s18 =	sadd.s32 $0x400, s7  }
0x36: {  	[tilespmem:s28], [sflag:$0x3] =	stream.linear.gather [hbm4b:s18+s17], $0x80, $0x38;
	[tilespmem:$0x1E700] =	vst v63  }
0x37: {  	s18 =	sadd.s32 $0x480, s7  }
0x38: {  	[tilespmem:s29], [sflag:$0x3] =	stream.linear.gather [hbm4b:s18+s17], $0x80, $0x38;
	[tilespmem:$0x1E700] =	vst v63  }
0x39: {  	s18 =	sadd.s32 $0x500, s7  }
0x3a: {  	[tilespmem:s30], [sflag:$0x3] =	stream.linear.gather [hbm4b:s18+s17], $0x80, $0x38;
	[tilespmem:$0x1E700] =	vst v63  }
0x3b: {  	s18 =	sadd.s32 $0x580, s7  }
0x3c: {  	[tilespmem:s31], [sflag:$0x3] =	stream.linear.gather [hbm4b:s18+s17], $0x80, $0x38;
	[tilespmem:$0x1E700] =	vst v63  }
0x3d: {  	s18 =	sadd.s32 $0x600, s7  }
0x3e: {  	[tilespmem:s3], [sflag:$0x3] =	stream.linear.gather [hbm4b:s18+s17], $0x80, $0x38;
	[tilespmem:$0x1E700] =	vst v63  }
0x3f: {  	s18 =	sadd.s32 $0x680, s7  }
0x40: {  	[tilespmem:s0], [sflag:$0x3] =	stream.linear.gather [hbm4b:s18+s17], $0x80, $0x38;
	[tilespmem:$0x1E700] =	vst v63  }
0x41: {  	s18 =	sadd.s32 $0x700, s7  }
0x42: {  	[tilespmem:s13], [sflag:$0x3] =	stream.linear.gather [hbm4b:s18+s17], $0x80, $0x38;
	[tilespmem:$0x1E700] =	vst v63  }
0x43: {  	s7 =	sadd.s32 $0x780, s7  }
0x44: {  	[tilespmem:s14], [sflag:$0x3] =	stream.linear.gather [hbm4b:s7+s17], $0x80, $0x38;
	[tilespmem:$0x1E700] =	vst v63  }
0x45: {  	_ =	swait.ge [sflag:s10], $0x800  }
0x46: {  	[sflag:s10] =	ssyncset.done $0x0  }
0x47: {  	s7 =	simm.s32 $0x1C740;
	[sflag:s10] =	ssyncadd.s32 $0xFFFFF800  }
0x48: {  	v1 =	vld [tilespmem:s7+$0xFFFFFFC0];
	_ =	sdelay $0x2  }
0x49: {  	v0 =	vmov s4;
	_ =	sdelay $0x1  }
0x4a: {  	v1 =	vtrunc.f32 v1  }
0x4b: {  	v1 =	vcvt.f32.s32 v1  }
0x4c: {  	s8 =	simm.s32 $0x0  }
0x4d: {  	[tilespmem:v0+s8+$0xFFFFFFC0 ss:$0x1] =	vst.idx.msk $0xffff, v1  }
0x4e: {  	v1 =	vld [tilespmem:s7+$0xFFFFFFD0];
	_ =	sdelay $0x4  }
0x4f: {  	v1 =	vtrunc.f32 v1  }
0x50: {  	v1 =	vcvt.f32.s32 v1;
	_ =	sdelay $0x1  }
0x51: {  	[tilespmem:v0+s8+$0xFFFFFFD0 ss:$0x1] =	vst.idx.msk $0xffff, v1  }
0x52: {  	v1 =	vld [tilespmem:s7+$0xFFFFFFE0];
	_ =	sdelay $0x4  }
0x53: {  	v1 =	vtrunc.f32 v1  }
0x54: {  	v1 =	vcvt.f32.s32 v1;
	_ =	sdelay $0x1  }
0x55: {  	[tilespmem:v0+s8+$0xFFFFFFE0 ss:$0x1] =	vst.idx.msk $0xffff, v1  }
0x56: {  	v1 =	vld [tilespmem:s7+$0xFFFFFFF0];
	_ =	sdelay $0x4  }
0x57: {  	v1 =	vtrunc.f32 v1  }
0x58: {  	v1 =	vcvt.f32.s32 v1;
	_ =	sdelay $0x1  }
0x59: {  	[tilespmem:v0+s8+$0xFFFFFFF0 ss:$0x1] =	vst.idx.msk $0xffff, v1  }
0x5a: {  	v1 =	vld [tilespmem:s7+$0x0];
	_ =	sdelay $0x4  }
0x5b: {  	v1 =	vtrunc.f32 v1  }
0x5c: {  	v1 =	vcvt.f32.s32 v1;
	_ =	sdelay $0x1  }
0x5d: {  	[tilespmem:v0+s8+$0x0 ss:$0x1] =	vst.idx.msk $0xffff, v1  }
0x5e: {  	v1 =	vld [tilespmem:s7+$0x10];
	_ =	sdelay $0x4  }
0x5f: {  	v1 =	vtrunc.f32 v1  }
0x60: {  	v1 =	vcvt.f32.s32 v1;
	_ =	sdelay $0x1  }
0x61: {  	[tilespmem:v0+s8+$0x10 ss:$0x1] =	vst.idx.msk $0xffff, v1  }
0x62: {  	v1 =	vld [tilespmem:s7+$0x20];
	_ =	sdelay $0x4  }
0x63: {  	v1 =	vtrunc.f32 v1  }
0x64: {  	v1 =	vcvt.f32.s32 v1;
	_ =	sdelay $0x1  }
0x65: {  	[tilespmem:v0+s8+$0x20 ss:$0x1] =	vst.idx.msk $0xffff, v1  }
0x66: {  	v1 =	vld [tilespmem:s7+$0x30];
	_ =	sdelay $0x4  }
0x67: {  	v1 =	vtrunc.f32 v1  }
0x68: {  	s18 =	simm.s32 $0x200;
	v1 =	vcvt.f32.s32 v1  }
.LBB2_5:
0x69: {  	p1 =	sne.s32 s18, $0x1E00  }
0x6a: {  	s7 =	sadd.s32 $0x200, s7;
	[tilespmem:v0+s8+$0x30 ss:$0x1] =	vst.idx.msk $0xffff, v1;
	s8 =	smov.u32 s18;
	s18 =	sadd.s32 $0x200, s18  }
0x6b: {  	v1 =	vld [tilespmem:s7+$0xFFFFFFC0];
	_ =	sdelay $0x4  }
0x6c: {  	v1 =	vtrunc.f32 v1  }
0x6d: {  	v1 =	vcvt.f32.s32 v1  }
0x6e: {  	s8 =	sshra.s32 s8, $0x2  }
0x6f: {  	[tilespmem:v0+s8+$0xFFFFFFC0 ss:$0x1] =	vst.idx.msk $0xffff, v1  }
0x70: {  	v1 =	vld [tilespmem:s7+$0xFFFFFFD0];
	_ =	sdelay $0x4  }
0x71: {  	v1 =	vtrunc.f32 v1  }
0x72: {  	v1 =	vcvt.f32.s32 v1;
	_ =	sdelay $0x1  }
0x73: {  	[tilespmem:v0+s8+$0xFFFFFFD0 ss:$0x1] =	vst.idx.msk $0xffff, v1  }
0x74: {  	v1 =	vld [tilespmem:s7+$0xFFFFFFE0];
	_ =	sdelay $0x4  }
0x75: {  	v1 =	vtrunc.f32 v1  }
0x76: {  	v1 =	vcvt.f32.s32 v1;
	_ =	sdelay $0x1  }
0x77: {  	[tilespmem:v0+s8+$0xFFFFFFE0 ss:$0x1] =	vst.idx.msk $0xffff, v1  }
0x78: {  	v1 =	vld [tilespmem:s7+$0xFFFFFFF0];
	_ =	sdelay $0x4  }
0x79: {  	v1 =	vtrunc.f32 v1  }
0x7a: {  	v1 =	vcvt.f32.s32 v1;
	_ =	sdelay $0x1  }
0x7b: {  	[tilespmem:v0+s8+$0xFFFFFFF0 ss:$0x1] =	vst.idx.msk $0xffff, v1  }
0x7c: {  	v1 =	vld [tilespmem:s7+$0x0];
	_ =	sdelay $0x4  }
0x7d: {  	v1 =	vtrunc.f32 v1  }
0x7e: {  	v1 =	vcvt.f32.s32 v1;
	_ =	sdelay $0x1  }
0x7f: {  	[tilespmem:v0+s8+$0x0 ss:$0x1] =	vst.idx.msk $0xffff, v1  }
0x80: {  	v1 =	vld [tilespmem:s7+$0x10];
	_ =	sdelay $0x4  }
0x81: {  	v1 =	vtrunc.f32 v1  }
0x82: {  	v1 =	vcvt.f32.s32 v1;
	_ =	sdelay $0x1  }
0x83: {  	[tilespmem:v0+s8+$0x10 ss:$0x1] =	vst.idx.msk $0xffff, v1  }
0x84: {  	v1 =	vld [tilespmem:s7+$0x20];
	_ =	sdelay $0x4  }
0x85: {  	v1 =	vtrunc.f32 v1  }
0x86: {  	v1 =	vcvt.f32.s32 v1;
	_ =	sdelay $0x1  }
0x87: {  	[tilespmem:v0+s8+$0x20 ss:$0x1] =	vst.idx.msk $0xffff, v1  }
0x88: {  	v1 =	vld [tilespmem:s7+$0x30];
	_ =	sdelay $0x1  }
.Ltmp1:
0x89: {  	(pc) =	sbr.rel @p1 .LBB2_5-.Ltmp1, $3  }
0x8a: {  	_ =	sdelay $0x1  }
0x8b: {  	v1 =	vtrunc.f32 v1  }
0x8c: {  	v1 =	vcvt.f32.s32 v1  }
0x8d: {  	s6 =	sadd.s32 $0x1, s6  }
0x8e: {  	p1 =	sne.s32 s6, $0x8  }
.Ltmp2:
0x8f: {  	_ = 	snop;
	(pc) =	sbr.rel @p1 .LBB2_4-.Ltmp2, $2  }
0x90: {  	_ =	sdelay $0x2  }
0x91: {  	s4 =	sadd.s32 $0x800, s4;
	[tilespmem:v0+s8+$0x30 ss:$0x1] =	vst.idx.msk $0xffff, v1  }
.LBB2_7:
0x92: {  	s2 =	simm.s32 $0x1  }
0x93: {  	_ =	swait.ge [sflag:s2], $0x18700  }
0x94: {  	[sflag:s2] =	ssyncset.done $0x0  }
0x95: {  	s4 =	simm.s32 $0x18740;
	[sflag:s2] =	ssyncadd.s32 $0xFFFE7900;
	s2 =	simm.s32 $0x0  }
.LBB2_8:
0x96: {  	v0 =	vld [tilespmem:s4+$0xFFFFFFC0];
	_ =	sdelay $0x7  }
0x97: {  	v0 =	vld.idx.msk [tilespmem:v0+s5+$0x0], $0xffff;
	_ =	sdelay $0x3  }
0x98: {  	s6 =	sshra.s32 s2, $0x2  }
0x99: {  	[tilespmem:s6+$0x1C700] =	vst v0  }
0x9a: {  	v0 =	vld [tilespmem:s4+$0xFFFFFFD0];
	_ =	sdelay $0x7  }
0x9b: {  	v0 =	vld.idx.msk [tilespmem:v0+s5+$0x0], $0xffff;
	_ =	sdelay $0x4  }
0x9c: {  	[tilespmem:s6+$0x1C710] =	vst v0  }
0x9d: {  	v0 =	vld [tilespmem:s4+$0xFFFFFFE0];
	_ =	sdelay $0x7  }
0x9e: {  	v0 =	vld.idx.msk [tilespmem:v0+s5+$0x0], $0xffff;
	_ =	sdelay $0x4  }
0x9f: {  	[tilespmem:s6+$0x1C720] =	vst v0  }
0xa0: {  	v0 =	vld [tilespmem:s4+$0xFFFFFFF0];
	_ =	sdelay $0x7  }
0xa1: {  	v0 =	vld.idx.msk [tilespmem:v0+s5+$0x0], $0xffff;
	_ =	sdelay $0x4  }
0xa2: {  	[tilespmem:s6+$0x1C730] =	vst v0  }
0xa3: {  	v0 =	vld [tilespmem:s4+$0x0];
	_ =	sdelay $0x7  }
0xa4: {  	v0 =	vld.idx.msk [tilespmem:v0+s5+$0x0], $0xffff;
	_ =	sdelay $0x4  }
0xa5: {  	[tilespmem:s6+$0x1C740] =	vst v0  }
0xa6: {  	v0 =	vld [tilespmem:s4+$0x10];
	_ =	sdelay $0x7  }
0xa7: {  	v0 =	vld.idx.msk [tilespmem:v0+s5+$0x0], $0xffff;
	_ =	sdelay $0x4  }
0xa8: {  	[tilespmem:s6+$0x1C750] =	vst v0  }
0xa9: {  	v0 =	vld [tilespmem:s4+$0x20];
	_ =	sdelay $0x7  }
0xaa: {  	v0 =	vld.idx.msk [tilespmem:v0+s5+$0x0], $0xffff;
	_ =	sdelay $0x4  }
0xab: {  	[tilespmem:s6+$0x1C760] =	vst v0  }
0xac: {  	v0 =	vld [tilespmem:s4+$0x30];
	_ =	sdelay $0x7  }
0xad: {  	p1 =	sne.s32 s2, $0x7800;
	v0 =	vld.idx.msk [tilespmem:v0+s5+$0x0], $0xffff  }
.Ltmp3:
0xae: {  	_ = 	snop;
	(pc) =	sbr.rel @p1 .LBB2_8-.Ltmp3, $2  }
0xaf: {  	_ =	sdelay $0x2  }
0xb0: {  	s2 =	sadd.s32 $0x800, s2;
	s4 =	sadd.s32 $0x80, s4;
	[tilespmem:s6+$0x1C770] =	vst v0  }
0xb1: {  	s1 =	sshll.u32 s1, $0xE  }
0xb2: {  	s4 =	rddreg [dreg:$0x10];
	s2 =	sand.u32 $0x7FFE0000, s1  }
0xb3: {  	s2 =	sor.u32 s4, s2  }
0xb4: {  	s2 =	sshrl.u32 s2, $0x3  }
0xb5: {  	s4 =	simm.s32 $0x0;
	s6 =	sadd.s32 s15, s2  }
0xb6: {  	[hbm4b:s6+s4] =	stream.linear.scatter [tilespmem:s19], [sflag:$0x2], $0x80, $0x38;
	[tilespmem:$0x1E700] =	vst v63  }
0xb7: {  	s7 =	sadd.s32 $0x80, s6  }
0xb8: {  	[hbm4b:s7+s4] =	stream.linear.scatter [tilespmem:s20], [sflag:$0x2], $0x80, $0x38;
	[tilespmem:$0x1E700] =	vst v63  }
0xb9: {  	s18 =	sadd.s32 $0x100, s6  }
0xba: {  	[hbm4b:s18+s4] =	stream.linear.scatter [tilespmem:s21], [sflag:$0x2], $0x80, $0x38;
	[tilespmem:$0x1E700] =	vst v63  }
0xbb: {  	s8 =	smov.u32 s15;
	s15 =	sadd.s32 $0x180, s6  }
0xbc: {  	[hbm4b:s15+s4] =	stream.linear.scatter [tilespmem:s22], [sflag:$0x2], $0x80, $0x38;
	[tilespmem:$0x1E700] =	vst v63  }
0xbd: {  	s16 =	sadd.s32 $0x200, s6  }
0xbe: {  	[hbm4b:s16+s4] =	stream.linear.scatter [tilespmem:s23], [sflag:$0x2], $0x80, $0x38;
	[tilespmem:$0x1E700] =	vst v63  }
0xbf: {  	s17 =	sadd.s32 $0x280, s6  }
0xc0: {  	[hbm4b:s17+s4] =	stream.linear.scatter [tilespmem:s24], [sflag:$0x2], $0x80, $0x38;
	[tilespmem:$0x1E700] =	vst v63  }
0xc1: {  	s18 =	sadd.s32 $0x300, s6  }
0xc2: {  	[hbm4b:s18+s4] =	stream.linear.scatter [tilespmem:s25], [sflag:$0x2], $0x80, $0x38;
	[tilespmem:$0x1E700] =	vst v63  }
0xc3: {  	s15 =	sadd.s32 $0x380, s6  }
0xc4: {  	[hbm4b:s15+s4] =	stream.linear.scatter [tilespmem:s26], [sflag:$0x2], $0x80, $0x38;
	[tilespmem:$0x1E700] =	vst v63  }
0xc5: {  	s16 =	sadd.s32 $0x400, s6  }
0xc6: {  	[hbm4b:s16+s4] =	stream.linear.scatter [tilespmem:s28], [sflag:$0x2], $0x80, $0x38;
	[tilespmem:$0x1E700] =	vst v63  }
0xc7: {  	s17 =	sadd.s32 $0x480, s6  }
0xc8: {  	[hbm4b:s17+s4] =	stream.linear.scatter [tilespmem:s29], [sflag:$0x2], $0x80, $0x38;
	[tilespmem:$0x1E700] =	vst v63  }
0xc9: {  	s18 =	sadd.s32 $0x500, s6  }
0xca: {  	[hbm4b:s18+s4] =	stream.linear.scatter [tilespmem:s30], [sflag:$0x2], $0x80, $0x38;
	[tilespmem:$0x1E700] =	vst v63  }
0xcb: {  	s15 =	sadd.s32 $0x580, s6  }
0xcc: {  	[hbm4b:s15+s4] =	stream.linear.scatter [tilespmem:s31], [sflag:$0x2], $0x80, $0x38;
	[tilespmem:$0x1E700] =	vst v63  }
0xcd: {  	s16 =	sadd.s32 $0x600, s6  }
0xce: {  	[hbm4b:s16+s4] =	stream.linear.scatter [tilespmem:s3], [sflag:$0x2], $0x80, $0x38;
	[tilespmem:$0x1E700] =	vst v63  }
0xcf: {  	s17 =	sadd.s32 $0x680, s6  }
0xd0: {  	[hbm4b:s17+s4] =	stream.linear.scatter [tilespmem:s0], [sflag:$0x2], $0x80, $0x38;
	[tilespmem:$0x1E700] =	vst v63  }
0xd1: {  	s18 =	sadd.s32 $0x700, s6  }
0xd2: {  	[hbm4b:s18+s4] =	stream.linear.scatter [tilespmem:s13], [sflag:$0x2], $0x80, $0x38;
	[tilespmem:$0x1E700] =	vst v63  }
0xd3: {  	s6 =	sadd.s32 $0x780, s6;
	s15 =	simm.s32 $0x1CD80  }
0xd4: {  	[hbm4b:s6+s4] =	stream.linear.scatter [tilespmem:s14], [sflag:$0x2], $0x80, $0x38;
	[tilespmem:$0x1E700] =	vst v63  }
0xd5: {  	s16 =	simm.s32 $0x1CB80;
	s17 =	simm.s32 $0x1C980;
	s6 =	simm.s32 $0x1C7F0  }
.LBB2_10:
0xd6: {  	s7 =	sshra.s32 s4, $0x2  }
0xd7: {  	v0 =	vld [tilespmem:s7+$0x18F00];
	_ =	sdelay $0x7  }
0xd8: {  	v0 =	vld.idx.msk [tilespmem:v0+s5+$0x0], $0xffff;
	_ =	sdelay $0x4  }
0xd9: {  	[tilespmem:s6+$0xFFFFFF90] =	vst v0  }
0xda: {  	v0 =	vld [tilespmem:s7+$0x18F10];
	_ =	sdelay $0x7  }
0xdb: {  	v0 =	vld.idx.msk [tilespmem:v0+s5+$0x0], $0xffff;
	_ =	sdelay $0x4  }
0xdc: {  	[tilespmem:s6+$0xFFFFFFA0] =	vst v0  }
0xdd: {  	v0 =	vld [tilespmem:s7+$0x18F20];
	_ =	sdelay $0x7  }
0xde: {  	v0 =	vld.idx.msk [tilespmem:v0+s5+$0x0], $0xffff;
	_ =	sdelay $0x4  }
0xdf: {  	[tilespmem:s6+$0xFFFFFFB0] =	vst v0  }
0xe0: {  	v0 =	vld [tilespmem:s7+$0x18F30];
	_ =	sdelay $0x7  }
0xe1: {  	v0 =	vld.idx.msk [tilespmem:v0+s5+$0x0], $0xffff;
	_ =	sdelay $0x4  }
0xe2: {  	[tilespmem:s6+$0xFFFFFFC0] =	vst v0  }
0xe3: {  	v0 =	vld [tilespmem:s7+$0x18F40];
	_ =	sdelay $0x7  }
0xe4: {  	v0 =	vld.idx.msk [tilespmem:v0+s5+$0x0], $0xffff;
	_ =	sdelay $0x4  }
0xe5: {  	[tilespmem:s6+$0xFFFFFFD0] =	vst v0  }
0xe6: {  	v0 =	vld [tilespmem:s7+$0x18F50];
	_ =	sdelay $0x7  }
0xe7: {  	v0 =	vld.idx.msk [tilespmem:v0+s5+$0x0], $0xffff;
	_ =	sdelay $0x4  }
0xe8: {  	[tilespmem:s6+$0xFFFFFFE0] =	vst v0  }
0xe9: {  	v0 =	vld [tilespmem:s7+$0x18F60];
	_ =	sdelay $0x7  }
0xea: {  	v0 =	vld.idx.msk [tilespmem:v0+s5+$0x0], $0xffff;
	_ =	sdelay $0x4  }
0xeb: {  	[tilespmem:s6+$0xFFFFFFF0] =	vst v0  }
0xec: {  	v0 =	vld [tilespmem:s7+$0x18F70];
	_ =	sdelay $0x7  }
0xed: {  	p1 =	sne.s32 s4, $0x1E00;
	v0 =	vld.idx.msk [tilespmem:v0+s5+$0x0], $0xffff  }
.Ltmp4:
0xee: {  	_ = 	snop;
	(pc) =	sbr.rel @p1 .LBB2_10-.Ltmp4, $2  }
0xef: {  	_ =	sdelay $0x2  }
0xf0: {  	s4 =	sadd.s32 $0x200, s4;
	[tilespmem:s6+$0x0] =	vst v0;
	s6 =	sadd.s32 $0x200, s6  }
0xf1: {  	s4 =	rddreg [dreg:$0x6]  }
0xf2: {  	s7 =	simm.s32 $0x1C780;
	s6 =	sadd.s32 s2, s4;
	s4 =	simm.s32 $0x0  }
0xf3: {  	[hbm4b:s6+s4] =	stream.linear.scatter [tilespmem:s7], [sflag:$0x2], $0x80, $0x38;
	[tilespmem:$0x1E700] =	vst v63  }
0xf4: {  	s18 =	sadd.s32 $0x80, s6  }
0xf5: {  	[hbm4b:s18+s4] =	stream.linear.scatter [tilespmem:s17], [sflag:$0x2], $0x80, $0x38;
	[tilespmem:$0x1E700] =	vst v63  }
0xf6: {  	s17 =	sadd.s32 $0x100, s6  }
0xf7: {  	[hbm4b:s17+s4] =	stream.linear.scatter [tilespmem:s16], [sflag:$0x2], $0x80, $0x38;
	[tilespmem:$0x1E700] =	vst v63  }
0xf8: {  	s18 =	sadd.s32 $0x180, s6  }
0xf9: {  	[hbm4b:s18+s4] =	stream.linear.scatter [tilespmem:s15], [sflag:$0x2], $0x80, $0x38;
	[tilespmem:$0x1E700] =	vst v63  }
0xfa: {  	s16 =	sadd.s32 $0x200, s6;
	s18 =	simm.s32 $0x1CF80  }
0xfb: {  	[hbm4b:s16+s4] =	stream.linear.scatter [tilespmem:s18], [sflag:$0x2], $0x80, $0x38;
	[tilespmem:$0x1E700] =	vst v63  }
0xfc: {  	s17 =	sadd.s32 $0x280, s6;
	s18 =	simm.s32 $0x1D180  }
0xfd: {  	[hbm4b:s17+s4] =	stream.linear.scatter [tilespmem:s18], [sflag:$0x2], $0x80, $0x38;
	[tilespmem:$0x1E700] =	vst v63  }
0xfe: {  	s15 =	sadd.s32 $0x300, s6;
	s16 =	simm.s32 $0x1D380  }
0xff: {  	[hbm4b:s15+s4] =	stream.linear.scatter [tilespmem:s16], [sflag:$0x2], $0x80, $0x38;
	[tilespmem:$0x1E700] =	vst v63  }
0x100: {  	s17 =	simm.s32 $0x1D580;
	s15 =	sadd.s32 $0x380, s6  }
0x101: {  	[hbm4b:s15+s4] =	stream.linear.scatter [tilespmem:s17], [sflag:$0x2], $0x80, $0x38;
	[tilespmem:$0x1E700] =	vst v63  }
0x102: {  	s16 =	sadd.s32 $0x400, s6;
	s15 =	simm.s32 $0x1D780  }
0x103: {  	[hbm4b:s16+s4] =	stream.linear.scatter [tilespmem:s15], [sflag:$0x2], $0x80, $0x38;
	[tilespmem:$0x1E700] =	vst v63  }
0x104: {  	s15 =	sadd.s32 $0x480, s6;
	s16 =	simm.s32 $0x1D980  }
0x105: {  	[hbm4b:s15+s4] =	stream.linear.scatter [tilespmem:s16], [sflag:$0x2], $0x80, $0x38;
	[tilespmem:$0x1E700] =	vst v63  }
0x106: {  	s15 =	sadd.s32 $0x500, s6;
	s16 =	simm.s32 $0x1DB80  }
0x107: {  	[hbm4b:s15+s4] =	stream.linear.scatter [tilespmem:s16], [sflag:$0x2], $0x80, $0x38;
	[tilespmem:$0x1E700] =	vst v63  }
0x108: {  	s15 =	sadd.s32 $0x580, s6;
	s16 =	simm.s32 $0x1DD80  }
0x109: {  	[hbm4b:s15+s4] =	stream.linear.scatter [tilespmem:s16], [sflag:$0x2], $0x80, $0x38;
	[tilespmem:$0x1E700] =	vst v63  }
0x10a: {  	s15 =	sadd.s32 $0x600, s6;
	s16 =	simm.s32 $0x1DF80  }
0x10b: {  	[hbm4b:s15+s4] =	stream.linear.scatter [tilespmem:s16], [sflag:$0x2], $0x80, $0x38;
	[tilespmem:$0x1E700] =	vst v63  }
0x10c: {  	s15 =	sadd.s32 $0x680, s6;
	s16 =	simm.s32 $0x1E180  }
0x10d: {  	[hbm4b:s15+s4] =	stream.linear.scatter [tilespmem:s16], [sflag:$0x2], $0x80, $0x38;
	[tilespmem:$0x1E700] =	vst v63  }
0x10e: {  	s15 =	sadd.s32 $0x700, s6;
	s16 =	simm.s32 $0x1E380  }
0x10f: {  	[hbm4b:s15+s4] =	stream.linear.scatter [tilespmem:s16], [sflag:$0x2], $0x80, $0x38;
	[tilespmem:$0x1E700] =	vst v63  }
0x110: {  	s6 =	sadd.s32 $0x780, s6;
	s16 =	simm.s32 $0x1E580  }
0x111: {  	[hbm4b:s6+s4] =	stream.linear.scatter [tilespmem:s16], [sflag:$0x2], $0x80, $0x38;
	[tilespmem:$0x1E700] =	vst v63  }
0x112: {  	s6 =	simm.s32 $0x1C870  }
.LBB2_12:
0x113: {  	s7 =	sshra.s32 s4, $0x2  }
0x114: {  	v0 =	vld [tilespmem:s7+$0x19700];
	_ =	sdelay $0x7  }
0x115: {  	v0 =	vld.idx.msk [tilespmem:v0+s5+$0x0], $0xffff;
	_ =	sdelay $0x4  }
0x116: {  	[tilespmem:s6+$0xFFFFFF90] =	vst v0  }
0x117: {  	v0 =	vld [tilespmem:s7+$0x19710];
	_ =	sdelay $0x7  }
0x118: {  	v0 =	vld.idx.msk [tilespmem:v0+s5+$0x0], $0xffff;
	_ =	sdelay $0x4  }
0x119: {  	[tilespmem:s6+$0xFFFFFFA0] =	vst v0  }
0x11a: {  	v0 =	vld [tilespmem:s7+$0x19720];
	_ =	sdelay $0x7  }
0x11b: {  	v0 =	vld.idx.msk [tilespmem:v0+s5+$0x0], $0xffff;
	_ =	sdelay $0x4  }
0x11c: {  	[tilespmem:s6+$0xFFFFFFB0] =	vst v0  }
0x11d: {  	v0 =	vld [tilespmem:s7+$0x19730];
	_ =	sdelay $0x7  }
0x11e: {  	v0 =	vld.idx.msk [tilespmem:v0+s5+$0x0], $0xffff;
	_ =	sdelay $0x4  }
0x11f: {  	[tilespmem:s6+$0xFFFFFFC0] =	vst v0  }
0x120: {  	v0 =	vld [tilespmem:s7+$0x19740];
	_ =	sdelay $0x7  }
0x121: {  	v0 =	vld.idx.msk [tilespmem:v0+s5+$0x0], $0xffff;
	_ =	sdelay $0x4  }
0x122: {  	[tilespmem:s6+$0xFFFFFFD0] =	vst v0  }
0x123: {  	v0 =	vld [tilespmem:s7+$0x19750];
	_ =	sdelay $0x7  }
0x124: {  	v0 =	vld.idx.msk [tilespmem:v0+s5+$0x0], $0xffff;
	_ =	sdelay $0x4  }
0x125: {  	[tilespmem:s6+$0xFFFFFFE0] =	vst v0  }
0x126: {  	v0 =	vld [tilespmem:s7+$0x19760];
	_ =	sdelay $0x7  }
0x127: {  	v0 =	vld.idx.msk [tilespmem:v0+s5+$0x0], $0xffff;
	_ =	sdelay $0x4  }
0x128: {  	[tilespmem:s6+$0xFFFFFFF0] =	vst v0  }
0x129: {  	v0 =	vld [tilespmem:s7+$0x19770];
	_ =	sdelay $0x7  }
0x12a: {  	p1 =	sne.s32 s4, $0x1E00;
	v0 =	vld.idx.msk [tilespmem:v0+s5+$0x0], $0xffff  }
.Ltmp5:
0x12b: {  	_ = 	snop;
	(pc) =	sbr.rel @p1 .LBB2_12-.Ltmp5, $2  }
0x12c: {  	_ =	sdelay $0x2  }
0x12d: {  	s4 =	sadd.s32 $0x200, s4;
	[tilespmem:s6+$0x0] =	vst v0;
	s6 =	sadd.s32 $0x200, s6  }
0x12e: {  	s4 =	rddreg [dreg:$0x7]  }
0x12f: {  	s7 =	simm.s32 $0x1C800;
	s6 =	sadd.s32 s2, s4;
	s4 =	simm.s32 $0x0  }
0x130: {  	[hbm4b:s6+s4] =	stream.linear.scatter [tilespmem:s7], [sflag:$0x2], $0x80, $0x38;
	[tilespmem:$0x1E700] =	vst v63  }
0x131: {  	s15 =	simm.s32 $0x1CA00;
	s16 =	sadd.s32 $0x80, s6  }
0x132: {  	[hbm4b:s16+s4] =	stream.linear.scatter [tilespmem:s15], [sflag:$0x2], $0x80, $0x38;
	[tilespmem:$0x1E700] =	vst v63  }
0x133: {  	s15 =	sadd.s32 $0x100, s6;
	s16 =	simm.s32 $0x1CC00  }
0x134: {  	[hbm4b:s15+s4] =	stream.linear.scatter [tilespmem:s16], [sflag:$0x2], $0x80, $0x38;
	[tilespmem:$0x1E700] =	vst v63  }
0x135: {  	s15 =	sadd.s32 $0x180, s6;
	s16 =	simm.s32 $0x1CE00  }
0x136: {  	[hbm4b:s15+s4] =	stream.linear.scatter [tilespmem:s16], [sflag:$0x2], $0x80, $0x38;
	[tilespmem:$0x1E700] =	vst v63  }
0x137: {  	s15 =	sadd.s32 $0x200, s6;
	s16 =	simm.s32 $0x1D000  }
0x138: {  	[hbm4b:s15+s4] =	stream.linear.scatter [tilespmem:s16], [sflag:$0x2], $0x80, $0x38;
	[tilespmem:$0x1E700] =	vst v63  }
0x139: {  	s15 =	sadd.s32 $0x280, s6;
	s16 =	simm.s32 $0x1D200  }
0x13a: {  	[hbm4b:s15+s4] =	stream.linear.scatter [tilespmem:s16], [sflag:$0x2], $0x80, $0x38;
	[tilespmem:$0x1E700] =	vst v63  }
0x13b: {  	s15 =	sadd.s32 $0x300, s6;
	s16 =	simm.s32 $0x1D400  }
0x13c: {  	[hbm4b:s15+s4] =	stream.linear.scatter [tilespmem:s16], [sflag:$0x2], $0x80, $0x38;
	[tilespmem:$0x1E700] =	vst v63  }
0x13d: {  	s15 =	sadd.s32 $0x380, s6;
	s16 =	simm.s32 $0x1D600  }
0x13e: {  	[hbm4b:s15+s4] =	stream.linear.scatter [tilespmem:s16], [sflag:$0x2], $0x80, $0x38;
	[tilespmem:$0x1E700] =	vst v63  }
0x13f: {  	s15 =	sadd.s32 $0x400, s6;
	s16 =	simm.s32 $0x1D800  }
0x140: {  	[hbm4b:s15+s4] =	stream.linear.scatter [tilespmem:s16], [sflag:$0x2], $0x80, $0x38;
	[tilespmem:$0x1E700] =	vst v63  }
0x141: {  	s15 =	sadd.s32 $0x480, s6;
	s16 =	simm.s32 $0x1DA00  }
0x142: {  	[hbm4b:s15+s4] =	stream.linear.scatter [tilespmem:s16], [sflag:$0x2], $0x80, $0x38;
	[tilespmem:$0x1E700] =	vst v63  }
0x143: {  	s15 =	sadd.s32 $0x500, s6;
	s16 =	simm.s32 $0x1DC00  }
0x144: {  	[hbm4b:s15+s4] =	stream.linear.scatter [tilespmem:s16], [sflag:$0x2], $0x80, $0x38;
	[tilespmem:$0x1E700] =	vst v63  }
0x145: {  	s15 =	sadd.s32 $0x580, s6;
	s16 =	simm.s32 $0x1DE00  }
0x146: {  	[hbm4b:s15+s4] =	stream.linear.scatter [tilespmem:s16], [sflag:$0x2], $0x80, $0x38;
	[tilespmem:$0x1E700] =	vst v63  }
0x147: {  	s15 =	sadd.s32 $0x600, s6;
	s16 =	simm.s32 $0x1E000  }
0x148: {  	[hbm4b:s15+s4] =	stream.linear.scatter [tilespmem:s16], [sflag:$0x2], $0x80, $0x38;
	[tilespmem:$0x1E700] =	vst v63  }
0x149: {  	s15 =	sadd.s32 $0x680, s6;
	s16 =	simm.s32 $0x1E200  }
0x14a: {  	[hbm4b:s15+s4] =	stream.linear.scatter [tilespmem:s16], [sflag:$0x2], $0x80, $0x38;
	[tilespmem:$0x1E700] =	vst v63  }
0x14b: {  	s15 =	sadd.s32 $0x700, s6;
	s16 =	simm.s32 $0x1E400  }
0x14c: {  	[hbm4b:s15+s4] =	stream.linear.scatter [tilespmem:s16], [sflag:$0x2], $0x80, $0x38;
	[tilespmem:$0x1E700] =	vst v63  }
0x14d: {  	s6 =	sadd.s32 $0x780, s6;
	s16 =	simm.s32 $0x1E600  }
0x14e: {  	[hbm4b:s6+s4] =	stream.linear.scatter [tilespmem:s16], [sflag:$0x2], $0x80, $0x38;
	[tilespmem:$0x1E700] =	vst v63  }
0x14f: {  	s6 =	simm.s32 $0x1C8F0  }
.LBB2_14:
0x150: {  	s7 =	sshra.s32 s4, $0x2  }
0x151: {  	v0 =	vld [tilespmem:s7+$0x19F00];
	_ =	sdelay $0x7  }
0x152: {  	v0 =	vld.idx.msk [tilespmem:v0+s5+$0x0], $0xffff;
	_ =	sdelay $0x4  }
0x153: {  	[tilespmem:s6+$0xFFFFFF90] =	vst v0  }
0x154: {  	v0 =	vld [tilespmem:s7+$0x19F10];
	_ =	sdelay $0x7  }
0x155: {  	v0 =	vld.idx.msk [tilespmem:v0+s5+$0x0], $0xffff;
	_ =	sdelay $0x4  }
0x156: {  	[tilespmem:s6+$0xFFFFFFA0] =	vst v0  }
0x157: {  	v0 =	vld [tilespmem:s7+$0x19F20];
	_ =	sdelay $0x7  }
0x158: {  	v0 =	vld.idx.msk [tilespmem:v0+s5+$0x0], $0xffff;
	_ =	sdelay $0x4  }
0x159: {  	[tilespmem:s6+$0xFFFFFFB0] =	vst v0  }
0x15a: {  	v0 =	vld [tilespmem:s7+$0x19F30];
	_ =	sdelay $0x7  }
0x15b: {  	v0 =	vld.idx.msk [tilespmem:v0+s5+$0x0], $0xffff;
	_ =	sdelay $0x4  }
0x15c: {  	[tilespmem:s6+$0xFFFFFFC0] =	vst v0  }
0x15d: {  	v0 =	vld [tilespmem:s7+$0x19F40];
	_ =	sdelay $0x7  }
0x15e: {  	v0 =	vld.idx.msk [tilespmem:v0+s5+$0x0], $0xffff;
	_ =	sdelay $0x4  }
0x15f: {  	[tilespmem:s6+$0xFFFFFFD0] =	vst v0  }
0x160: {  	v0 =	vld [tilespmem:s7+$0x19F50];
	_ =	sdelay $0x7  }
0x161: {  	v0 =	vld.idx.msk [tilespmem:v0+s5+$0x0], $0xffff;
	_ =	sdelay $0x4  }
0x162: {  	[tilespmem:s6+$0xFFFFFFE0] =	vst v0  }
0x163: {  	v0 =	vld [tilespmem:s7+$0x19F60];
	_ =	sdelay $0x7  }
0x164: {  	v0 =	vld.idx.msk [tilespmem:v0+s5+$0x0], $0xffff;
	_ =	sdelay $0x4  }
0x165: {  	[tilespmem:s6+$0xFFFFFFF0] =	vst v0  }
0x166: {  	v0 =	vld [tilespmem:s7+$0x19F70];
	_ =	sdelay $0x7  }
0x167: {  	p1 =	sne.s32 s4, $0x1E00;
	v0 =	vld.idx.msk [tilespmem:v0+s5+$0x0], $0xffff  }
.Ltmp6:
0x168: {  	_ = 	snop;
	(pc) =	sbr.rel @p1 .LBB2_14-.Ltmp6, $2  }
0x169: {  	_ =	sdelay $0x2  }
0x16a: {  	s4 =	sadd.s32 $0x200, s4;
	[tilespmem:s6+$0x0] =	vst v0;
	s6 =	sadd.s32 $0x200, s6  }
0x16b: {  	s4 =	rddreg [dreg:$0x8]  }
0x16c: {  	s7 =	simm.s32 $0x1C880;
	s6 =	sadd.s32 s2, s4;
	s4 =	simm.s32 $0x0  }
0x16d: {  	[hbm4b:s6+s4] =	stream.linear.scatter [tilespmem:s7], [sflag:$0x2], $0x80, $0x38;
	[tilespmem:$0x1E700] =	vst v63  }
0x16e: {  	s15 =	simm.s32 $0x1CA80;
	s16 =	sadd.s32 $0x80, s6  }
0x16f: {  	[hbm4b:s16+s4] =	stream.linear.scatter [tilespmem:s15], [sflag:$0x2], $0x80, $0x38;
	[tilespmem:$0x1E700] =	vst v63  }
0x170: {  	s15 =	sadd.s32 $0x100, s6;
	s16 =	simm.s32 $0x1CC80  }
0x171: {  	[hbm4b:s15+s4] =	stream.linear.scatter [tilespmem:s16], [sflag:$0x2], $0x80, $0x38;
	[tilespmem:$0x1E700] =	vst v63  }
0x172: {  	s15 =	sadd.s32 $0x180, s6;
	s16 =	simm.s32 $0x1CE80  }
0x173: {  	[hbm4b:s15+s4] =	stream.linear.scatter [tilespmem:s16], [sflag:$0x2], $0x80, $0x38;
	[tilespmem:$0x1E700] =	vst v63  }
0x174: {  	s15 =	sadd.s32 $0x200, s6;
	s16 =	simm.s32 $0x1D080  }
0x175: {  	[hbm4b:s15+s4] =	stream.linear.scatter [tilespmem:s16], [sflag:$0x2], $0x80, $0x38;
	[tilespmem:$0x1E700] =	vst v63  }
0x176: {  	s15 =	sadd.s32 $0x280, s6;
	s16 =	simm.s32 $0x1D280  }
0x177: {  	[hbm4b:s15+s4] =	stream.linear.scatter [tilespmem:s16], [sflag:$0x2], $0x80, $0x38;
	[tilespmem:$0x1E700] =	vst v63  }
0x178: {  	s15 =	sadd.s32 $0x300, s6;
	s16 =	simm.s32 $0x1D480  }
0x179: {  	[hbm4b:s15+s4] =	stream.linear.scatter [tilespmem:s16], [sflag:$0x2], $0x80, $0x38;
	[tilespmem:$0x1E700] =	vst v63  }
0x17a: {  	s15 =	sadd.s32 $0x380, s6;
	s16 =	simm.s32 $0x1D680  }
0x17b: {  	[hbm4b:s15+s4] =	stream.linear.scatter [tilespmem:s16], [sflag:$0x2], $0x80, $0x38;
	[tilespmem:$0x1E700] =	vst v63  }
0x17c: {  	s15 =	sadd.s32 $0x400, s6;
	s16 =	simm.s32 $0x1D880  }
0x17d: {  	[hbm4b:s15+s4] =	stream.linear.scatter [tilespmem:s16], [sflag:$0x2], $0x80, $0x38;
	[tilespmem:$0x1E700] =	vst v63  }
0x17e: {  	s15 =	sadd.s32 $0x480, s6;
	s16 =	simm.s32 $0x1DA80  }
0x17f: {  	[hbm4b:s15+s4] =	stream.linear.scatter [tilespmem:s16], [sflag:$0x2], $0x80, $0x38;
	[tilespmem:$0x1E700] =	vst v63  }
0x180: {  	s15 =	sadd.s32 $0x500, s6;
	s16 =	simm.s32 $0x1DC80  }
0x181: {  	[hbm4b:s15+s4] =	stream.linear.scatter [tilespmem:s16], [sflag:$0x2], $0x80, $0x38;
	[tilespmem:$0x1E700] =	vst v63  }
0x182: {  	s15 =	sadd.s32 $0x580, s6;
	s16 =	simm.s32 $0x1DE80  }
0x183: {  	[hbm4b:s15+s4] =	stream.linear.scatter [tilespmem:s16], [sflag:$0x2], $0x80, $0x38;
	[tilespmem:$0x1E700] =	vst v63  }
0x184: {  	s15 =	sadd.s32 $0x600, s6;
	s16 =	simm.s32 $0x1E080  }
0x185: {  	[hbm4b:s15+s4] =	stream.linear.scatter [tilespmem:s16], [sflag:$0x2], $0x80, $0x38;
	[tilespmem:$0x1E700] =	vst v63  }
0x186: {  	s15 =	sadd.s32 $0x680, s6;
	s16 =	simm.s32 $0x1E280  }
0x187: {  	[hbm4b:s15+s4] =	stream.linear.scatter [tilespmem:s16], [sflag:$0x2], $0x80, $0x38;
	[tilespmem:$0x1E700] =	vst v63  }
0x188: {  	s15 =	sadd.s32 $0x700, s6;
	s16 =	simm.s32 $0x1E480  }
0x189: {  	[hbm4b:s15+s4] =	stream.linear.scatter [tilespmem:s16], [sflag:$0x2], $0x80, $0x38;
	[tilespmem:$0x1E700] =	vst v63  }
0x18a: {  	s6 =	sadd.s32 $0x780, s6;
	s16 =	simm.s32 $0x1E680  }
0x18b: {  	[hbm4b:s6+s4] =	stream.linear.scatter [tilespmem:s16], [sflag:$0x2], $0x80, $0x38;
	[tilespmem:$0x1E700] =	vst v63  }
0x18c: {  	_ =	swait.ge [sflag:s9], $0x800  }
0x18d: {  	[sflag:s9] =	ssyncset.done $0x0  }
0x18e: {  	s6 =	simm.s32 $0x1C740;
	[sflag:s9] =	ssyncadd.s32 $0xFFFFF800  }
.LBB2_16:
0x18f: {  	s7 =	sshra.s32 s4, $0x2  }
0x190: {  	v0 =	vld [tilespmem:s7+$0x1A700];
	_ =	sdelay $0x7  }
0x191: {  	v0 =	vld.idx.msk [tilespmem:v0+s5+$0x0], $0xffff;
	_ =	sdelay $0x4  }
0x192: {  	[tilespmem:s6+$0xFFFFFFC0] =	vst v0  }
0x193: {  	v0 =	vld [tilespmem:s7+$0x1A710];
	_ =	sdelay $0x7  }
0x194: {  	v0 =	vld.idx.msk [tilespmem:v0+s5+$0x0], $0xffff;
	_ =	sdelay $0x4  }
0x195: {  	[tilespmem:s6+$0xFFFFFFD0] =	vst v0  }
0x196: {  	v0 =	vld [tilespmem:s7+$0x1A720];
	_ =	sdelay $0x7  }
0x197: {  	v0 =	vld.idx.msk [tilespmem:v0+s5+$0x0], $0xffff;
	_ =	sdelay $0x4  }
0x198: {  	[tilespmem:s6+$0xFFFFFFE0] =	vst v0  }
0x199: {  	v0 =	vld [tilespmem:s7+$0x1A730];
	_ =	sdelay $0x7  }
0x19a: {  	v0 =	vld.idx.msk [tilespmem:v0+s5+$0x0], $0xffff;
	_ =	sdelay $0x4  }
0x19b: {  	[tilespmem:s6+$0xFFFFFFF0] =	vst v0  }
0x19c: {  	v0 =	vld [tilespmem:s7+$0x1A740];
	_ =	sdelay $0x7  }
0x19d: {  	v0 =	vld.idx.msk [tilespmem:v0+s5+$0x0], $0xffff;
	_ =	sdelay $0x4  }
0x19e: {  	[tilespmem:s6+$0x0] =	vst v0  }
0x19f: {  	v0 =	vld [tilespmem:s7+$0x1A750];
	_ =	sdelay $0x7  }
0x1a0: {  	v0 =	vld.idx.msk [tilespmem:v0+s5+$0x0], $0xffff;
	_ =	sdelay $0x4  }
0x1a1: {  	[tilespmem:s6+$0x10] =	vst v0  }
0x1a2: {  	v0 =	vld [tilespmem:s7+$0x1A760];
	_ =	sdelay $0x7  }
0x1a3: {  	v0 =	vld.idx.msk [tilespmem:v0+s5+$0x0], $0xffff;
	_ =	sdelay $0x4  }
0x1a4: {  	[tilespmem:s6+$0x20] =	vst v0  }
0x1a5: {  	v0 =	vld [tilespmem:s7+$0x1A770];
	_ =	sdelay $0x7  }
0x1a6: {  	p1 =	sne.s32 s4, $0x1E00;
	v0 =	vld.idx.msk [tilespmem:v0+s5+$0x0], $0xffff  }
.Ltmp7:
0x1a7: {  	_ = 	snop;
	(pc) =	sbr.rel @p1 .LBB2_16-.Ltmp7, $2  }
0x1a8: {  	_ =	sdelay $0x2  }
0x1a9: {  	s4 =	sadd.s32 $0x200, s4;
	[tilespmem:s6+$0x30] =	vst v0;
	s6 =	sadd.s32 $0x200, s6  }
0x1aa: {  	s4 =	rddreg [dreg:$0x9]  }
0x1ab: {  	s6 =	sadd.s32 s2, s4;
	s4 =	simm.s32 $0x0  }
0x1ac: {  	[hbm4b:s6+s4] =	stream.linear.scatter [tilespmem:s19], [sflag:$0x2], $0x80, $0x38;
	[tilespmem:$0x1E700] =	vst v63  }
0x1ad: {  	s7 =	sadd.s32 $0x80, s6  }
0x1ae: {  	[hbm4b:s7+s4] =	stream.linear.scatter [tilespmem:s20], [sflag:$0x2], $0x80, $0x38;
	[tilespmem:$0x1E700] =	vst v63  }
0x1af: {  	s16 =	sadd.s32 $0x100, s6  }
0x1b0: {  	[hbm4b:s16+s4] =	stream.linear.scatter [tilespmem:s21], [sflag:$0x2], $0x80, $0x38;
	[tilespmem:$0x1E700] =	vst v63  }
0x1b1: {  	s15 =	sadd.s32 $0x180, s6  }
0x1b2: {  	[hbm4b:s15+s4] =	stream.linear.scatter [tilespmem:s22], [sflag:$0x2], $0x80, $0x38;
	[tilespmem:$0x1E700] =	vst v63  }
0x1b3: {  	s16 =	sadd.s32 $0x200, s6  }
0x1b4: {  	[hbm4b:s16+s4] =	stream.linear.scatter [tilespmem:s23], [sflag:$0x2], $0x80, $0x38;
	[tilespmem:$0x1E700] =	vst v63  }
0x1b5: {  	s15 =	sadd.s32 $0x280, s6  }
0x1b6: {  	[hbm4b:s15+s4] =	stream.linear.scatter [tilespmem:s24], [sflag:$0x2], $0x80, $0x38;
	[tilespmem:$0x1E700] =	vst v63  }
0x1b7: {  	s16 =	sadd.s32 $0x300, s6  }
0x1b8: {  	[hbm4b:s16+s4] =	stream.linear.scatter [tilespmem:s25], [sflag:$0x2], $0x80, $0x38;
	[tilespmem:$0x1E700] =	vst v63  }
0x1b9: {  	s15 =	sadd.s32 $0x380, s6  }
0x1ba: {  	[hbm4b:s15+s4] =	stream.linear.scatter [tilespmem:s26], [sflag:$0x2], $0x80, $0x38;
	[tilespmem:$0x1E700] =	vst v63  }
0x1bb: {  	s16 =	sadd.s32 $0x400, s6  }
0x1bc: {  	[hbm4b:s16+s4] =	stream.linear.scatter [tilespmem:s28], [sflag:$0x2], $0x80, $0x38;
	[tilespmem:$0x1E700] =	vst v63  }
0x1bd: {  	s15 =	sadd.s32 $0x480, s6  }
0x1be: {  	[hbm4b:s15+s4] =	stream.linear.scatter [tilespmem:s29], [sflag:$0x2], $0x80, $0x38;
	[tilespmem:$0x1E700] =	vst v63  }
0x1bf: {  	s16 =	sadd.s32 $0x500, s6  }
0x1c0: {  	[hbm4b:s16+s4] =	stream.linear.scatter [tilespmem:s30], [sflag:$0x2], $0x80, $0x38;
	[tilespmem:$0x1E700] =	vst v63  }
0x1c1: {  	s15 =	sadd.s32 $0x580, s6  }
0x1c2: {  	[hbm4b:s15+s4] =	stream.linear.scatter [tilespmem:s31], [sflag:$0x2], $0x80, $0x38;
	[tilespmem:$0x1E700] =	vst v63  }
0x1c3: {  	s16 =	sadd.s32 $0x600, s6  }
0x1c4: {  	[hbm4b:s16+s4] =	stream.linear.scatter [tilespmem:s3], [sflag:$0x2], $0x80, $0x38;
	[tilespmem:$0x1E700] =	vst v63  }
0x1c5: {  	s15 =	sadd.s32 $0x680, s6  }
0x1c6: {  	[hbm4b:s15+s4] =	stream.linear.scatter [tilespmem:s0], [sflag:$0x2], $0x80, $0x38;
	[tilespmem:$0x1E700] =	vst v63  }
0x1c7: {  	s16 =	sadd.s32 $0x700, s6  }
0x1c8: {  	[hbm4b:s16+s4] =	stream.linear.scatter [tilespmem:s13], [sflag:$0x2], $0x80, $0x38;
	[tilespmem:$0x1E700] =	vst v63  }
0x1c9: {  	s6 =	sadd.s32 $0x780, s6  }
0x1ca: {  	[hbm4b:s6+s4] =	stream.linear.scatter [tilespmem:s14], [sflag:$0x2], $0x80, $0x38;
	[tilespmem:$0x1E700] =	vst v63  }
0x1cb: {  	_ =	swait.ge [sflag:s9], $0x800  }
0x1cc: {  	[sflag:s9] =	ssyncset.done $0x0  }
0x1cd: {  	s15 =	simm.s32 $0x1CD80;
	s6 =	simm.s32 $0x1C7F0;
	[sflag:s9] =	ssyncadd.s32 $0xFFFFF800  }
.LBB2_18:
0x1ce: {  	s7 =	sshra.s32 s4, $0x2  }
0x1cf: {  	v0 =	vld [tilespmem:s7+$0x1AF00];
	_ =	sdelay $0x7  }
0x1d0: {  	v0 =	vld.idx.msk [tilespmem:v0+s5+$0x0], $0xffff;
	_ =	sdelay $0x4  }
0x1d1: {  	[tilespmem:s6+$0xFFFFFF90] =	vst v0  }
0x1d2: {  	v0 =	vld [tilespmem:s7+$0x1AF10];
	_ =	sdelay $0x7  }
0x1d3: {  	v0 =	vld.idx.msk [tilespmem:v0+s5+$0x0], $0xffff;
	_ =	sdelay $0x4  }
0x1d4: {  	[tilespmem:s6+$0xFFFFFFA0] =	vst v0  }
0x1d5: {  	v0 =	vld [tilespmem:s7+$0x1AF20];
	_ =	sdelay $0x7  }
0x1d6: {  	v0 =	vld.idx.msk [tilespmem:v0+s5+$0x0], $0xffff;
	_ =	sdelay $0x4  }
0x1d7: {  	[tilespmem:s6+$0xFFFFFFB0] =	vst v0  }
0x1d8: {  	v0 =	vld [tilespmem:s7+$0x1AF30];
	_ =	sdelay $0x7  }
0x1d9: {  	v0 =	vld.idx.msk [tilespmem:v0+s5+$0x0], $0xffff;
	_ =	sdelay $0x4  }
0x1da: {  	[tilespmem:s6+$0xFFFFFFC0] =	vst v0  }
0x1db: {  	v0 =	vld [tilespmem:s7+$0x1AF40];
	_ =	sdelay $0x7  }
0x1dc: {  	v0 =	vld.idx.msk [tilespmem:v0+s5+$0x0], $0xffff;
	_ =	sdelay $0x4  }
0x1dd: {  	[tilespmem:s6+$0xFFFFFFD0] =	vst v0  }
0x1de: {  	v0 =	vld [tilespmem:s7+$0x1AF50];
	_ =	sdelay $0x7  }
0x1df: {  	v0 =	vld.idx.msk [tilespmem:v0+s5+$0x0], $0xffff;
	_ =	sdelay $0x4  }
0x1e0: {  	[tilespmem:s6+$0xFFFFFFE0] =	vst v0  }
0x1e1: {  	v0 =	vld [tilespmem:s7+$0x1AF60];
	_ =	sdelay $0x7  }
0x1e2: {  	v0 =	vld.idx.msk [tilespmem:v0+s5+$0x0], $0xffff;
	_ =	sdelay $0x4  }
0x1e3: {  	[tilespmem:s6+$0xFFFFFFF0] =	vst v0  }
0x1e4: {  	v0 =	vld [tilespmem:s7+$0x1AF70];
	_ =	sdelay $0x7  }
0x1e5: {  	p1 =	sne.s32 s4, $0x1E00;
	v0 =	vld.idx.msk [tilespmem:v0+s5+$0x0], $0xffff  }
.Ltmp8:
0x1e6: {  	_ = 	snop;
	(pc) =	sbr.rel @p1 .LBB2_18-.Ltmp8, $2  }
0x1e7: {  	_ =	sdelay $0x2  }
0x1e8: {  	s4 =	sadd.s32 $0x200, s4;
	[tilespmem:s6+$0x0] =	vst v0;
	s6 =	sadd.s32 $0x200, s6  }
0x1e9: {  	s4 =	rddreg [dreg:$0xa]  }
0x1ea: {  	s7 =	simm.s32 $0x1C780;
	s6 =	sadd.s32 s2, s4;
	s4 =	simm.s32 $0x0  }
0x1eb: {  	[hbm4b:s6+s4] =	stream.linear.scatter [tilespmem:s7], [sflag:$0x2], $0x80, $0x38;
	[tilespmem:$0x1E700] =	vst v63  }
0x1ec: {  	s16 =	simm.s32 $0x1C980;
	s7 =	sadd.s32 $0x80, s6  }
0x1ed: {  	[hbm4b:s7+s4] =	stream.linear.scatter [tilespmem:s16], [sflag:$0x2], $0x80, $0x38;
	[tilespmem:$0x1E700] =	vst v63  }
0x1ee: {  	s7 =	sadd.s32 $0x100, s6;
	s16 =	simm.s32 $0x1CB80  }
0x1ef: {  	[hbm4b:s7+s4] =	stream.linear.scatter [tilespmem:s16], [sflag:$0x2], $0x80, $0x38;
	[tilespmem:$0x1E700] =	vst v63  }
0x1f0: {  	s16 =	sadd.s32 $0x180, s6  }
0x1f1: {  	[hbm4b:s16+s4] =	stream.linear.scatter [tilespmem:s15], [sflag:$0x2], $0x80, $0x38;
	[tilespmem:$0x1E700] =	vst v63  }
0x1f2: {  	s15 =	sadd.s32 $0x200, s6;
	s16 =	simm.s32 $0x1CF80  }
0x1f3: {  	[hbm4b:s15+s4] =	stream.linear.scatter [tilespmem:s16], [sflag:$0x2], $0x80, $0x38;
	[tilespmem:$0x1E700] =	vst v63  }
0x1f4: {  	s16 =	sadd.s32 $0x280, s6  }
0x1f5: {  	[hbm4b:s16+s4] =	stream.linear.scatter [tilespmem:s18], [sflag:$0x2], $0x80, $0x38;
	[tilespmem:$0x1E700] =	vst v63  }
0x1f6: {  	s15 =	sadd.s32 $0x300, s6;
	s16 =	simm.s32 $0x1D380  }
0x1f7: {  	[hbm4b:s15+s4] =	stream.linear.scatter [tilespmem:s16], [sflag:$0x2], $0x80, $0x38;
	[tilespmem:$0x1E700] =	vst v63  }
0x1f8: {  	s18 =	sadd.s32 $0x380, s6  }
0x1f9: {  	[hbm4b:s18+s4] =	stream.linear.scatter [tilespmem:s17], [sflag:$0x2], $0x80, $0x38;
	[tilespmem:$0x1E700] =	vst v63  }
0x1fa: {  	s15 =	sadd.s32 $0x400, s6;
	s16 =	simm.s32 $0x1D780  }
0x1fb: {  	[hbm4b:s15+s4] =	stream.linear.scatter [tilespmem:s16], [sflag:$0x2], $0x80, $0x38;
	[tilespmem:$0x1E700] =	vst v63  }
0x1fc: {  	s17 =	sadd.s32 $0x480, s6;
	s18 =	simm.s32 $0x1D980  }
0x1fd: {  	[hbm4b:s17+s4] =	stream.linear.scatter [tilespmem:s18], [sflag:$0x2], $0x80, $0x38;
	[tilespmem:$0x1E700] =	vst v63  }
0x1fe: {  	s15 =	sadd.s32 $0x500, s6;
	s16 =	simm.s32 $0x1DB80  }
0x1ff: {  	[hbm4b:s15+s4] =	stream.linear.scatter [tilespmem:s16], [sflag:$0x2], $0x80, $0x38;
	[tilespmem:$0x1E700] =	vst v63  }
0x200: {  	s17 =	sadd.s32 $0x580, s6;
	s18 =	simm.s32 $0x1DD80  }
0x201: {  	[hbm4b:s17+s4] =	stream.linear.scatter [tilespmem:s18], [sflag:$0x2], $0x80, $0x38;
	[tilespmem:$0x1E700] =	vst v63  }
0x202: {  	s15 =	sadd.s32 $0x600, s6;
	s16 =	simm.s32 $0x1DF80  }
0x203: {  	[hbm4b:s15+s4] =	stream.linear.scatter [tilespmem:s16], [sflag:$0x2], $0x80, $0x38;
	[tilespmem:$0x1E700] =	vst v63  }
0x204: {  	s17 =	sadd.s32 $0x680, s6;
	s18 =	simm.s32 $0x1E180  }
0x205: {  	[hbm4b:s17+s4] =	stream.linear.scatter [tilespmem:s18], [sflag:$0x2], $0x80, $0x38;
	[tilespmem:$0x1E700] =	vst v63  }
0x206: {  	s16 =	sadd.s32 $0x700, s6;
	s17 =	simm.s32 $0x1E380  }
0x207: {  	[hbm4b:s16+s4] =	stream.linear.scatter [tilespmem:s17], [sflag:$0x2], $0x80, $0x38;
	[tilespmem:$0x1E700] =	vst v63  }
0x208: {  	s6 =	sadd.s32 $0x780, s6;
	s18 =	simm.s32 $0x1E580  }
0x209: {  	[hbm4b:s6+s4] =	stream.linear.scatter [tilespmem:s18], [sflag:$0x2], $0x80, $0x38;
	[tilespmem:$0x1E700] =	vst v63  }
0x20a: {  	_ =	swait.ge [sflag:s9], $0x800  }
0x20b: {  	[sflag:s9] =	ssyncset.done $0x0  }
0x20c: {  	s6 =	simm.s32 $0x1C870;
	[sflag:s9] =	ssyncadd.s32 $0xFFFFF800  }
.LBB2_20:
0x20d: {  	s7 =	sshra.s32 s4, $0x2  }
0x20e: {  	v0 =	vld [tilespmem:s7+$0x1B700];
	_ =	sdelay $0x7  }
0x20f: {  	v0 =	vld.idx.msk [tilespmem:v0+s5+$0x0], $0xffff;
	_ =	sdelay $0x4  }
0x210: {  	[tilespmem:s6+$0xFFFFFF90] =	vst v0  }
0x211: {  	v0 =	vld [tilespmem:s7+$0x1B710];
	_ =	sdelay $0x7  }
0x212: {  	v0 =	vld.idx.msk [tilespmem:v0+s5+$0x0], $0xffff;
	_ =	sdelay $0x4  }
0x213: {  	[tilespmem:s6+$0xFFFFFFA0] =	vst v0  }
0x214: {  	v0 =	vld [tilespmem:s7+$0x1B720];
	_ =	sdelay $0x7  }
0x215: {  	v0 =	vld.idx.msk [tilespmem:v0+s5+$0x0], $0xffff;
	_ =	sdelay $0x4  }
0x216: {  	[tilespmem:s6+$0xFFFFFFB0] =	vst v0  }
0x217: {  	v0 =	vld [tilespmem:s7+$0x1B730];
	_ =	sdelay $0x7  }
0x218: {  	v0 =	vld.idx.msk [tilespmem:v0+s5+$0x0], $0xffff;
	_ =	sdelay $0x4  }
0x219: {  	[tilespmem:s6+$0xFFFFFFC0] =	vst v0  }
0x21a: {  	v0 =	vld [tilespmem:s7+$0x1B740];
	_ =	sdelay $0x7  }
0x21b: {  	v0 =	vld.idx.msk [tilespmem:v0+s5+$0x0], $0xffff;
	_ =	sdelay $0x4  }
0x21c: {  	[tilespmem:s6+$0xFFFFFFD0] =	vst v0  }
0x21d: {  	v0 =	vld [tilespmem:s7+$0x1B750];
	_ =	sdelay $0x7  }
0x21e: {  	v0 =	vld.idx.msk [tilespmem:v0+s5+$0x0], $0xffff;
	_ =	sdelay $0x4  }
0x21f: {  	[tilespmem:s6+$0xFFFFFFE0] =	vst v0  }
0x220: {  	v0 =	vld [tilespmem:s7+$0x1B760];
	_ =	sdelay $0x7  }
0x221: {  	v0 =	vld.idx.msk [tilespmem:v0+s5+$0x0], $0xffff;
	_ =	sdelay $0x4  }
0x222: {  	[tilespmem:s6+$0xFFFFFFF0] =	vst v0  }
0x223: {  	v0 =	vld [tilespmem:s7+$0x1B770];
	_ =	sdelay $0x7  }
0x224: {  	p1 =	sne.s32 s4, $0x1E00;
	v0 =	vld.idx.msk [tilespmem:v0+s5+$0x0], $0xffff  }
.Ltmp9:
0x225: {  	_ = 	snop;
	(pc) =	sbr.rel @p1 .LBB2_20-.Ltmp9, $2  }
0x226: {  	_ =	sdelay $0x2  }
0x227: {  	s4 =	sadd.s32 $0x200, s4;
	[tilespmem:s6+$0x0] =	vst v0;
	s6 =	sadd.s32 $0x200, s6  }
0x228: {  	s4 =	rddreg [dreg:$0xb]  }
0x229: {  	s6 =	simm.s32 $0x1C800;
	s4 =	sadd.s32 s2, s4;
	s2 =	simm.s32 $0x0  }
0x22a: {  	[hbm4b:s4+s2] =	stream.linear.scatter [tilespmem:s6], [sflag:$0x2], $0x80, $0x38;
	[tilespmem:$0x1E700] =	vst v63  }
0x22b: {  	s7 =	simm.s32 $0x1CA00;
	s16 =	sadd.s32 $0x80, s4  }
0x22c: {  	[hbm4b:s16+s2] =	stream.linear.scatter [tilespmem:s7], [sflag:$0x2], $0x80, $0x38;
	[tilespmem:$0x1E700] =	vst v63  }
0x22d: {  	s18 =	simm.s32 $0x1CC00;
	s17 =	sadd.s32 $0x100, s4  }
0x22e: {  	[hbm4b:s17+s2] =	stream.linear.scatter [tilespmem:s18], [sflag:$0x2], $0x80, $0x38;
	[tilespmem:$0x1E700] =	vst v63  }
0x22f: {  	s15 =	sadd.s32 $0x180, s4;
	s16 =	simm.s32 $0x1CE00  }
0x230: {  	[hbm4b:s15+s2] =	stream.linear.scatter [tilespmem:s16], [sflag:$0x2], $0x80, $0x38;
	[tilespmem:$0x1E700] =	vst v63  }
0x231: {  	s17 =	sadd.s32 $0x200, s4;
	s18 =	simm.s32 $0x1D000  }
0x232: {  	[hbm4b:s17+s2] =	stream.linear.scatter [tilespmem:s18], [sflag:$0x2], $0x80, $0x38;
	[tilespmem:$0x1E700] =	vst v63  }
0x233: {  	s15 =	sadd.s32 $0x280, s4;
	s16 =	simm.s32 $0x1D200  }
0x234: {  	[hbm4b:s15+s2] =	stream.linear.scatter [tilespmem:s16], [sflag:$0x2], $0x80, $0x38;
	[tilespmem:$0x1E700] =	vst v63  }
0x235: {  	s17 =	sadd.s32 $0x300, s4;
	s18 =	simm.s32 $0x1D400  }
0x236: {  	[hbm4b:s17+s2] =	stream.linear.scatter [tilespmem:s18], [sflag:$0x2], $0x80, $0x38;
	[tilespmem:$0x1E700] =	vst v63  }
0x237: {  	s15 =	sadd.s32 $0x380, s4;
	s16 =	simm.s32 $0x1D600  }
0x238: {  	[hbm4b:s15+s2] =	stream.linear.scatter [tilespmem:s16], [sflag:$0x2], $0x80, $0x38;
	[tilespmem:$0x1E700] =	vst v63  }
0x239: {  	s17 =	sadd.s32 $0x400, s4;
	s18 =	simm.s32 $0x1D800  }
0x23a: {  	[hbm4b:s17+s2] =	stream.linear.scatter [tilespmem:s18], [sflag:$0x2], $0x80, $0x38;
	[tilespmem:$0x1E700] =	vst v63  }
0x23b: {  	s15 =	sadd.s32 $0x480, s4;
	s16 =	simm.s32 $0x1DA00  }
0x23c: {  	[hbm4b:s15+s2] =	stream.linear.scatter [tilespmem:s16], [sflag:$0x2], $0x80, $0x38;
	[tilespmem:$0x1E700] =	vst v63  }
0x23d: {  	s17 =	sadd.s32 $0x500, s4;
	s18 =	simm.s32 $0x1DC00  }
0x23e: {  	[hbm4b:s17+s2] =	stream.linear.scatter [tilespmem:s18], [sflag:$0x2], $0x80, $0x38;
	[tilespmem:$0x1E700] =	vst v63  }
0x23f: {  	s15 =	sadd.s32 $0x580, s4;
	s16 =	simm.s32 $0x1DE00  }
0x240: {  	[hbm4b:s15+s2] =	stream.linear.scatter [tilespmem:s16], [sflag:$0x2], $0x80, $0x38;
	[tilespmem:$0x1E700] =	vst v63  }
0x241: {  	s17 =	sadd.s32 $0x600, s4;
	s18 =	simm.s32 $0x1E000  }
0x242: {  	[hbm4b:s17+s2] =	stream.linear.scatter [tilespmem:s18], [sflag:$0x2], $0x80, $0x38;
	[tilespmem:$0x1E700] =	vst v63  }
0x243: {  	s7 =	sadd.s32 $0x680, s4;
	s15 =	simm.s32 $0x1E200  }
0x244: {  	[hbm4b:s7+s2] =	stream.linear.scatter [tilespmem:s15], [sflag:$0x2], $0x80, $0x38;
	[tilespmem:$0x1E700] =	vst v63  }
0x245: {  	s16 =	sadd.s32 $0x700, s4;
	s17 =	simm.s32 $0x1E400  }
0x246: {  	[hbm4b:s16+s2] =	stream.linear.scatter [tilespmem:s17], [sflag:$0x2], $0x80, $0x38;
	[tilespmem:$0x1E700] =	vst v63  }
0x247: {  	s4 =	sadd.s32 $0x780, s4;
	s18 =	simm.s32 $0x1E600  }
0x248: {  	[hbm4b:s4+s2] =	stream.linear.scatter [tilespmem:s18], [sflag:$0x2], $0x80, $0x38;
	[tilespmem:$0x1E700] =	vst v63  }
0x249: {  	_ =	swait.ge [sflag:s9], $0x800  }
0x24a: {  	[sflag:s9] =	ssyncset.done $0x0  }
0x24b: {  	s4 =	simm.s32 $0x1C8F0;
	[sflag:s9] =	ssyncadd.s32 $0xFFFFF800  }
.LBB2_22:
0x24c: {  	s6 =	sshra.s32 s2, $0x2  }
0x24d: {  	v0 =	vld [tilespmem:s6+$0x1BF00];
	_ =	sdelay $0x7  }
0x24e: {  	v0 =	vld.idx.msk [tilespmem:v0+s5+$0x0], $0xffff;
	_ =	sdelay $0x4  }
0x24f: {  	[tilespmem:s4+$0xFFFFFF90] =	vst v0  }
0x250: {  	v0 =	vld [tilespmem:s6+$0x1BF10];
	_ =	sdelay $0x7  }
0x251: {  	v0 =	vld.idx.msk [tilespmem:v0+s5+$0x0], $0xffff;
	_ =	sdelay $0x4  }
0x252: {  	[tilespmem:s4+$0xFFFFFFA0] =	vst v0  }
0x253: {  	v0 =	vld [tilespmem:s6+$0x1BF20];
	_ =	sdelay $0x7  }
0x254: {  	v0 =	vld.idx.msk [tilespmem:v0+s5+$0x0], $0xffff;
	_ =	sdelay $0x4  }
0x255: {  	[tilespmem:s4+$0xFFFFFFB0] =	vst v0  }
0x256: {  	v0 =	vld [tilespmem:s6+$0x1BF30];
	_ =	sdelay $0x7  }
0x257: {  	v0 =	vld.idx.msk [tilespmem:v0+s5+$0x0], $0xffff;
	_ =	sdelay $0x4  }
0x258: {  	[tilespmem:s4+$0xFFFFFFC0] =	vst v0  }
0x259: {  	v0 =	vld [tilespmem:s6+$0x1BF40];
	_ =	sdelay $0x7  }
0x25a: {  	v0 =	vld.idx.msk [tilespmem:v0+s5+$0x0], $0xffff;
	_ =	sdelay $0x4  }
0x25b: {  	[tilespmem:s4+$0xFFFFFFD0] =	vst v0  }
0x25c: {  	v0 =	vld [tilespmem:s6+$0x1BF50];
	_ =	sdelay $0x7  }
0x25d: {  	v0 =	vld.idx.msk [tilespmem:v0+s5+$0x0], $0xffff;
	_ =	sdelay $0x4  }
0x25e: {  	[tilespmem:s4+$0xFFFFFFE0] =	vst v0  }
0x25f: {  	v0 =	vld [tilespmem:s6+$0x1BF60];
	_ =	sdelay $0x7  }
0x260: {  	v0 =	vld.idx.msk [tilespmem:v0+s5+$0x0], $0xffff;
	_ =	sdelay $0x4  }
0x261: {  	[tilespmem:s4+$0xFFFFFFF0] =	vst v0  }
0x262: {  	v0 =	vld [tilespmem:s6+$0x1BF70];
	_ =	sdelay $0x7  }
0x263: {  	p1 =	sne.s32 s2, $0x1E00;
	v0 =	vld.idx.msk [tilespmem:v0+s5+$0x0], $0xffff  }
.Ltmp10:
0x264: {  	_ = 	snop;
	(pc) =	sbr.rel @p1 .LBB2_22-.Ltmp10, $2  }
0x265: {  	_ =	sdelay $0x2  }
0x266: {  	s2 =	sadd.s32 $0x200, s2;
	[tilespmem:s4+$0x0] =	vst v0;
	s4 =	sadd.s32 $0x200, s4  }
0x267: {  	s2 =	rddreg [dreg:$0x10]  }
0x268: {  	s1 =	sor.u32 s1, s2  }
0x269: {  	s1 =	sshrl.u32 s1, $0x3  }
0x26a: {  	s1 =	sor.u32 $0x3800, s1  }
0x26b: {  	s15 =	simm.s32 $0x1C880;
	s1 =	sadd.s32 s8, s1  }
0x26c: {  	[hbm4b:s1+s5] =	stream.linear.scatter [tilespmem:s15], [sflag:$0x2], $0x80, $0x38;
	[tilespmem:$0x1E700] =	vst v63  }
0x26d: {  	s4 =	simm.s32 $0x1CA80;
	s16 =	sadd.s32 $0x80, s1  }
0x26e: {  	[hbm4b:s16+s5] =	stream.linear.scatter [tilespmem:s4], [sflag:$0x2], $0x80, $0x38;
	[tilespmem:$0x1E700] =	vst v63  }
0x26f: {  	s18 =	simm.s32 $0x1CC80;
	s17 =	sadd.s32 $0x100, s1  }
0x270: {  	[hbm4b:s17+s5] =	stream.linear.scatter [tilespmem:s18], [sflag:$0x2], $0x80, $0x38;
	[tilespmem:$0x1E700] =	vst v63  }
0x271: {  	s7 =	simm.s32 $0x1CE80;
	s6 =	sadd.s32 $0x180, s1  }
0x272: {  	[hbm4b:s6+s5] =	stream.linear.scatter [tilespmem:s7], [sflag:$0x2], $0x80, $0x38;
	[tilespmem:$0x1E700] =	vst v63  }
0x273: {  	s15 =	sadd.s32 $0x200, s1;
	s16 =	simm.s32 $0x1D080  }
0x274: {  	[hbm4b:s15+s5] =	stream.linear.scatter [tilespmem:s16], [sflag:$0x2], $0x80, $0x38;
	[tilespmem:$0x1E700] =	vst v63  }
0x275: {  	s17 =	sadd.s32 $0x280, s1;
	s18 =	simm.s32 $0x1D280  }
0x276: {  	[hbm4b:s17+s5] =	stream.linear.scatter [tilespmem:s18], [sflag:$0x2], $0x80, $0x38;
	[tilespmem:$0x1E700] =	vst v63  }
0x277: {  	s6 =	sadd.s32 $0x300, s1;
	s7 =	simm.s32 $0x1D480  }
0x278: {  	[hbm4b:s6+s5] =	stream.linear.scatter [tilespmem:s7], [sflag:$0x2], $0x80, $0x38;
	[tilespmem:$0x1E700] =	vst v63  }
0x279: {  	s15 =	sadd.s32 $0x380, s1;
	s16 =	simm.s32 $0x1D680  }
0x27a: {  	[hbm4b:s15+s5] =	stream.linear.scatter [tilespmem:s16], [sflag:$0x2], $0x80, $0x38;
	[tilespmem:$0x1E700] =	vst v63  }
0x27b: {  	s17 =	sadd.s32 $0x400, s1;
	s18 =	simm.s32 $0x1D880  }
0x27c: {  	[hbm4b:s17+s5] =	stream.linear.scatter [tilespmem:s18], [sflag:$0x2], $0x80, $0x38;
	[tilespmem:$0x1E700] =	vst v63  }
0x27d: {  	s6 =	sadd.s32 $0x480, s1;
	s7 =	simm.s32 $0x1DA80  }
0x27e: {  	[hbm4b:s6+s5] =	stream.linear.scatter [tilespmem:s7], [sflag:$0x2], $0x80, $0x38;
	[tilespmem:$0x1E700] =	vst v63  }
0x27f: {  	s15 =	sadd.s32 $0x500, s1;
	s16 =	simm.s32 $0x1DC80  }
0x280: {  	[hbm4b:s15+s5] =	stream.linear.scatter [tilespmem:s16], [sflag:$0x2], $0x80, $0x38;
	[tilespmem:$0x1E700] =	vst v63  }
0x281: {  	s17 =	sadd.s32 $0x580, s1;
	s18 =	simm.s32 $0x1DE80  }
0x282: {  	[hbm4b:s17+s5] =	stream.linear.scatter [tilespmem:s18], [sflag:$0x2], $0x80, $0x38;
	[tilespmem:$0x1E700] =	vst v63  }
0x283: {  	s4 =	sadd.s32 $0x600, s1;
	s6 =	simm.s32 $0x1E080  }
0x284: {  	[hbm4b:s4+s5] =	stream.linear.scatter [tilespmem:s6], [sflag:$0x2], $0x80, $0x38;
	[tilespmem:$0x1E700] =	vst v63  }
0x285: {  	s7 =	sadd.s32 $0x680, s1;
	s15 =	simm.s32 $0x1E280  }
0x286: {  	[hbm4b:s7+s5] =	stream.linear.scatter [tilespmem:s15], [sflag:$0x2], $0x80, $0x38;
	[tilespmem:$0x1E700] =	vst v63  }
0x287: {  	s16 =	sadd.s32 $0x700, s1;
	s17 =	simm.s32 $0x1E480  }
0x288: {  	[hbm4b:s16+s5] =	stream.linear.scatter [tilespmem:s17], [sflag:$0x2], $0x80, $0x38;
	[tilespmem:$0x1E700] =	vst v63  }
0x289: {  	s1 =	sadd.s32 $0x780, s1;
	s18 =	simm.s32 $0x1E680  }
0x28a: {  	[hbm4b:s1+s5] =	stream.linear.scatter [tilespmem:s18], [sflag:$0x2], $0x80, $0x38;
	[tilespmem:$0x1E700] =	vst v63  }
0x28b: {  	_ =	swait.ge [sflag:s9], $0x800  }
0x28c: {  	[sflag:s9] =	ssyncset.done $0x0  }
0x28d: {  	[sflag:s9] =	ssyncadd.s32 $0xFFFFF800  }
0x28e: {  	_ =	swait.ge [sflag:s9], $0x800  }
0x28f: {  	[sflag:s9] =	ssyncset.done $0x0  }
0x290: {  	s11 =	sadd.s32 $0x1, s11;
	[sflag:s9] =	ssyncadd.s32 $0xFFFFF800  }
0x291: {  	p1 =	sne.s32 s11, $0xD;
	_ =	swait.ge [sflag:s9], $0x800  }
.Ltmp11:
0x292: {  	[sflag:s9] =	ssyncset.done $0x0;
	(pc) =	sbr.rel @p1 .LBB2_2-.Ltmp11, $4  }
0x293: {  	[sflag:s9] =	ssyncadd.s32 $0xFFFFF800  }
0x294: {  	_ =	swait.ge [sflag:s9], $0x800  }
0x295: {  	[sflag:s9] =	ssyncset.done $0x0  }
0x296: {  	[sflag:s9] =	ssyncadd.s32 $0xFFFFF800  }
0x297: {  	s1 =	simm.s32 @!p0 $0x80  }
0x298: {  	s2 =	simm.s32 @!p0 $0x400;
	s4 =	simm.s32 @!p0 $0x0;
	s6 =	rddreg [dreg:$0xc]  }
0x299: {  	[tilespmem:s4], [sflag:$0x3] =	stream.strided.gather @!p0 [hbm4b:s6+s1], $0x4000, s2, s1, $0x38;
	[tilespmem:$0x1E700] =	vst v63  }
0x29a: {  	s6 =	simm.s32 @!p0 $0x3  }
0x29b: {  	_ =	swait.ge @!p0 [sflag:s6], $0x4000  }
0x29c: {  	[sflag:s6] =	ssyncset.done @!p0 $0x0  }
0x29d: {  	s7 =	rddreg [dreg:$0xd];
	[sflag:s6] =	ssyncadd.s32 @!p0 $0xFFFFC000  }
0x29e: {  	[hbm4b:s7+s1] =	stream.strided.scatter @!p0 [tilespmem:s4], [sflag:$0x3], $0x4000, s2, s1, $0x38;
	[tilespmem:$0x1E700] =	vst v63  }
0x29f: {  	_ =	swait.ge @!p0 [sflag:s6], $0x4000  }
0x2a0: {  	s17 =	rddreg [dreg:$0xf]  }
0x2a1: {  	s18 =	rddreg [dreg:$0xe];
	s2 =	sadd.s32 $0x1, s17  }
0x2a2: {  	p1 =	sne.s32 s2, s18  }
.Ltmp12:
0x2a3: {  	_ = 	snop;
	(pc) =	sbr.rel @p1 .LBB2_1-.Ltmp12, $3  }
0x2a4: {  	_ =	sdelay $0x1  }
0x2a5: {  	[sflag:s6] =	ssyncset.done @!p0 $0x0  }
0x2a6: {  	[sflag:s6] =	ssyncadd.s32 @!p0 $0xFFFFC000  }
0x2a7: {  	_ =	sfence.sel $0x180000  }
0x2a8: {  	[bflag:$0x0] =	sbarrier.arrive $0xFFFF  }
0x2a9: {  	_ =	strace $0x90000047  }
0x2aa: {  	s0 =	stileid.u32;
	[bflag:$0x2] =	sbarrier.arrive $0xFFFF  }
0x2ab: {  	p0 =	sne.s32 s0, $0x0;
	s0 =	rddreg [dreg:$0x4]  }
0x2ac: {  	s0 =	sadd.s32 @!p0 $0x100000, s0  }
0x2ad: {  	[sflag:s0] =	ssyncadd.tile.s32 @!p0 $0x1;
	_ =	shalt  }
.Lfunc_end2:
_tile_overlayer_lowered:
.L_overlay_start_2:
0x2ae: {  	(tag) =	ssettag $0x2  }
0x2af: {  	s0 =	rddreg [dreg:$0x0];
	s2 =	stileid.u32  }
0x2b0: {  	s1 =	rddreg [dreg:$0x1];
	p0 =	sne.s32 s2, $0x0  }
0x2b1: {  	s3 =	rddreg [dreg:$0x2];
	[bflag:$0x3] =	sbarrier.arrive $0xFFFF;
	s2 =	simm.s32 @!p0 $0x1C03  }
0x2b2: {  	[timem:s3], [sflag:s2] =	dma.local @!p0 [hbm:s0], s1  }
0x2b3: {  	s0 =	simm.s32 @!p0 $0x3  }
0x2b4: {  	_ =	swait.ge @!p0 [sflag:s0], s1  }
0x2b5: {  	s1 =	ssub.s32 @!p0 $0x0, s1;
	[sflag:s0] =	ssyncset.done @!p0 $0x0  }
0x2b6: {  	[sflag:s0] =	ssyncadd.s32 @!p0 s1  }
0x2b7: {  	[bflag:$0x3] =	sbarrier.arrive $0xFFFF  }
0x2b8: {  	_ =	shalt  }

</sc_bundles>
